<compile_context>
chip_gen: v7x
topology: tpu7x:2x2x1
jax: 0.10.2.dev20260603
libtpu: 0.0.44.dev20260713+nightly
codegen_flags: <defaults>
</compile_context>

<pallas_src>
import functools

import jax
import jax.numpy as jnp
from jax import lax
from jax.experimental import pallas as pl
from jax.experimental.pallas import tpu as pltpu
from jax.experimental.pallas import tpu_sc as plsc

D_MODEL = 1024
NUM_ROWS = 4
NUM_CORES = 2
NUM_SUBCORES = 16
NUM_WORKERS = NUM_CORES * NUM_SUBCORES

GROUP = 16
NSEM = 2


def _make_sc_lookup(batch: int):
    assert batch % (8 * NUM_WORKERS) == 0
    b_per_w = batch // NUM_WORKERS
    assert b_per_w % (GROUP * NSEM) == 0
    n_groups = b_per_w // GROUP

    mesh = plsc.VectorSubcoreMesh(
        core_axis_name="c", subcore_axis_name="s", num_cores=NUM_CORES
    )

    @functools.partial(
        pl.kernel,
        mesh=mesh,
        compiler_params=pltpu.CompilerParams(needs_layout_passes=False),
        out_type=jax.ShapeDtypeStruct((batch, D_MODEL), jnp.float32),
        scratch_types=[
            pltpu.VMEM((b_per_w,), jnp.int32),
            pltpu.VMEM((GROUP, D_MODEL), jnp.float32),
            pltpu.SemaphoreType.DMA((NSEM,)),
        ],
    )
    def lookup(ids_hbm, table_hbm, out_hbm, idx_v, table_v, sems):
        wid = lax.axis_index("s") * NUM_CORES + lax.axis_index("c")
        base = wid * b_per_w
        pltpu.sync_copy(table_hbm, table_v.at[pl.ds(0, NUM_ROWS)])
        pltpu.sync_copy(ids_hbm.at[pl.ds(base, b_per_w)], idx_v)

        def fire(g, s):
            idvec = idx_v[pl.ds(g * GROUP, GROUP)]
            for j in range(GROUP):
                row = g * GROUP + j
                rid = idvec[j]
                pltpu.make_async_copy(
                    table_v.at[rid],
                    out_hbm.at[base + row],
                    sems.at[s],
                ).start()

        def drain(g, s):
            pltpu.make_async_copy(
                table_v,
                out_hbm.at[pl.ds(base + g * GROUP, GROUP)],
                sems.at[s],
            ).wait()

        fire(0, 0)

        def outer(o, _):
            for s in range(NSEM):
                g = o * NSEM + s

                @pl.when(g + 1 < n_groups)
                def _():
                    fire(g + 1, 1 - s)

                drain(g, s)
            return ()

        lax.fori_loop(0, n_groups // NSEM, outer, (), unroll=False)

    return lookup


def kernel(segment_ids, table):
    b, s = segment_ids.shape
    ids_flat = segment_ids.reshape(b * s).astype(jnp.int32)
    out_flat = _make_sc_lookup(b * s)(ids_flat, table)
    return out_flat.reshape(b, s, D_MODEL)

# --- scband reference (transcript-rebuilt; emitter-appended) ---
"""Pipeline reference for scband-segment-embedding-12713103196386 (READ-ONLY COPY).

The authoritative reference and input builder live on the scoring server;
editing this copy changes nothing except your own understanding.
"""

import jax, jax.numpy as jnp
import numpy as np

D_MODEL = 1024
NUM_SEGMENTS = 4

def setup_inputs(seed: int = 0) -> dict:
    key = jax.random.key(seed)
    k1, k2 = jax.random.split(key)
    segment_ids = jax.random.randint(k1, (4, 8192), 0, NUM_SEGMENTS, dtype=jnp.int64 if jax.config.jax_enable_x64 else jnp.int32)
    table = jax.random.normal(k2, (NUM_SEGMENTS, D_MODEL), dtype=jnp.float32)
    # padding_idx=0 -> row 0 is zero-initialized in torch
    table = table.at[0].set(0.0)
    return {"segment_ids": segment_ids, "table": table}

def reference(segment_ids, table):
    # nn.Embedding(4, d_model, padding_idx=0) forward: gather rows of the table
    t = table.at[0].set(0.0)  # padding row contributes zeros
    out = jnp.take(t, segment_ids, axis=0)
    return out

if __name__ == "__main__":
    import jax
    _d = setup_inputs()
    print(jax.jit(kernel)(*tuple(_d.values())))

</pallas_src>

<mosaic_0001>
#map = affine_map<(d0, d1) -> (0)>
#map1 = affine_map<(d0, d1) -> (0, 0)>
module attributes {stable_mosaic.version = 14 : i64} {
  func.func @lookup(%arg0: i32, %arg1: i32, %arg2: memref<32768xi32, #tpu.memory_space<hbm>>, %arg3: memref<4x1024xf32, #tpu.memory_space<hbm>>, %arg4: memref<32768x1024xf32, #tpu.memory_space<hbm>>, %arg5: memref<1024xi32, #tpu.memory_space<vmem>>, %arg6: memref<16x1024xf32, #tpu.memory_space<vmem>>, %arg7: memref<2x!tpu.dma_semaphore, #tpu.memory_space<semaphore_mem>>) attributes {dimension_semantics = [#tpu.dimension_semantics<core_parallel>, #tpu.dimension_semantics<subcore_parallel>], iteration_bounds = array<i64: 2, 16>, scalar_prefetch = 0 : i64, scratch_operands = 3 : i64, tpu.core_type = #tpu.core_type<sc_vector_subcore>, window_params = [{transform_indices = #map}, {transform_indices = #map1}, {transform_indices = #map1}]} {
    %mul3A = arith.constant 2 : i32
    %mul3A_0 = arith.muli %arg1, %mul3A : i32
    %add3A = arith.addi %mul3A_0, %arg0 : i32
    %mul3A_1 = arith.constant 1024 : i32
    %mul3A_2 = arith.muli %add3A, %mul3A_1 : i32
    "tpu.region"() ({
      %run_scoped3A = tpu.sem_alloc : memref<!tpu.dma_semaphore, #tpu.memory_space<semaphore_mem>>
      %dma_start3A_309 = arith.constant 0 : i32
      %dma_start3A_310 = arith.constant 0 : i32
      %dma_start3A_311 = tpu.memref_slice %arg6[%dma_start3A_309, %dma_start3A_310] : memref<16x1024xf32, #tpu.memory_space<vmem>> -> memref<4x1024xf32, #tpu.memory_space<vmem>>
      %dma_start3A_312 = arith.constant 0 : i32
      %dma_start3A_313 = arith.constant 0 : i32
      %dma_start3A_314 = tpu.memref_slice %arg6[%dma_start3A_312, %dma_start3A_313] : memref<16x1024xf32, #tpu.memory_space<vmem>> -> memref<4x1024xf32, #tpu.memory_space<vmem>>
      tpu.enqueue_dma source(%arg3 : memref<4x1024xf32, #tpu.memory_space<hbm>>) target(%dma_start3A_314 : memref<4x1024xf32, #tpu.memory_space<vmem>>) target_semaphore(%run_scoped3A : memref<!tpu.dma_semaphore, #tpu.memory_space<semaphore_mem>>)
      %dma_wait3A = arith.constant 0 : i32
      %dma_wait3A_315 = arith.constant 0 : i32
      %dma_wait3A_316 = tpu.memref_slice %arg6[%dma_wait3A, %dma_wait3A_315] : memref<16x1024xf32, #tpu.memory_space<vmem>> -> memref<4x1024xf32, #tpu.memory_space<vmem>>
      %dma_wait3A_317 = arith.constant 0 : i32
      %dma_wait3A_318 = arith.constant 0 : i32
      %dma_wait3A_319 = tpu.memref_slice %arg6[%dma_wait3A_317, %dma_wait3A_318] : memref<16x1024xf32, #tpu.memory_space<vmem>> -> memref<4x1024xf32, #tpu.memory_space<vmem>>
      tpu.wait_dma2 semaphore(%run_scoped3A : memref<!tpu.dma_semaphore, #tpu.memory_space<semaphore_mem>>) src(%arg3 : memref<4x1024xf32, #tpu.memory_space<hbm>>) dst(%dma_wait3A_319 : memref<4x1024xf32, #tpu.memory_space<vmem>>)
      tpu.yield
    }) : () -> ()
    "tpu.region"() ({
      %run_scoped3A = tpu.sem_alloc : memref<!tpu.dma_semaphore, #tpu.memory_space<semaphore_mem>>
      %dma_start3A_309 = tpu.memref_slice %arg2[%mul3A_2] : memref<32768xi32, #tpu.memory_space<hbm>> -> memref<1024xi32, #tpu.memory_space<hbm>>
      %dma_start3A_310 = tpu.memref_slice %arg2[%mul3A_2] : memref<32768xi32, #tpu.memory_space<hbm>> -> memref<1024xi32, #tpu.memory_space<hbm>>
      tpu.enqueue_dma source(%dma_start3A_310 : memref<1024xi32, #tpu.memory_space<hbm>>) target(%arg5 : memref<1024xi32, #tpu.memory_space<vmem>>) target_semaphore(%run_scoped3A : memref<!tpu.dma_semaphore, #tpu.memory_space<semaphore_mem>>)
      %dma_wait3A = tpu.memref_slice %arg2[%mul3A_2] : memref<32768xi32, #tpu.memory_space<hbm>> -> memref<1024xi32, #tpu.memory_space<hbm>>
      %dma_wait3A_311 = tpu.memref_slice %arg2[%mul3A_2] : memref<32768xi32, #tpu.memory_space<hbm>> -> memref<1024xi32, #tpu.memory_space<hbm>>
      tpu.wait_dma2 semaphore(%run_scoped3A : memref<!tpu.dma_semaphore, #tpu.memory_space<semaphore_mem>>) src(%dma_wait3A_311 : memref<1024xi32, #tpu.memory_space<hbm>>) dst(%arg5 : memref<1024xi32, #tpu.memory_space<vmem>>)
      tpu.yield
    }) : () -> ()
    %get3A = arith.constant 0 : index
    %get3A_3 = tpu.vector_load %arg5[%get3A] {strides = array<i32>} : memref<1024xi32, #tpu.memory_space<vmem>>, vector<16xi32>,
    %slice3A = vector.extract_strided_slice %get3A_3 {offsets = [0], sizes = [1], strides = [1]} : vector<16xi32> to vector<1xi32>
    %squeeze3A = vector.extract %slice3A[0] : i32 from vector<1xi32>
    %add3A_4 = arith.constant 0 : i32
    %add3A_5 = arith.addi %mul3A_2, %add3A_4 : i32
    %dma_start3A = arith.constant 0 : i32
    %dma_start3A_6 = arith.constant 0 : i32
    %dma_start3A_7 = tpu.memref_slice %arg6[%squeeze3A, %dma_start3A_6] : memref<16x1024xf32, #tpu.memory_space<vmem>> -> memref<1x1024xf32, #tpu.memory_space<vmem>>
    %dma_start3A_8 = tpu.memref_squeeze %dma_start3A_7 : memref<1x1024xf32, #tpu.memory_space<vmem>> -> memref<1024xf32, #tpu.memory_space<vmem>>
    %dma_start3A_9 = arith.constant 0 : i32
    %dma_start3A_10 = tpu.memref_slice %arg4[%add3A_5, %dma_start3A_9] : memref<32768x1024xf32, #tpu.memory_space<hbm>> -> memref<1x1024xf32, #tpu.memory_space<hbm>>
    %dma_start3A_11 = tpu.memref_squeeze %dma_start3A_10 : memref<1x1024xf32, #tpu.memory_space<hbm>> -> memref<1024xf32, #tpu.memory_space<hbm>>
    %dma_start3A_12 = tpu.memref_slice %arg7[%dma_start3A] : memref<2x!tpu.dma_semaphore, #tpu.memory_space<semaphore_mem>> -> memref<1x!tpu.dma_semaphore, #tpu.memory_space<semaphore_mem>>
    %dma_start3A_13 = tpu.memref_squeeze %dma_start3A_12 : memref<1x!tpu.dma_semaphore, #tpu.memory_space<semaphore_mem>> -> memref<!tpu.dma_semaphore, #tpu.memory_space<semaphore_mem>>
    %dma_start3A_14 = arith.constant 0 : i32
    %dma_start3A_15 = tpu.memref_slice %arg4[%add3A_5, %dma_start3A_14] : memref<32768x1024xf32, #tpu.memory_space<hbm>> -> memref<1x1024xf32, #tpu.memory_space<hbm>>
    %dma_start3A_16 = tpu.memref_squeeze %dma_start3A_15 : memref<1x1024xf32, #tpu.memory_space<hbm>> -> memref<1024xf32, #tpu.memory_space<hbm>>
    %dma_start3A_17 = arith.constant 0 : i32
    %dma_start3A_18 = tpu.memref_slice %arg6[%squeeze3A, %dma_start3A_17] : memref<16x1024xf32, #tpu.memory_space<vmem>> -> memref<1x1024xf32, #tpu.memory_space<vmem>>
    %dma_start3A_19 = tpu.memref_squeeze %dma_start3A_18 : memref<1x1024xf32, #tpu.memory_space<vmem>> -> memref<1024xf32, #tpu.memory_space<vmem>>
    tpu.enqueue_dma source(%dma_start3A_19 : memref<1024xf32, #tpu.memory_space<vmem>>) target(%dma_start3A_16 : memref<1024xf32, #tpu.memory_space<hbm>>) target_semaphore(%dma_start3A_13 : memref<!tpu.dma_semaphore, #tpu.memory_space<semaphore_mem>>)
    %slice3A_20 = vector.extract_strided_slice %get3A_3 {offsets = [1], sizes = [1], strides = [1]} : vector<16xi32> to vector<1xi32>
    %squeeze3A_21 = vector.extract %slice3A_20[0] : i32 from vector<1xi32>
    %add3A_22 = arith.constant 1 : i32
    %add3A_23 = arith.addi %mul3A_2, %add3A_22 : i32
    %dma_start3A_24 = arith.constant 0 : i32
    %dma_start3A_25 = arith.constant 0 : i32
    %dma_start3A_26 = tpu.memref_slice %arg6[%squeeze3A_21, %dma_start3A_25] : memref<16x1024xf32, #tpu.memory_space<vmem>> -> memref<1x1024xf32, #tpu.memory_space<vmem>>
    %dma_start3A_27 = tpu.memref_squeeze %dma_start3A_26 : memref<1x1024xf32, #tpu.memory_space<vmem>> -> memref<1024xf32, #tpu.memory_space<vmem>>
    %dma_start3A_28 = arith.constant 0 : i32
    %dma_start3A_29 = tpu.memref_slice %arg4[%add3A_23, %dma_start3A_28] : memref<32768x1024xf32, #tpu.memory_space<hbm>> -> memref<1x1024xf32, #tpu.memory_space<hbm>>
    %dma_start3A_30 = tpu.memref_squeeze %dma_start3A_29 : memref<1x1024xf32, #tpu.memory_space<hbm>> -> memref<1024xf32, #tpu.memory_space<hbm>>
    %dma_start3A_31 = tpu.memref_slice %arg7[%dma_start3A_24] : memref<2x!tpu.dma_semaphore, #tpu.memory_space<semaphore_mem>> -> memref<1x!tpu.dma_semaphore, #tpu.memory_space<semaphore_mem>>
    %dma_start3A_32 = tpu.memref_squeeze %dma_start3A_31 : memref<1x!tpu.dma_semaphore, #tpu.memory_space<semaphore_mem>> -> memref<!tpu.dma_semaphore, #tpu.memory_space<semaphore_mem>>
    %dma_start3A_33 = arith.constant 0 : i32
    %dma_start3A_34 = tpu.memref_slice %arg4[%add3A_23, %dma_start3A_33] : memref<32768x1024xf32, #tpu.memory_space<hbm>> -> memref<1x1024xf32, #tpu.memory_space<hbm>>
    %dma_start3A_35 = tpu.memref_squeeze %dma_start3A_34 : memref<1x1024xf32, #tpu.memory_space<hbm>> -> memref<1024xf32, #tpu.memory_space<hbm>>
    %dma_start3A_36 = arith.constant 0 : i32
    %dma_start3A_37 = tpu.memref_slice %arg6[%squeeze3A_21, %dma_start3A_36] : memref<16x1024xf32, #tpu.memory_space<vmem>> -> memref<1x1024xf32, #tpu.memory_space<vmem>>
    %dma_start3A_38 = tpu.memref_squeeze %dma_start3A_37 : memref<1x1024xf32, #tpu.memory_space<vmem>> -> memref<1024xf32, #tpu.memory_space<vmem>>
    tpu.enqueue_dma source(%dma_start3A_38 : memref<1024xf32, #tpu.memory_space<vmem>>) target(%dma_start3A_35 : memref<1024xf32, #tpu.memory_space<hbm>>) target_semaphore(%dma_start3A_32 : memref<!tpu.dma_semaphore, #tpu.memory_space<semaphore_mem>>)
    %slice3A_39 = vector.extract_strided_slice %get3A_3 {offsets = [2], sizes = [1], strides = [1]} : vector<16xi32> to vector<1xi32>
    %squeeze3A_40 = vector.extract %slice3A_39[0] : i32 from vector<1xi32>
    %add3A_41 = arith.constant 2 : i32
    %add3A_42 = arith.addi %mul3A_2, %add3A_41 : i32
    %dma_start3A_43 = arith.constant 0 : i32
    %dma_start3A_44 = arith.constant 0 : i32
    %dma_start3A_45 = tpu.memref_slice %arg6[%squeeze3A_40, %dma_start3A_44] : memref<16x1024xf32, #tpu.memory_space<vmem>> -> memref<1x1024xf32, #tpu.memory_space<vmem>>
    %dma_start3A_46 = tpu.memref_squeeze %dma_start3A_45 : memref<1x1024xf32, #tpu.memory_space<vmem>> -> memref<1024xf32, #tpu.memory_space<vmem>>
    %dma_start3A_47 = arith.constant 0 : i32
    %dma_start3A_48 = tpu.memref_slice %arg4[%add3A_42, %dma_start3A_47] : memref<32768x1024xf32, #tpu.memory_space<hbm>> -> memref<1x1024xf32, #tpu.memory_space<hbm>>
    %dma_start3A_49 = tpu.memref_squeeze %dma_start3A_48 : memref<1x1024xf32, #tpu.memory_space<hbm>> -> memref<1024xf32, #tpu.memory_space<hbm>>
    %dma_start3A_50 = tpu.memref_slice %arg7[%dma_start3A_43] : memref<2x!tpu.dma_semaphore, #tpu.memory_space<semaphore_mem>> -> memref<1x!tpu.dma_semaphore, #tpu.memory_space<semaphore_mem>>
    %dma_start3A_51 = tpu.memref_squeeze %dma_start3A_50 : memref<1x!tpu.dma_semaphore, #tpu.memory_space<semaphore_mem>> -> memref<!tpu.dma_semaphore, #tpu.memory_space<semaphore_mem>>
    %dma_start3A_52 = arith.constant 0 : i32
    %dma_start3A_53 = tpu.memref_slice %arg4[%add3A_42, %dma_start3A_52] : memref<32768x1024xf32, #tpu.memory_space<hbm>> -> memref<1x1024xf32, #tpu.memory_space<hbm>>
    %dma_start3A_54 = tpu.memref_squeeze %dma_start3A_53 : memref<1x1024xf32, #tpu.memory_space<hbm>> -> memref<1024xf32, #tpu.memory_space<hbm>>
    %dma_start3A_55 = arith.constant 0 : i32
    %dma_start3A_56 = tpu.memref_slice %arg6[%squeeze3A_40, %dma_start3A_55] : memref<16x1024xf32, #tpu.memory_space<vmem>> -> memref<1x1024xf32, #tpu.memory_space<vmem>>
    %dma_start3A_57 = tpu.memref_squeeze %dma_start3A_56 : memref<1x1024xf32, #tpu.memory_space<vmem>> -> memref<1024xf32, #tpu.memory_space<vmem>>
    tpu.enqueue_dma source(%dma_start3A_57 : memref<1024xf32, #tpu.memory_space<vmem>>) target(%dma_start3A_54 : memref<1024xf32, #tpu.memory_space<hbm>>) target_semaphore(%dma_start3A_51 : memref<!tpu.dma_semaphore, #tpu.memory_space<semaphore_mem>>)
    %slice3A_58 = vector.extract_strided_slice %get3A_3 {offsets = [3], sizes = [1], strides = [1]} : vector<16xi32> to vector<1xi32>
    %squeeze3A_59 = vector.extract %slice3A_58[0] : i32 from vector<1xi32>
    %add3A_60 = arith.constant 3 : i32
    %add3A_61 = arith.addi %mul3A_2, %add3A_60 : i32
    %dma_start3A_62 = arith.constant 0 : i32
    %dma_start3A_63 = arith.constant 0 : i32
    %dma_start3A_64 = tpu.memref_slice %arg6[%squeeze3A_59, %dma_start3A_63] : memref<16x1024xf32, #tpu.memory_space<vmem>> -> memref<1x1024xf32, #tpu.memory_space<vmem>>
    %dma_start3A_65 = tpu.memref_squeeze %dma_start3A_64 : memref<1x1024xf32, #tpu.memory_space<vmem>> -> memref<1024xf32, #tpu.memory_space<vmem>>
    %dma_start3A_66 = arith.constant 0 : i32
    %dma_start3A_67 = tpu.memref_slice %arg4[%add3A_61, %dma_start3A_66] : memref<32768x1024xf32, #tpu.memory_space<hbm>> -> memref<1x1024xf32, #tpu.memory_space<hbm>>
    %dma_start3A_68 = tpu.memref_squeeze %dma_start3A_67 : memref<1x1024xf32, #tpu.memory_space<hbm>> -> memref<1024xf32, #tpu.memory_space<hbm>>
    %dma_start3A_69 = tpu.memref_slice %arg7[%dma_start3A_62] : memref<2x!tpu.dma_semaphore, #tpu.memory_space<semaphore_mem>> -> memref<1x!tpu.dma_semaphore, #tpu.memory_space<semaphore_mem>>
    %dma_start3A_70 = tpu.memref_squeeze %dma_start3A_69 : memref<1x!tpu.dma_semaphore, #tpu.memory_space<semaphore_mem>> -> memref<!tpu.dma_semaphore, #tpu.memory_space<semaphore_mem>>
    %dma_start3A_71 = arith.constant 0 : i32
    %dma_start3A_72 = tpu.memref_slice %arg4[%add3A_61, %dma_start3A_71] : memref<32768x1024xf32, #tpu.memory_space<hbm>> -> memref<1x1024xf32, #tpu.memory_space<hbm>>
    %dma_start3A_73 = tpu.memref_squeeze %dma_start3A_72 : memref<1x1024xf32, #tpu.memory_space<hbm>> -> memref<1024xf32, #tpu.memory_space<hbm>>
    %dma_start3A_74 = arith.constant 0 : i32
    %dma_start3A_75 = tpu.memref_slice %arg6[%squeeze3A_59, %dma_start3A_74] : memref<16x1024xf32, #tpu.memory_space<vmem>> -> memref<1x1024xf32, #tpu.memory_space<vmem>>
    %dma_start3A_76 = tpu.memref_squeeze %dma_start3A_75 : memref<1x1024xf32, #tpu.memory_space<vmem>> -> memref<1024xf32, #tpu.memory_space<vmem>>
    tpu.enqueue_dma source(%dma_start3A_76 : memref<1024xf32, #tpu.memory_space<vmem>>) target(%dma_start3A_73 : memref<1024xf32, #tpu.memory_space<hbm>>) target_semaphore(%dma_start3A_70 : memref<!tpu.dma_semaphore, #tpu.memory_space<semaphore_mem>>)
    %slice3A_77 = vector.extract_strided_slice %get3A_3 {offsets = [4], sizes = [1], strides = [1]} : vector<16xi32> to vector<1xi32>
    %squeeze3A_78 = vector.extract %slice3A_77[0] : i32 from vector<1xi32>
    %add3A_79 = arith.constant 4 : i32
    %add3A_80 = arith.addi %mul3A_2, %add3A_79 : i32
    %dma_start3A_81 = arith.constant 0 : i32
    %dma_start3A_82 = arith.constant 0 : i32
    %dma_start3A_83 = tpu.memref_slice %arg6[%squeeze3A_78, %dma_start3A_82] : memref<16x1024xf32, #tpu.memory_space<vmem>> -> memref<1x1024xf32, #tpu.memory_space<vmem>>
    %dma_start3A_84 = tpu.memref_squeeze %dma_start3A_83 : memref<1x1024xf32, #tpu.memory_space<vmem>> -> memref<1024xf32, #tpu.memory_space<vmem>>
    %dma_start3A_85 = arith.constant 0 : i32
    %dma_start3A_86 = tpu.memref_slice %arg4[%add3A_80, %dma_start3A_85] : memref<32768x1024xf32, #tpu.memory_space<hbm>> -> memref<1x1024xf32, #tpu.memory_space<hbm>>
    %dma_start3A_87 = tpu.memref_squeeze %dma_start3A_86 : memref<1x1024xf32, #tpu.memory_space<hbm>> -> memref<1024xf32, #tpu.memory_space<hbm>>
    %dma_start3A_88 = tpu.memref_slice %arg7[%dma_start3A_81] : memref<2x!tpu.dma_semaphore, #tpu.memory_space<semaphore_mem>> -> memref<1x!tpu.dma_semaphore, #tpu.memory_space<semaphore_mem>>
    %dma_start3A_89 = tpu.memref_squeeze %dma_start3A_88 : memref<1x!tpu.dma_semaphore, #tpu.memory_space<semaphore_mem>> -> memref<!tpu.dma_semaphore, #tpu.memory_space<semaphore_mem>>
    %dma_start3A_90 = arith.constant 0 : i32
    %dma_start3A_91 = tpu.memref_slice %arg4[%add3A_80, %dma_start3A_90] : memref<32768x1024xf32, #tpu.memory_space<hbm>> -> memref<1x1024xf32, #tpu.memory_space<hbm>>
    %dma_start3A_92 = tpu.memref_squeeze %dma_start3A_91 : memref<1x1024xf32, #tpu.memory_space<hbm>> -> memref<1024xf32, #tpu.memory_space<hbm>>
    %dma_start3A_93 = arith.constant 0 : i32
    %dma_start3A_94 = tpu.memref_slice %arg6[%squeeze3A_78, %dma_start3A_93] : memref<16x1024xf32, #tpu.memory_space<vmem>> -> memref<1x1024xf32, #tpu.memory_space<vmem>>
    %dma_start3A_95 = tpu.memref_squeeze %dma_start3A_94 : memref<1x1024xf32, #tpu.memory_space<vmem>> -> memref<1024xf32, #tpu.memory_space<vmem>>
    tpu.enqueue_dma source(%dma_start3A_95 : memref<1024xf32, #tpu.memory_space<vmem>>) target(%dma_start3A_92 : memref<1024xf32, #tpu.memory_space<hbm>>) target_semaphore(%dma_start3A_89 : memref<!tpu.dma_semaphore, #tpu.memory_space<semaphore_mem>>)
    %slice3A_96 = vector.extract_strided_slice %get3A_3 {offsets = [5], sizes = [1], strides = [1]} : vector<16xi32> to vector<1xi32>
    %squeeze3A_97 = vector.extract %slice3A_96[0] : i32 from vector<1xi32>
    %add3A_98 = arith.constant 5 : i32
    %add3A_99 = arith.addi %mul3A_2, %add3A_98 : i32
    %dma_start3A_100 = arith.constant 0 : i32
    %dma_start3A_101 = arith.constant 0 : i32
    %dma_start3A_102 = tpu.memref_slice %arg6[%squeeze3A_97, %dma_start3A_101] : memref<16x1024xf32, #tpu.memory_space<vmem>> -> memref<1x1024xf32, #tpu.memory_space<vmem>>
    %dma_start3A_103 = tpu.memref_squeeze %dma_start3A_102 : memref<1x1024xf32, #tpu.memory_space<vmem>> -> memref<1024xf32, #tpu.memory_space<vmem>>
    %dma_start3A_104 = arith.constant 0 : i32
    %dma_start3A_105 = tpu.memref_slice %arg4[%add3A_99, %dma_start3A_104] : memref<32768x1024xf32, #tpu.memory_space<hbm>> -> memref<1x1024xf32, #tpu.memory_space<hbm>>
    %dma_start3A_106 = tpu.memref_squeeze %dma_start3A_105 : memref<1x1024xf32, #tpu.memory_space<hbm>> -> memref<1024xf32, #tpu.memory_space<hbm>>
    %dma_start3A_107 = tpu.memref_slice %arg7[%dma_start3A_100] : memref<2x!tpu.dma_semaphore, #tpu.memory_space<semaphore_mem>> -> memref<1x!tpu.dma_semaphore, #tpu.memory_space<semaphore_mem>>
    %dma_start3A_108 = tpu.memref_squeeze %dma_start3A_107 : memref<1x!tpu.dma_semaphore, #tpu.memory_space<semaphore_mem>> -> memref<!tpu.dma_semaphore, #tpu.memory_space<semaphore_mem>>
    %dma_start3A_109 = arith.constant 0 : i32
    %dma_start3A_110 = tpu.memref_slice %arg4[%add3A_99, %dma_start3A_109] : memref<32768x1024xf32, #tpu.memory_space<hbm>> -> memref<1x1024xf32, #tpu.memory_space<hbm>>
    %dma_start3A_111 = tpu.memref_squeeze %dma_start3A_110 : memref<1x1024xf32, #tpu.memory_space<hbm>> -> memref<1024xf32, #tpu.memory_space<hbm>>
    %dma_start3A_112 = arith.constant 0 : i32
    %dma_start3A_113 = tpu.memref_slice %arg6[%squeeze3A_97, %dma_start3A_112] : memref<16x1024xf32, #tpu.memory_space<vmem>> -> memref<1x1024xf32, #tpu.memory_space<vmem>>
    %dma_start3A_114 = tpu.memref_squeeze %dma_start3A_113 : memref<1x1024xf32, #tpu.memory_space<vmem>> -> memref<1024xf32, #tpu.memory_space<vmem>>
    tpu.enqueue_dma source(%dma_start3A_114 : memref<1024xf32, #tpu.memory_space<vmem>>) target(%dma_start3A_111 : memref<1024xf32, #tpu.memory_space<hbm>>) target_semaphore(%dma_start3A_108 : memref<!tpu.dma_semaphore, #tpu.memory_space<semaphore_mem>>)
    %slice3A_115 = vector.extract_strided_slice %get3A_3 {offsets = [6], sizes = [1], strides = [1]} : vector<16xi32> to vector<1xi32>
    %squeeze3A_116 = vector.extract %slice3A_115[0] : i32 from vector<1xi32>
    %add3A_117 = arith.constant 6 : i32
    %add3A_118 = arith.addi %mul3A_2, %add3A_117 : i32
    %dma_start3A_119 = arith.constant 0 : i32
    %dma_start3A_120 = arith.constant 0 : i32
    %dma_start3A_121 = tpu.memref_slice %arg6[%squeeze3A_116, %dma_start3A_120] : memref<16x1024xf32, #tpu.memory_space<vmem>> -> memref<1x1024xf32, #tpu.memory_space<vmem>>
    %dma_start3A_122 = tpu.memref_squeeze %dma_start3A_121 : memref<1x1024xf32, #tpu.memory_space<vmem>> -> memref<1024xf32, #tpu.memory_space<vmem>>
    %dma_start3A_123 = arith.constant 0 : i32
    %dma_start3A_124 = tpu.memref_slice %arg4[%add3A_118, %dma_start3A_123] : memref<32768x1024xf32, #tpu.memory_space<hbm>> -> memref<1x1024xf32, #tpu.memory_space<hbm>>
    %dma_start3A_125 = tpu.memref_squeeze %dma_start3A_124 : memref<1x1024xf32, #tpu.memory_space<hbm>> -> memref<1024xf32, #tpu.memory_space<hbm>>
    %dma_start3A_126 = tpu.memref_slice %arg7[%dma_start3A_119] : memref<2x!tpu.dma_semaphore, #tpu.memory_space<semaphore_mem>> -> memref<1x!tpu.dma_semaphore, #tpu.memory_space<semaphore_mem>>
    %dma_start3A_127 = tpu.memref_squeeze %dma_start3A_126 : memref<1x!tpu.dma_semaphore, #tpu.memory_space<semaphore_mem>> -> memref<!tpu.dma_semaphore, #tpu.memory_space<semaphore_mem>>
    %dma_start3A_128 = arith.constant 0 : i32
    %dma_start3A_129 = tpu.memref_slice %arg4[%add3A_118, %dma_start3A_128] : memref<32768x1024xf32, #tpu.memory_space<hbm>> -> memref<1x1024xf32, #tpu.memory_space<hbm>>
    %dma_start3A_130 = tpu.memref_squeeze %dma_start3A_129 : memref<1x1024xf32, #tpu.memory_space<hbm>> -> memref<1024xf32, #tpu.memory_space<hbm>>
    %dma_start3A_131 = arith.constant 0 : i32
    %dma_start3A_132 = tpu.memref_slice %arg6[%squeeze3A_116, %dma_start3A_131] : memref<16x1024xf32, #tpu.memory_space<vmem>> -> memref<1x1024xf32, #tpu.memory_space<vmem>>
    %dma_start3A_133 = tpu.memref_squeeze %dma_start3A_132 : memref<1x1024xf32, #tpu.memory_space<vmem>> -> memref<1024xf32, #tpu.memory_space<vmem>>
    tpu.enqueue_dma source(%dma_start3A_133 : memref<1024xf32, #tpu.memory_space<vmem>>) target(%dma_start3A_130 : memref<1024xf32, #tpu.memory_space<hbm>>) target_semaphore(%dma_start3A_127 : memref<!tpu.dma_semaphore, #tpu.memory_space<semaphore_mem>>)
    %slice3A_134 = vector.extract_strided_slice %get3A_3 {offsets = [7], sizes = [1], strides = [1]} : vector<16xi32> to vector<1xi32>
    %squeeze3A_135 = vector.extract %slice3A_134[0] : i32 from vector<1xi32>
    %add3A_136 = arith.constant 7 : i32
    %add3A_137 = arith.addi %mul3A_2, %add3A_136 : i32
    %dma_start3A_138 = arith.constant 0 : i32
    %dma_start3A_139 = arith.constant 0 : i32
    %dma_start3A_140 = tpu.memref_slice %arg6[%squeeze3A_135, %dma_start3A_139] : memref<16x1024xf32, #tpu.memory_space<vmem>> -> memref<1x1024xf32, #tpu.memory_space<vmem>>
    %dma_start3A_141 = tpu.memref_squeeze %dma_start3A_140 : memref<1x1024xf32, #tpu.memory_space<vmem>> -> memref<1024xf32, #tpu.memory_space<vmem>>
    %dma_start3A_142 = arith.constant 0 : i32
    %dma_start3A_143 = tpu.memref_slice %arg4[%add3A_137, %dma_start3A_142] : memref<32768x1024xf32, #tpu.memory_space<hbm>> -> memref<1x1024xf32, #tpu.memory_space<hbm>>
    %dma_start3A_144 = tpu.memref_squeeze %dma_start3A_143 : memref<1x1024xf32, #tpu.memory_space<hbm>> -> memref<1024xf32, #tpu.memory_space<hbm>>
    %dma_start3A_145 = tpu.memref_slice %arg7[%dma_start3A_138] : memref<2x!tpu.dma_semaphore, #tpu.memory_space<semaphore_mem>> -> memref<1x!tpu.dma_semaphore, #tpu.memory_space<semaphore_mem>>
    %dma_start3A_146 = tpu.memref_squeeze %dma_start3A_145 : memref<1x!tpu.dma_semaphore, #tpu.memory_space<semaphore_mem>> -> memref<!tpu.dma_semaphore, #tpu.memory_space<semaphore_mem>>
    %dma_start3A_147 = arith.constant 0 : i32
    %dma_start3A_148 = tpu.memref_slice %arg4[%add3A_137, %dma_start3A_147] : memref<32768x1024xf32, #tpu.memory_space<hbm>> -> memref<1x1024xf32, #tpu.memory_space<hbm>>
    %dma_start3A_149 = tpu.memref_squeeze %dma_start3A_148 : memref<1x1024xf32, #tpu.memory_space<hbm>> -> memref<1024xf32, #tpu.memory_space<hbm>>
    %dma_start3A_150 = arith.constant 0 : i32
    %dma_start3A_151 = tpu.memref_slice %arg6[%squeeze3A_135, %dma_start3A_150] : memref<16x1024xf32, #tpu.memory_space<vmem>> -> memref<1x1024xf32, #tpu.memory_space<vmem>>
    %dma_start3A_152 = tpu.memref_squeeze %dma_start3A_151 : memref<1x1024xf32, #tpu.memory_space<vmem>> -> memref<1024xf32, #tpu.memory_space<vmem>>
    tpu.enqueue_dma source(%dma_start3A_152 : memref<1024xf32, #tpu.memory_space<vmem>>) target(%dma_start3A_149 : memref<1024xf32, #tpu.memory_space<hbm>>) target_semaphore(%dma_start3A_146 : memref<!tpu.dma_semaphore, #tpu.memory_space<semaphore_mem>>)
    %slice3A_153 = vector.extract_strided_slice %get3A_3 {offsets = [8], sizes = [1], strides = [1]} : vector<16xi32> to vector<1xi32>
    %squeeze3A_154 = vector.extract %slice3A_153[0] : i32 from vector<1xi32>
    %add3A_155 = arith.constant 8 : i32
    %add3A_156 = arith.addi %mul3A_2, %add3A_155 : i32
    %dma_start3A_157 = arith.constant 0 : i32
    %dma_start3A_158 = arith.constant 0 : i32
    %dma_start3A_159 = tpu.memref_slice %arg6[%squeeze3A_154, %dma_start3A_158] : memref<16x1024xf32, #tpu.memory_space<vmem>> -> memref<1x1024xf32, #tpu.memory_space<vmem>>
    %dma_start3A_160 = tpu.memref_squeeze %dma_start3A_159 : memref<1x1024xf32, #tpu.memory_space<vmem>> -> memref<1024xf32, #tpu.memory_space<vmem>>
    %dma_start3A_161 = arith.constant 0 : i32
    %dma_start3A_162 = tpu.memref_slice %arg4[%add3A_156, %dma_start3A_161] : memref<32768x1024xf32, #tpu.memory_space<hbm>> -> memref<1x1024xf32, #tpu.memory_space<hbm>>
    %dma_start3A_163 = tpu.memref_squeeze %dma_start3A_162 : memref<1x1024xf32, #tpu.memory_space<hbm>> -> memref<1024xf32, #tpu.memory_space<hbm>>
    %dma_start3A_164 = tpu.memref_slice %arg7[%dma_start3A_157] : memref<2x!tpu.dma_semaphore, #tpu.memory_space<semaphore_mem>> -> memref<1x!tpu.dma_semaphore, #tpu.memory_space<semaphore_mem>>
    %dma_start3A_165 = tpu.memref_squeeze %dma_start3A_164 : memref<1x!tpu.dma_semaphore, #tpu.memory_space<semaphore_mem>> -> memref<!tpu.dma_semaphore, #tpu.memory_space<semaphore_mem>>
    %dma_start3A_166 = arith.constant 0 : i32
    %dma_start3A_167 = tpu.memref_slice %arg4[%add3A_156, %dma_start3A_166] : memref<32768x1024xf32, #tpu.memory_space<hbm>> -> memref<1x1024xf32, #tpu.memory_space<hbm>>
    %dma_start3A_168 = tpu.memref_squeeze %dma_start3A_167 : memref<1x1024xf32, #tpu.memory_space<hbm>> -> memref<1024xf32, #tpu.memory_space<hbm>>
    %dma_start3A_169 = arith.constant 0 : i32
    %dma_start3A_170 = tpu.memref_slice %arg6[%squeeze3A_154, %dma_start3A_169] : memref<16x1024xf32, #tpu.memory_space<vmem>> -> memref<1x1024xf32, #tpu.memory_space<vmem>>
    %dma_start3A_171 = tpu.memref_squeeze %dma_start3A_170 : memref<1x1024xf32, #tpu.memory_space<vmem>> -> memref<1024xf32, #tpu.memory_space<vmem>>
    tpu.enqueue_dma source(%dma_start3A_171 : memref<1024xf32, #tpu.memory_space<vmem>>) target(%dma_start3A_168 : memref<1024xf32, #tpu.memory_space<hbm>>) target_semaphore(%dma_start3A_165 : memref<!tpu.dma_semaphore, #tpu.memory_space<semaphore_mem>>)
    %slice3A_172 = vector.extract_strided_slice %get3A_3 {offsets = [9], sizes = [1], strides = [1]} : vector<16xi32> to vector<1xi32>
    %squeeze3A_173 = vector.extract %slice3A_172[0] : i32 from vector<1xi32>
    %add3A_174 = arith.constant 9 : i32
    %add3A_175 = arith.addi %mul3A_2, %add3A_174 : i32
    %dma_start3A_176 = arith.constant 0 : i32
    %dma_start3A_177 = arith.constant 0 : i32
    %dma_start3A_178 = tpu.memref_slice %arg6[%squeeze3A_173, %dma_start3A_177] : memref<16x1024xf32, #tpu.memory_space<vmem>> -> memref<1x1024xf32, #tpu.memory_space<vmem>>
    %dma_start3A_179 = tpu.memref_squeeze %dma_start3A_178 : memref<1x1024xf32, #tpu.memory_space<vmem>> -> memref<1024xf32, #tpu.memory_space<vmem>>
    %dma_start3A_180 = arith.constant 0 : i32
    %dma_start3A_181 = tpu.memref_slice %arg4[%add3A_175, %dma_start3A_180] : memref<32768x1024xf32, #tpu.memory_space<hbm>> -> memref<1x1024xf32, #tpu.memory_space<hbm>>
    %dma_start3A_182 = tpu.memref_squeeze %dma_start3A_181 : memref<1x1024xf32, #tpu.memory_space<hbm>> -> memref<1024xf32, #tpu.memory_space<hbm>>
    %dma_start3A_183 = tpu.memref_slice %arg7[%dma_start3A_176] : memref<2x!tpu.dma_semaphore, #tpu.memory_space<semaphore_mem>> -> memref<1x!tpu.dma_semaphore, #tpu.memory_space<semaphore_mem>>
    %dma_start3A_184 = tpu.memref_squeeze %dma_start3A_183 : memref<1x!tpu.dma_semaphore, #tpu.memory_space<semaphore_mem>> -> memref<!tpu.dma_semaphore, #tpu.memory_space<semaphore_mem>>
    %dma_start3A_185 = arith.constant 0 : i32
    %dma_start3A_186 = tpu.memref_slice %arg4[%add3A_175, %dma_start3A_185] : memref<32768x1024xf32, #tpu.memory_space<hbm>> -> memref<1x1024xf32, #tpu.memory_space<hbm>>
    %dma_start3A_187 = tpu.memref_squeeze %dma_start3A_186 : memref<1x1024xf32, #tpu.memory_space<hbm>> -> memref<1024xf32, #tpu.memory_space<hbm>>
    %dma_start3A_188 = arith.constant 0 : i32
    %dma_start3A_189 = tpu.memref_slice %arg6[%squeeze3A_173, %dma_start3A_188] : memref<16x1024xf32, #tpu.memory_space<vmem>> -> memref<1x1024xf32, #tpu.memory_space<vmem>>
    %dma_start3A_190 = tpu.memref_squeeze %dma_start3A_189 : memref<1x1024xf32, #tpu.memory_space<vmem>> -> memref<1024xf32, #tpu.memory_space<vmem>>
    tpu.enqueue_dma source(%dma_start3A_190 : memref<1024xf32, #tpu.memory_space<vmem>>) target(%dma_start3A_187 : memref<1024xf32, #tpu.memory_space<hbm>>) target_semaphore(%dma_start3A_184 : memref<!tpu.dma_semaphore, #tpu.memory_space<semaphore_mem>>)
    %slice3A_191 = vector.extract_strided_slice %get3A_3 {offsets = [10], sizes = [1], strides = [1]} : vector<16xi32> to vector<1xi32>
    %squeeze3A_192 = vector.extract %slice3A_191[0] : i32 from vector<1xi32>
    %add3A_193 = arith.constant 10 : i32
    %add3A_194 = arith.addi %mul3A_2, %add3A_193 : i32
    %dma_start3A_195 = arith.constant 0 : i32
    %dma_start3A_196 = arith.constant 0 : i32
    %dma_start3A_197 = tpu.memref_slice %arg6[%squeeze3A_192, %dma_start3A_196] : memref<16x1024xf32, #tpu.memory_space<vmem>> -> memref<1x1024xf32, #tpu.memory_space<vmem>>
    %dma_start3A_198 = tpu.memref_squeeze %dma_start3A_197 : memref<1x1024xf32, #tpu.memory_space<vmem>> -> memref<1024xf32, #tpu.memory_space<vmem>>
    %dma_start3A_199 = arith.constant 0 : i32
    %dma_start3A_200 = tpu.memref_slice %arg4[%add3A_194, %dma_start3A_199] : memref<32768x1024xf32, #tpu.memory_space<hbm>> -> memref<1x1024xf32, #tpu.memory_space<hbm>>
    %dma_start3A_201 = tpu.memref_squeeze %dma_start3A_200 : memref<1x1024xf32, #tpu.memory_space<hbm>> -> memref<1024xf32, #tpu.memory_space<hbm>>
    %dma_start3A_202 = tpu.memref_slice %arg7[%dma_start3A_195] : memref<2x!tpu.dma_semaphore, #tpu.memory_space<semaphore_mem>> -> memref<1x!tpu.dma_semaphore, #tpu.memory_space<semaphore_mem>>
    %dma_start3A_203 = tpu.memref_squeeze %dma_start3A_202 : memref<1x!tpu.dma_semaphore, #tpu.memory_space<semaphore_mem>> -> memref<!tpu.dma_semaphore, #tpu.memory_space<semaphore_mem>>
    %dma_start3A_204 = arith.constant 0 : i32
    %dma_start3A_205 = tpu.memref_slice %arg4[%add3A_194, %dma_start3A_204] : memref<32768x1024xf32, #tpu.memory_space<hbm>> -> memref<1x1024xf32, #tpu.memory_space<hbm>>
    %dma_start3A_206 = tpu.memref_squeeze %dma_start3A_205 : memref<1x1024xf32, #tpu.memory_space<hbm>> -> memref<1024xf32, #tpu.memory_space<hbm>>
    %dma_start3A_207 = arith.constant 0 : i32
    %dma_start3A_208 = tpu.memref_slice %arg6[%squeeze3A_192, %dma_start3A_207] : memref<16x1024xf32, #tpu.memory_space<vmem>> -> memref<1x1024xf32, #tpu.memory_space<vmem>>
    %dma_start3A_209 = tpu.memref_squeeze %dma_start3A_208 : memref<1x1024xf32, #tpu.memory_space<vmem>> -> memref<1024xf32, #tpu.memory_space<vmem>>
    tpu.enqueue_dma source(%dma_start3A_209 : memref<1024xf32, #tpu.memory_space<vmem>>) target(%dma_start3A_206 : memref<1024xf32, #tpu.memory_space<hbm>>) target_semaphore(%dma_start3A_203 : memref<!tpu.dma_semaphore, #tpu.memory_space<semaphore_mem>>)
    %slice3A_210 = vector.extract_strided_slice %get3A_3 {offsets = [11], sizes = [1], strides = [1]} : vector<16xi32> to vector<1xi32>
    %squeeze3A_211 = vector.extract %slice3A_210[0] : i32 from vector<1xi32>
    %add3A_212 = arith.constant 11 : i32
    %add3A_213 = arith.addi %mul3A_2, %add3A_212 : i32
    %dma_start3A_214 = arith.constant 0 : i32
    %dma_start3A_215 = arith.constant 0 : i32
    %dma_start3A_216 = tpu.memref_slice %arg6[%squeeze3A_211, %dma_start3A_215] : memref<16x1024xf32, #tpu.memory_space<vmem>> -> memref<1x1024xf32, #tpu.memory_space<vmem>>
    %dma_start3A_217 = tpu.memref_squeeze %dma_start3A_216 : memref<1x1024xf32, #tpu.memory_space<vmem>> -> memref<1024xf32, #tpu.memory_space<vmem>>
    %dma_start3A_218 = arith.constant 0 : i32
    %dma_start3A_219 = tpu.memref_slice %arg4[%add3A_213, %dma_start3A_218] : memref<32768x1024xf32, #tpu.memory_space<hbm>> -> memref<1x1024xf32, #tpu.memory_space<hbm>>
    %dma_start3A_220 = tpu.memref_squeeze %dma_start3A_219 : memref<1x1024xf32, #tpu.memory_space<hbm>> -> memref<1024xf32, #tpu.memory_space<hbm>>
    %dma_start3A_221 = tpu.memref_slice %arg7[%dma_start3A_214] : memref<2x!tpu.dma_semaphore, #tpu.memory_space<semaphore_mem>> -> memref<1x!tpu.dma_semaphore, #tpu.memory_space<semaphore_mem>>
    %dma_start3A_222 = tpu.memref_squeeze %dma_start3A_221 : memref<1x!tpu.dma_semaphore, #tpu.memory_space<semaphore_mem>> -> memref<!tpu.dma_semaphore, #tpu.memory_space<semaphore_mem>>
    %dma_start3A_223 = arith.constant 0 : i32
    %dma_start3A_224 = tpu.memref_slice %arg4[%add3A_213, %dma_start3A_223] : memref<32768x1024xf32, #tpu.memory_space<hbm>> -> memref<1x1024xf32, #tpu.memory_space<hbm>>
    %dma_start3A_225 = tpu.memref_squeeze %dma_start3A_224 : memref<1x1024xf32, #tpu.memory_space<hbm>> -> memref<1024xf32, #tpu.memory_space<hbm>>
    %dma_start3A_226 = arith.constant 0 : i32
    %dma_start3A_227 = tpu.memref_slice %arg6[%squeeze3A_211, %dma_start3A_226] : memref<16x1024xf32, #tpu.memory_space<vmem>> -> memref<1x1024xf32, #tpu.memory_space<vmem>>
    %dma_start3A_228 = tpu.memref_squeeze %dma_start3A_227 : memref<1x1024xf32, #tpu.memory_space<vmem>> -> memref<1024xf32, #tpu.memory_space<vmem>>
    tpu.enqueue_dma source(%dma_start3A_228 : memref<1024xf32, #tpu.memory_space<vmem>>) target(%dma_start3A_225 : memref<1024xf32, #tpu.memory_space<hbm>>) target_semaphore(%dma_start3A_222 : memref<!tpu.dma_semaphore, #tpu.memory_space<semaphore_mem>>)
    %slice3A_229 = vector.extract_strided_slice %get3A_3 {offsets = [12], sizes = [1], strides = [1]} : vector<16xi32> to vector<1xi32>
    %squeeze3A_230 = vector.extract %slice3A_229[0] : i32 from vector<1xi32>
    %add3A_231 = arith.constant 12 : i32
    %add3A_232 = arith.addi %mul3A_2, %add3A_231 : i32
    %dma_start3A_233 = arith.constant 0 : i32
    %dma_start3A_234 = arith.constant 0 : i32
    %dma_start3A_235 = tpu.memref_slice %arg6[%squeeze3A_230, %dma_start3A_234] : memref<16x1024xf32, #tpu.memory_space<vmem>> -> memref<1x1024xf32, #tpu.memory_space<vmem>>
    %dma_start3A_236 = tpu.memref_squeeze %dma_start3A_235 : memref<1x1024xf32, #tpu.memory_space<vmem>> -> memref<1024xf32, #tpu.memory_space<vmem>>
    %dma_start3A_237 = arith.constant 0 : i32
    %dma_start3A_238 = tpu.memref_slice %arg4[%add3A_232, %dma_start3A_237] : memref<32768x1024xf32, #tpu.memory_space<hbm>> -> memref<1x1024xf32, #tpu.memory_space<hbm>>
    %dma_start3A_239 = tpu.memref_squeeze %dma_start3A_238 : memref<1x1024xf32, #tpu.memory_space<hbm>> -> memref<1024xf32, #tpu.memory_space<hbm>>
    %dma_start3A_240 = tpu.memref_slice %arg7[%dma_start3A_233] : memref<2x!tpu.dma_semaphore, #tpu.memory_space<semaphore_mem>> -> memref<1x!tpu.dma_semaphore, #tpu.memory_space<semaphore_mem>>
    %dma_start3A_241 = tpu.memref_squeeze %dma_start3A_240 : memref<1x!tpu.dma_semaphore, #tpu.memory_space<semaphore_mem>> -> memref<!tpu.dma_semaphore, #tpu.memory_space<semaphore_mem>>
    %dma_start3A_242 = arith.constant 0 : i32
    %dma_start3A_243 = tpu.memref_slice %arg4[%add3A_232, %dma_start3A_242] : memref<32768x1024xf32, #tpu.memory_space<hbm>> -> memref<1x1024xf32, #tpu.memory_space<hbm>>
    %dma_start3A_244 = tpu.memref_squeeze %dma_start3A_243 : memref<1x1024xf32, #tpu.memory_space<hbm>> -> memref<1024xf32, #tpu.memory_space<hbm>>
    %dma_start3A_245 = arith.constant 0 : i32
    %dma_start3A_246 = tpu.memref_slice %arg6[%squeeze3A_230, %dma_start3A_245] : memref<16x1024xf32, #tpu.memory_space<vmem>> -> memref<1x1024xf32, #tpu.memory_space<vmem>>
    %dma_start3A_247 = tpu.memref_squeeze %dma_start3A_246 : memref<1x1024xf32, #tpu.memory_space<vmem>> -> memref<1024xf32, #tpu.memory_space<vmem>>
    tpu.enqueue_dma source(%dma_start3A_247 : memref<1024xf32, #tpu.memory_space<vmem>>) target(%dma_start3A_244 : memref<1024xf32, #tpu.memory_space<hbm>>) target_semaphore(%dma_start3A_241 : memref<!tpu.dma_semaphore, #tpu.memory_space<semaphore_mem>>)
    %slice3A_248 = vector.extract_strided_slice %get3A_3 {offsets = [13], sizes = [1], strides = [1]} : vector<16xi32> to vector<1xi32>
    %squeeze3A_249 = vector.extract %slice3A_248[0] : i32 from vector<1xi32>
    %add3A_250 = arith.constant 13 : i32
    %add3A_251 = arith.addi %mul3A_2, %add3A_250 : i32
    %dma_start3A_252 = arith.constant 0 : i32
    %dma_start3A_253 = arith.constant 0 : i32
    %dma_start3A_254 = tpu.memref_slice %arg6[%squeeze3A_249, %dma_start3A_253] : memref<16x1024xf32, #tpu.memory_space<vmem>> -> memref<1x1024xf32, #tpu.memory_space<vmem>>
    %dma_start3A_255 = tpu.memref_squeeze %dma_start3A_254 : memref<1x1024xf32, #tpu.memory_space<vmem>> -> memref<1024xf32, #tpu.memory_space<vmem>>
    %dma_start3A_256 = arith.constant 0 : i32
    %dma_start3A_257 = tpu.memref_slice %arg4[%add3A_251, %dma_start3A_256] : memref<32768x1024xf32, #tpu.memory_space<hbm>> -> memref<1x1024xf32, #tpu.memory_space<hbm>>
    %dma_start3A_258 = tpu.memref_squeeze %dma_start3A_257 : memref<1x1024xf32, #tpu.memory_space<hbm>> -> memref<1024xf32, #tpu.memory_space<hbm>>
    %dma_start3A_259 = tpu.memref_slice %arg7[%dma_start3A_252] : memref<2x!tpu.dma_semaphore, #tpu.memory_space<semaphore_mem>> -> memref<1x!tpu.dma_semaphore, #tpu.memory_space<semaphore_mem>>
    %dma_start3A_260 = tpu.memref_squeeze %dma_start3A_259 : memref<1x!tpu.dma_semaphore, #tpu.memory_space<semaphore_mem>> -> memref<!tpu.dma_semaphore, #tpu.memory_space<semaphore_mem>>
    %dma_start3A_261 = arith.constant 0 : i32
    %dma_start3A_262 = tpu.memref_slice %arg4[%add3A_251, %dma_start3A_261] : memref<32768x1024xf32, #tpu.memory_space<hbm>> -> memref<1x1024xf32, #tpu.memory_space<hbm>>
    %dma_start3A_263 = tpu.memref_squeeze %dma_start3A_262 : memref<1x1024xf32, #tpu.memory_space<hbm>> -> memref<1024xf32, #tpu.memory_space<hbm>>
    %dma_start3A_264 = arith.constant 0 : i32
    %dma_start3A_265 = tpu.memref_slice %arg6[%squeeze3A_249, %dma_start3A_264] : memref<16x1024xf32, #tpu.memory_space<vmem>> -> memref<1x1024xf32, #tpu.memory_space<vmem>>
    %dma_start3A_266 = tpu.memref_squeeze %dma_start3A_265 : memref<1x1024xf32, #tpu.memory_space<vmem>> -> memref<1024xf32, #tpu.memory_space<vmem>>
    tpu.enqueue_dma source(%dma_start3A_266 : memref<1024xf32, #tpu.memory_space<vmem>>) target(%dma_start3A_263 : memref<1024xf32, #tpu.memory_space<hbm>>) target_semaphore(%dma_start3A_260 : memref<!tpu.dma_semaphore, #tpu.memory_space<semaphore_mem>>)
    %slice3A_267 = vector.extract_strided_slice %get3A_3 {offsets = [14], sizes = [1], strides = [1]} : vector<16xi32> to vector<1xi32>
    %squeeze3A_268 = vector.extract %slice3A_267[0] : i32 from vector<1xi32>
    %add3A_269 = arith.constant 14 : i32
    %add3A_270 = arith.addi %mul3A_2, %add3A_269 : i32
    %dma_start3A_271 = arith.constant 0 : i32
    %dma_start3A_272 = arith.constant 0 : i32
    %dma_start3A_273 = tpu.memref_slice %arg6[%squeeze3A_268, %dma_start3A_272] : memref<16x1024xf32, #tpu.memory_space<vmem>> -> memref<1x1024xf32, #tpu.memory_space<vmem>>
    %dma_start3A_274 = tpu.memref_squeeze %dma_start3A_273 : memref<1x1024xf32, #tpu.memory_space<vmem>> -> memref<1024xf32, #tpu.memory_space<vmem>>
    %dma_start3A_275 = arith.constant 0 : i32
    %dma_start3A_276 = tpu.memref_slice %arg4[%add3A_270, %dma_start3A_275] : memref<32768x1024xf32, #tpu.memory_space<hbm>> -> memref<1x1024xf32, #tpu.memory_space<hbm>>
    %dma_start3A_277 = tpu.memref_squeeze %dma_start3A_276 : memref<1x1024xf32, #tpu.memory_space<hbm>> -> memref<1024xf32, #tpu.memory_space<hbm>>
    %dma_start3A_278 = tpu.memref_slice %arg7[%dma_start3A_271] : memref<2x!tpu.dma_semaphore, #tpu.memory_space<semaphore_mem>> -> memref<1x!tpu.dma_semaphore, #tpu.memory_space<semaphore_mem>>
    %dma_start3A_279 = tpu.memref_squeeze %dma_start3A_278 : memref<1x!tpu.dma_semaphore, #tpu.memory_space<semaphore_mem>> -> memref<!tpu.dma_semaphore, #tpu.memory_space<semaphore_mem>>
    %dma_start3A_280 = arith.constant 0 : i32
    %dma_start3A_281 = tpu.memref_slice %arg4[%add3A_270, %dma_start3A_280] : memref<32768x1024xf32, #tpu.memory_space<hbm>> -> memref<1x1024xf32, #tpu.memory_space<hbm>>
    %dma_start3A_282 = tpu.memref_squeeze %dma_start3A_281 : memref<1x1024xf32, #tpu.memory_space<hbm>> -> memref<1024xf32, #tpu.memory_space<hbm>>
    %dma_start3A_283 = arith.constant 0 : i32
    %dma_start3A_284 = tpu.memref_slice %arg6[%squeeze3A_268, %dma_start3A_283] : memref<16x1024xf32, #tpu.memory_space<vmem>> -> memref<1x1024xf32, #tpu.memory_space<vmem>>
    %dma_start3A_285 = tpu.memref_squeeze %dma_start3A_284 : memref<1x1024xf32, #tpu.memory_space<vmem>> -> memref<1024xf32, #tpu.memory_space<vmem>>
    tpu.enqueue_dma source(%dma_start3A_285 : memref<1024xf32, #tpu.memory_space<vmem>>) target(%dma_start3A_282 : memref<1024xf32, #tpu.memory_space<hbm>>) target_semaphore(%dma_start3A_279 : memref<!tpu.dma_semaphore, #tpu.memory_space<semaphore_mem>>)
    %slice3A_286 = vector.extract_strided_slice %get3A_3 {offsets = [15], sizes = [1], strides = [1]} : vector<16xi32> to vector<1xi32>
    %squeeze3A_287 = vector.extract %slice3A_286[0] : i32 from vector<1xi32>
    %add3A_288 = arith.constant 15 : i32
    %add3A_289 = arith.addi %mul3A_2, %add3A_288 : i32
    %dma_start3A_290 = arith.constant 0 : i32
    %dma_start3A_291 = arith.constant 0 : i32
    %dma_start3A_292 = tpu.memref_slice %arg6[%squeeze3A_287, %dma_start3A_291] : memref<16x1024xf32, #tpu.memory_space<vmem>> -> memref<1x1024xf32, #tpu.memory_space<vmem>>
    %dma_start3A_293 = tpu.memref_squeeze %dma_start3A_292 : memref<1x1024xf32, #tpu.memory_space<vmem>> -> memref<1024xf32, #tpu.memory_space<vmem>>
    %dma_start3A_294 = arith.constant 0 : i32
    %dma_start3A_295 = tpu.memref_slice %arg4[%add3A_289, %dma_start3A_294] : memref<32768x1024xf32, #tpu.memory_space<hbm>> -> memref<1x1024xf32, #tpu.memory_space<hbm>>
    %dma_start3A_296 = tpu.memref_squeeze %dma_start3A_295 : memref<1x1024xf32, #tpu.memory_space<hbm>> -> memref<1024xf32, #tpu.memory_space<hbm>>
    %dma_start3A_297 = tpu.memref_slice %arg7[%dma_start3A_290] : memref<2x!tpu.dma_semaphore, #tpu.memory_space<semaphore_mem>> -> memref<1x!tpu.dma_semaphore, #tpu.memory_space<semaphore_mem>>
    %dma_start3A_298 = tpu.memref_squeeze %dma_start3A_297 : memref<1x!tpu.dma_semaphore, #tpu.memory_space<semaphore_mem>> -> memref<!tpu.dma_semaphore, #tpu.memory_space<semaphore_mem>>
    %dma_start3A_299 = arith.constant 0 : i32
    %dma_start3A_300 = tpu.memref_slice %arg4[%add3A_289, %dma_start3A_299] : memref<32768x1024xf32, #tpu.memory_space<hbm>> -> memref<1x1024xf32, #tpu.memory_space<hbm>>
    %dma_start3A_301 = tpu.memref_squeeze %dma_start3A_300 : memref<1x1024xf32, #tpu.memory_space<hbm>> -> memref<1024xf32, #tpu.memory_space<hbm>>
    %dma_start3A_302 = arith.constant 0 : i32
    %dma_start3A_303 = tpu.memref_slice %arg6[%squeeze3A_287, %dma_start3A_302] : memref<16x1024xf32, #tpu.memory_space<vmem>> -> memref<1x1024xf32, #tpu.memory_space<vmem>>
    %dma_start3A_304 = tpu.memref_squeeze %dma_start3A_303 : memref<1x1024xf32, #tpu.memory_space<vmem>> -> memref<1024xf32, #tpu.memory_space<vmem>>
    tpu.enqueue_dma source(%dma_start3A_304 : memref<1024xf32, #tpu.memory_space<vmem>>) target(%dma_start3A_301 : memref<1024xf32, #tpu.memory_space<hbm>>) target_semaphore(%dma_start3A_298 : memref<!tpu.dma_semaphore, #tpu.memory_space<semaphore_mem>>)
    %scan3A = arith.constant 0 : i32
    %scan3A_305 = arith.constant 32 : i32
    %scan3A_306 = arith.addi %scan3A, %scan3A_305 : i32
    %scan3A_307 = arith.constant 1 : i32
    scf.for %scan3A_309 = %scan3A to %scan3A_306 step %scan3A_307  : i32 {
      %mul3A_310 = arith.constant 2 : i32
      %mul3A_311 = arith.muli %scan3A_309, %mul3A_310 : i32
      %add3A_312 = arith.constant 0 : i32
      %add3A_313 = arith.addi %mul3A_311, %add3A_312 : i32
      %add3A_314 = arith.constant 1 : i32
      %add3A_315 = arith.addi %add3A_313, %add3A_314 : i32
      %lt3A = arith.constant 64 : i32
      %lt3A_316 = arith.cmpi slt, %add3A_315, %lt3A : i32
      %convert_element_type3A = arith.extui %lt3A_316 : i1 to i32
      %cond3A = arith.constant 0 : i32
      %cond3A_317 = arith.cmpi ne, %convert_element_type3A, %cond3A : i32
      scf.if %cond3A_317 {
        %add3A_348 = arith.constant 1 : i32
        %add3A_349 = arith.addi %add3A_313, %add3A_348 : i32
        %mul3A_350 = arith.constant 16 : i32
        %mul3A_351 = arith.muli %add3A_349, %mul3A_350 : i32
        %get3A_352 = arith.index_cast %mul3A_351 : i32 to index
        %get3A_353 = tpu.vector_load %arg5[%get3A_352] {strides = array<i32>} : memref<1024xi32, #tpu.memory_space<vmem>>, vector<16xi32>,
        %mul3A_354 = arith.constant 16 : i32
        %mul3A_355 = arith.muli %add3A_349, %mul3A_354 : i32
        %add3A_356 = arith.constant 0 : i32
        %add3A_357 = arith.addi %mul3A_355, %add3A_356 : i32
        %slice3A_358 = vector.extract_strided_slice %get3A_353 {offsets = [0], sizes = [1], strides = [1]} : vector<16xi32> to vector<1xi32>
        %squeeze3A_359 = vector.extract %slice3A_358[0] : i32 from vector<1xi32>
        %add3A_360 = arith.addi %mul3A_2, %add3A_357 : i32
        %dma_start3A_361 = arith.constant 1 : i32
        %dma_start3A_362 = arith.constant 0 : i32
        %dma_start3A_363 = tpu.memref_slice %arg6[%squeeze3A_359, %dma_start3A_362] : memref<16x1024xf32, #tpu.memory_space<vmem>> -> memref<1x1024xf32, #tpu.memory_space<vmem>>
        %dma_start3A_364 = tpu.memref_squeeze %dma_start3A_363 : memref<1x1024xf32, #tpu.memory_space<vmem>> -> memref<1024xf32, #tpu.memory_space<vmem>>
        %dma_start3A_365 = arith.constant 0 : i32
        %dma_start3A_366 = tpu.memref_slice %arg4[%add3A_360, %dma_start3A_365] : memref<32768x1024xf32, #tpu.memory_space<hbm>> -> memref<1x1024xf32, #tpu.memory_space<hbm>>
        %dma_start3A_367 = tpu.memref_squeeze %dma_start3A_366 : memref<1x1024xf32, #tpu.memory_space<hbm>> -> memref<1024xf32, #tpu.memory_space<hbm>>
        %dma_start3A_368 = tpu.memref_slice %arg7[%dma_start3A_361] : memref<2x!tpu.dma_semaphore, #tpu.memory_space<semaphore_mem>> -> memref<1x!tpu.dma_semaphore, #tpu.memory_space<semaphore_mem>>
        %dma_start3A_369 = tpu.memref_squeeze %dma_start3A_368 : memref<1x!tpu.dma_semaphore, #tpu.memory_space<semaphore_mem>> -> memref<!tpu.dma_semaphore, #tpu.memory_space<semaphore_mem>>
        %dma_start3A_370 = arith.constant 0 : i32
        %dma_start3A_371 = tpu.memref_slice %arg4[%add3A_360, %dma_start3A_370] : memref<32768x1024xf32, #tpu.memory_space<hbm>> -> memref<1x1024xf32, #tpu.memory_space<hbm>>
        %dma_start3A_372 = tpu.memref_squeeze %dma_start3A_371 : memref<1x1024xf32, #tpu.memory_space<hbm>> -> memref<1024xf32, #tpu.memory_space<hbm>>
        %dma_start3A_373 = arith.constant 0 : i32
        %dma_start3A_374 = tpu.memref_slice %arg6[%squeeze3A_359, %dma_start3A_373] : memref<16x1024xf32, #tpu.memory_space<vmem>> -> memref<1x1024xf32, #tpu.memory_space<vmem>>
        %dma_start3A_375 = tpu.memref_squeeze %dma_start3A_374 : memref<1x1024xf32, #tpu.memory_space<vmem>> -> memref<1024xf32, #tpu.memory_space<vmem>>
        tpu.enqueue_dma source(%dma_start3A_375 : memref<1024xf32, #tpu.memory_space<vmem>>) target(%dma_start3A_372 : memref<1024xf32, #tpu.memory_space<hbm>>) target_semaphore(%dma_start3A_369 : memref<!tpu.dma_semaphore, #tpu.memory_space<semaphore_mem>>)
        %mul3A_376 = arith.constant 16 : i32
        %mul3A_377 = arith.muli %add3A_349, %mul3A_376 : i32
        %add3A_378 = arith.constant 1 : i32
        %add3A_379 = arith.addi %mul3A_377, %add3A_378 : i32
        %slice3A_380 = vector.extract_strided_slice %get3A_353 {offsets = [1], sizes = [1], strides = [1]} : vector<16xi32> to vector<1xi32>
        %squeeze3A_381 = vector.extract %slice3A_380[0] : i32 from vector<1xi32>
        %add3A_382 = arith.addi %mul3A_2, %add3A_379 : i32
        %dma_start3A_383 = arith.constant 1 : i32
        %dma_start3A_384 = arith.constant 0 : i32
        %dma_start3A_385 = tpu.memref_slice %arg6[%squeeze3A_381, %dma_start3A_384] : memref<16x1024xf32, #tpu.memory_space<vmem>> -> memref<1x1024xf32, #tpu.memory_space<vmem>>
        %dma_start3A_386 = tpu.memref_squeeze %dma_start3A_385 : memref<1x1024xf32, #tpu.memory_space<vmem>> -> memref<1024xf32, #tpu.memory_space<vmem>>
        %dma_start3A_387 = arith.constant 0 : i32
        %dma_start3A_388 = tpu.memref_slice %arg4[%add3A_382, %dma_start3A_387] : memref<32768x1024xf32, #tpu.memory_space<hbm>> -> memref<1x1024xf32, #tpu.memory_space<hbm>>
        %dma_start3A_389 = tpu.memref_squeeze %dma_start3A_388 : memref<1x1024xf32, #tpu.memory_space<hbm>> -> memref<1024xf32, #tpu.memory_space<hbm>>
        %dma_start3A_390 = tpu.memref_slice %arg7[%dma_start3A_383] : memref<2x!tpu.dma_semaphore, #tpu.memory_space<semaphore_mem>> -> memref<1x!tpu.dma_semaphore, #tpu.memory_space<semaphore_mem>>
        %dma_start3A_391 = tpu.memref_squeeze %dma_start3A_390 : memref<1x!tpu.dma_semaphore, #tpu.memory_space<semaphore_mem>> -> memref<!tpu.dma_semaphore, #tpu.memory_space<semaphore_mem>>
        %dma_start3A_392 = arith.constant 0 : i32
        %dma_start3A_393 = tpu.memref_slice %arg4[%add3A_382, %dma_start3A_392] : memref<32768x1024xf32, #tpu.memory_space<hbm>> -> memref<1x1024xf32, #tpu.memory_space<hbm>>
        %dma_start3A_394 = tpu.memref_squeeze %dma_start3A_393 : memref<1x1024xf32, #tpu.memory_space<hbm>> -> memref<1024xf32, #tpu.memory_space<hbm>>
        %dma_start3A_395 = arith.constant 0 : i32
        %dma_start3A_396 = tpu.memref_slice %arg6[%squeeze3A_381, %dma_start3A_395] : memref<16x1024xf32, #tpu.memory_space<vmem>> -> memref<1x1024xf32, #tpu.memory_space<vmem>>
        %dma_start3A_397 = tpu.memref_squeeze %dma_start3A_396 : memref<1x1024xf32, #tpu.memory_space<vmem>> -> memref<1024xf32, #tpu.memory_space<vmem>>
        tpu.enqueue_dma source(%dma_start3A_397 : memref<1024xf32, #tpu.memory_space<vmem>>) target(%dma_start3A_394 : memref<1024xf32, #tpu.memory_space<hbm>>) target_semaphore(%dma_start3A_391 : memref<!tpu.dma_semaphore, #tpu.memory_space<semaphore_mem>>)
        %mul3A_398 = arith.constant 16 : i32
        %mul3A_399 = arith.muli %add3A_349, %mul3A_398 : i32
        %add3A_400 = arith.constant 2 : i32
        %add3A_401 = arith.addi %mul3A_399, %add3A_400 : i32
        %slice3A_402 = vector.extract_strided_slice %get3A_353 {offsets = [2], sizes = [1], strides = [1]} : vector<16xi32> to vector<1xi32>
        %squeeze3A_403 = vector.extract %slice3A_402[0] : i32 from vector<1xi32>
        %add3A_404 = arith.addi %mul3A_2, %add3A_401 : i32
        %dma_start3A_405 = arith.constant 1 : i32
        %dma_start3A_406 = arith.constant 0 : i32
        %dma_start3A_407 = tpu.memref_slice %arg6[%squeeze3A_403, %dma_start3A_406] : memref<16x1024xf32, #tpu.memory_space<vmem>> -> memref<1x1024xf32, #tpu.memory_space<vmem>>
        %dma_start3A_408 = tpu.memref_squeeze %dma_start3A_407 : memref<1x1024xf32, #tpu.memory_space<vmem>> -> memref<1024xf32, #tpu.memory_space<vmem>>
        %dma_start3A_409 = arith.constant 0 : i32
        %dma_start3A_410 = tpu.memref_slice %arg4[%add3A_404, %dma_start3A_409] : memref<32768x1024xf32, #tpu.memory_space<hbm>> -> memref<1x1024xf32, #tpu.memory_space<hbm>>
        %dma_start3A_411 = tpu.memref_squeeze %dma_start3A_410 : memref<1x1024xf32, #tpu.memory_space<hbm>> -> memref<1024xf32, #tpu.memory_space<hbm>>
        %dma_start3A_412 = tpu.memref_slice %arg7[%dma_start3A_405] : memref<2x!tpu.dma_semaphore, #tpu.memory_space<semaphore_mem>> -> memref<1x!tpu.dma_semaphore, #tpu.memory_space<semaphore_mem>>
        %dma_start3A_413 = tpu.memref_squeeze %dma_start3A_412 : memref<1x!tpu.dma_semaphore, #tpu.memory_space<semaphore_mem>> -> memref<!tpu.dma_semaphore, #tpu.memory_space<semaphore_mem>>
        %dma_start3A_414 = arith.constant 0 : i32
        %dma_start3A_415 = tpu.memref_slice %arg4[%add3A_404, %dma_start3A_414] : memref<32768x1024xf32, #tpu.memory_space<hbm>> -> memref<1x1024xf32, #tpu.memory_space<hbm>>
        %dma_start3A_416 = tpu.memref_squeeze %dma_start3A_415 : memref<1x1024xf32, #tpu.memory_space<hbm>> -> memref<1024xf32, #tpu.memory_space<hbm>>
        %dma_start3A_417 = arith.constant 0 : i32
        %dma_start3A_418 = tpu.memref_slice %arg6[%squeeze3A_403, %dma_start3A_417] : memref<16x1024xf32, #tpu.memory_space<vmem>> -> memref<1x1024xf32, #tpu.memory_space<vmem>>
        %dma_start3A_419 = tpu.memref_squeeze %dma_start3A_418 : memref<1x1024xf32, #tpu.memory_space<vmem>> -> memref<1024xf32, #tpu.memory_space<vmem>>
        tpu.enqueue_dma source(%dma_start3A_419 : memref<1024xf32, #tpu.memory_space<vmem>>) target(%dma_start3A_416 : memref<1024xf32, #tpu.memory_space<hbm>>) target_semaphore(%dma_start3A_413 : memref<!tpu.dma_semaphore, #tpu.memory_space<semaphore_mem>>)
        %mul3A_420 = arith.constant 16 : i32
        %mul3A_421 = arith.muli %add3A_349, %mul3A_420 : i32
        %add3A_422 = arith.constant 3 : i32
        %add3A_423 = arith.addi %mul3A_421, %add3A_422 : i32
        %slice3A_424 = vector.extract_strided_slice %get3A_353 {offsets = [3], sizes = [1], strides = [1]} : vector<16xi32> to vector<1xi32>
        %squeeze3A_425 = vector.extract %slice3A_424[0] : i32 from vector<1xi32>
        %add3A_426 = arith.addi %mul3A_2, %add3A_423 : i32
        %dma_start3A_427 = arith.constant 1 : i32
        %dma_start3A_428 = arith.constant 0 : i32
        %dma_start3A_429 = tpu.memref_slice %arg6[%squeeze3A_425, %dma_start3A_428] : memref<16x1024xf32, #tpu.memory_space<vmem>> -> memref<1x1024xf32, #tpu.memory_space<vmem>>
        %dma_start3A_430 = tpu.memref_squeeze %dma_start3A_429 : memref<1x1024xf32, #tpu.memory_space<vmem>> -> memref<1024xf32, #tpu.memory_space<vmem>>
        %dma_start3A_431 = arith.constant 0 : i32
        %dma_start3A_432 = tpu.memref_slice %arg4[%add3A_426, %dma_start3A_431] : memref<32768x1024xf32, #tpu.memory_space<hbm>> -> memref<1x1024xf32, #tpu.memory_space<hbm>>
        %dma_start3A_433 = tpu.memref_squeeze %dma_start3A_432 : memref<1x1024xf32, #tpu.memory_space<hbm>> -> memref<1024xf32, #tpu.memory_space<hbm>>
        %dma_start3A_434 = tpu.memref_slice %arg7[%dma_start3A_427] : memref<2x!tpu.dma_semaphore, #tpu.memory_space<semaphore_mem>> -> memref<1x!tpu.dma_semaphore, #tpu.memory_space<semaphore_mem>>
        %dma_start3A_435 = tpu.memref_squeeze %dma_start3A_434 : memref<1x!tpu.dma_semaphore, #tpu.memory_space<semaphore_mem>> -> memref<!tpu.dma_semaphore, #tpu.memory_space<semaphore_mem>>
        %dma_start3A_436 = arith.constant 0 : i32
        %dma_start3A_437 = tpu.memref_slice %arg4[%add3A_426, %dma_start3A_436] : memref<32768x1024xf32, #tpu.memory_space<hbm>> -> memref<1x1024xf32, #tpu.memory_space<hbm>>
        %dma_start3A_438 = tpu.memref_squeeze %dma_start3A_437 : memref<1x1024xf32, #tpu.memory_space<hbm>> -> memref<1024xf32, #tpu.memory_space<hbm>>
        %dma_start3A_439 = arith.constant 0 : i32
        %dma_start3A_440 = tpu.memref_slice %arg6[%squeeze3A_425, %dma_start3A_439] : memref<16x1024xf32, #tpu.memory_space<vmem>> -> memref<1x1024xf32, #tpu.memory_space<vmem>>
        %dma_start3A_441 = tpu.memref_squeeze %dma_start3A_440 : memref<1x1024xf32, #tpu.memory_space<vmem>> -> memref<1024xf32, #tpu.memory_space<vmem>>
        tpu.enqueue_dma source(%dma_start3A_441 : memref<1024xf32, #tpu.memory_space<vmem>>) target(%dma_start3A_438 : memref<1024xf32, #tpu.memory_space<hbm>>) target_semaphore(%dma_start3A_435 : memref<!tpu.dma_semaphore, #tpu.memory_space<semaphore_mem>>)
        %mul3A_442 = arith.constant 16 : i32
        %mul3A_443 = arith.muli %add3A_349, %mul3A_442 : i32
        %add3A_444 = arith.constant 4 : i32
        %add3A_445 = arith.addi %mul3A_443, %add3A_444 : i32
        %slice3A_446 = vector.extract_strided_slice %get3A_353 {offsets = [4], sizes = [1], strides = [1]} : vector<16xi32> to vector<1xi32>
        %squeeze3A_447 = vector.extract %slice3A_446[0] : i32 from vector<1xi32>
        %add3A_448 = arith.addi %mul3A_2, %add3A_445 : i32
        %dma_start3A_449 = arith.constant 1 : i32
        %dma_start3A_450 = arith.constant 0 : i32
        %dma_start3A_451 = tpu.memref_slice %arg6[%squeeze3A_447, %dma_start3A_450] : memref<16x1024xf32, #tpu.memory_space<vmem>> -> memref<1x1024xf32, #tpu.memory_space<vmem>>
        %dma_start3A_452 = tpu.memref_squeeze %dma_start3A_451 : memref<1x1024xf32, #tpu.memory_space<vmem>> -> memref<1024xf32, #tpu.memory_space<vmem>>
        %dma_start3A_453 = arith.constant 0 : i32
        %dma_start3A_454 = tpu.memref_slice %arg4[%add3A_448, %dma_start3A_453] : memref<32768x1024xf32, #tpu.memory_space<hbm>> -> memref<1x1024xf32, #tpu.memory_space<hbm>>
        %dma_start3A_455 = tpu.memref_squeeze %dma_start3A_454 : memref<1x1024xf32, #tpu.memory_space<hbm>> -> memref<1024xf32, #tpu.memory_space<hbm>>
        %dma_start3A_456 = tpu.memref_slice %arg7[%dma_start3A_449] : memref<2x!tpu.dma_semaphore, #tpu.memory_space<semaphore_mem>> -> memref<1x!tpu.dma_semaphore, #tpu.memory_space<semaphore_mem>>
        %dma_start3A_457 = tpu.memref_squeeze %dma_start3A_456 : memref<1x!tpu.dma_semaphore, #tpu.memory_space<semaphore_mem>> -> memref<!tpu.dma_semaphore, #tpu.memory_space<semaphore_mem>>
        %dma_start3A_458 = arith.constant 0 : i32
        %dma_start3A_459 = tpu.memref_slice %arg4[%add3A_448, %dma_start3A_458] : memref<32768x1024xf32, #tpu.memory_space<hbm>> -> memref<1x1024xf32, #tpu.memory_space<hbm>>
        %dma_start3A_460 = tpu.memref_squeeze %dma_start3A_459 : memref<1x1024xf32, #tpu.memory_space<hbm>> -> memref<1024xf32, #tpu.memory_space<hbm>>
        %dma_start3A_461 = arith.constant 0 : i32
        %dma_start3A_462 = tpu.memref_slice %arg6[%squeeze3A_447, %dma_start3A_461] : memref<16x1024xf32, #tpu.memory_space<vmem>> -> memref<1x1024xf32, #tpu.memory_space<vmem>>
        %dma_start3A_463 = tpu.memref_squeeze %dma_start3A_462 : memref<1x1024xf32, #tpu.memory_space<vmem>> -> memref<1024xf32, #tpu.memory_space<vmem>>
        tpu.enqueue_dma source(%dma_start3A_463 : memref<1024xf32, #tpu.memory_space<vmem>>) target(%dma_start3A_460 : memref<1024xf32, #tpu.memory_space<hbm>>) target_semaphore(%dma_start3A_457 : memref<!tpu.dma_semaphore, #tpu.memory_space<semaphore_mem>>)
        %mul3A_464 = arith.constant 16 : i32
        %mul3A_465 = arith.muli %add3A_349, %mul3A_464 : i32
        %add3A_466 = arith.constant 5 : i32
        %add3A_467 = arith.addi %mul3A_465, %add3A_466 : i32
        %slice3A_468 = vector.extract_strided_slice %get3A_353 {offsets = [5], sizes = [1], strides = [1]} : vector<16xi32> to vector<1xi32>
        %squeeze3A_469 = vector.extract %slice3A_468[0] : i32 from vector<1xi32>
        %add3A_470 = arith.addi %mul3A_2, %add3A_467 : i32
        %dma_start3A_471 = arith.constant 1 : i32
        %dma_start3A_472 = arith.constant 0 : i32
        %dma_start3A_473 = tpu.memref_slice %arg6[%squeeze3A_469, %dma_start3A_472] : memref<16x1024xf32, #tpu.memory_space<vmem>> -> memref<1x1024xf32, #tpu.memory_space<vmem>>
        %dma_start3A_474 = tpu.memref_squeeze %dma_start3A_473 : memref<1x1024xf32, #tpu.memory_space<vmem>> -> memref<1024xf32, #tpu.memory_space<vmem>>
        %dma_start3A_475 = arith.constant 0 : i32
        %dma_start3A_476 = tpu.memref_slice %arg4[%add3A_470, %dma_start3A_475] : memref<32768x1024xf32, #tpu.memory_space<hbm>> -> memref<1x1024xf32, #tpu.memory_space<hbm>>
        %dma_start3A_477 = tpu.memref_squeeze %dma_start3A_476 : memref<1x1024xf32, #tpu.memory_space<hbm>> -> memref<1024xf32, #tpu.memory_space<hbm>>
        %dma_start3A_478 = tpu.memref_slice %arg7[%dma_start3A_471] : memref<2x!tpu.dma_semaphore, #tpu.memory_space<semaphore_mem>> -> memref<1x!tpu.dma_semaphore, #tpu.memory_space<semaphore_mem>>
        %dma_start3A_479 = tpu.memref_squeeze %dma_start3A_478 : memref<1x!tpu.dma_semaphore, #tpu.memory_space<semaphore_mem>> -> memref<!tpu.dma_semaphore, #tpu.memory_space<semaphore_mem>>
        %dma_start3A_480 = arith.constant 0 : i32
        %dma_start3A_481 = tpu.memref_slice %arg4[%add3A_470, %dma_start3A_480] : memref<32768x1024xf32, #tpu.memory_space<hbm>> -> memref<1x1024xf32, #tpu.memory_space<hbm>>
        %dma_start3A_482 = tpu.memref_squeeze %dma_start3A_481 : memref<1x1024xf32, #tpu.memory_space<hbm>> -> memref<1024xf32, #tpu.memory_space<hbm>>
        %dma_start3A_483 = arith.constant 0 : i32
        %dma_start3A_484 = tpu.memref_slice %arg6[%squeeze3A_469, %dma_start3A_483] : memref<16x1024xf32, #tpu.memory_space<vmem>> -> memref<1x1024xf32, #tpu.memory_space<vmem>>
        %dma_start3A_485 = tpu.memref_squeeze %dma_start3A_484 : memref<1x1024xf32, #tpu.memory_space<vmem>> -> memref<1024xf32, #tpu.memory_space<vmem>>
        tpu.enqueue_dma source(%dma_start3A_485 : memref<1024xf32, #tpu.memory_space<vmem>>) target(%dma_start3A_482 : memref<1024xf32, #tpu.memory_space<hbm>>) target_semaphore(%dma_start3A_479 : memref<!tpu.dma_semaphore, #tpu.memory_space<semaphore_mem>>)
        %mul3A_486 = arith.constant 16 : i32
        %mul3A_487 = arith.muli %add3A_349, %mul3A_486 : i32
        %add3A_488 = arith.constant 6 : i32
        %add3A_489 = arith.addi %mul3A_487, %add3A_488 : i32
        %slice3A_490 = vector.extract_strided_slice %get3A_353 {offsets = [6], sizes = [1], strides = [1]} : vector<16xi32> to vector<1xi32>
        %squeeze3A_491 = vector.extract %slice3A_490[0] : i32 from vector<1xi32>
        %add3A_492 = arith.addi %mul3A_2, %add3A_489 : i32
        %dma_start3A_493 = arith.constant 1 : i32
        %dma_start3A_494 = arith.constant 0 : i32
        %dma_start3A_495 = tpu.memref_slice %arg6[%squeeze3A_491, %dma_start3A_494] : memref<16x1024xf32, #tpu.memory_space<vmem>> -> memref<1x1024xf32, #tpu.memory_space<vmem>>
        %dma_start3A_496 = tpu.memref_squeeze %dma_start3A_495 : memref<1x1024xf32, #tpu.memory_space<vmem>> -> memref<1024xf32, #tpu.memory_space<vmem>>
        %dma_start3A_497 = arith.constant 0 : i32
        %dma_start3A_498 = tpu.memref_slice %arg4[%add3A_492, %dma_start3A_497] : memref<32768x1024xf32, #tpu.memory_space<hbm>> -> memref<1x1024xf32, #tpu.memory_space<hbm>>
        %dma_start3A_499 = tpu.memref_squeeze %dma_start3A_498 : memref<1x1024xf32, #tpu.memory_space<hbm>> -> memref<1024xf32, #tpu.memory_space<hbm>>
        %dma_start3A_500 = tpu.memref_slice %arg7[%dma_start3A_493] : memref<2x!tpu.dma_semaphore, #tpu.memory_space<semaphore_mem>> -> memref<1x!tpu.dma_semaphore, #tpu.memory_space<semaphore_mem>>
        %dma_start3A_501 = tpu.memref_squeeze %dma_start3A_500 : memref<1x!tpu.dma_semaphore, #tpu.memory_space<semaphore_mem>> -> memref<!tpu.dma_semaphore, #tpu.memory_space<semaphore_mem>>
        %dma_start3A_502 = arith.constant 0 : i32
        %dma_start3A_503 = tpu.memref_slice %arg4[%add3A_492, %dma_start3A_502] : memref<32768x1024xf32, #tpu.memory_space<hbm>> -> memref<1x1024xf32, #tpu.memory_space<hbm>>
        %dma_start3A_504 = tpu.memref_squeeze %dma_start3A_503 : memref<1x1024xf32, #tpu.memory_space<hbm>> -> memref<1024xf32, #tpu.memory_space<hbm>>
        %dma_start3A_505 = arith.constant 0 : i32
        %dma_start3A_506 = tpu.memref_slice %arg6[%squeeze3A_491, %dma_start3A_505] : memref<16x1024xf32, #tpu.memory_space<vmem>> -> memref<1x1024xf32, #tpu.memory_space<vmem>>
        %dma_start3A_507 = tpu.memref_squeeze %dma_start3A_506 : memref<1x1024xf32, #tpu.memory_space<vmem>> -> memref<1024xf32, #tpu.memory_space<vmem>>
        tpu.enqueue_dma source(%dma_start3A_507 : memref<1024xf32, #tpu.memory_space<vmem>>) target(%dma_start3A_504 : memref<1024xf32, #tpu.memory_space<hbm>>) target_semaphore(%dma_start3A_501 : memref<!tpu.dma_semaphore, #tpu.memory_space<semaphore_mem>>)
        %mul3A_508 = arith.constant 16 : i32
        %mul3A_509 = arith.muli %add3A_349, %mul3A_508 : i32
        %add3A_510 = arith.constant 7 : i32
        %add3A_511 = arith.addi %mul3A_509, %add3A_510 : i32
        %slice3A_512 = vector.extract_strided_slice %get3A_353 {offsets = [7], sizes = [1], strides = [1]} : vector<16xi32> to vector<1xi32>
        %squeeze3A_513 = vector.extract %slice3A_512[0] : i32 from vector<1xi32>
        %add3A_514 = arith.addi %mul3A_2, %add3A_511 : i32
        %dma_start3A_515 = arith.constant 1 : i32
        %dma_start3A_516 = arith.constant 0 : i32
        %dma_start3A_517 = tpu.memref_slice %arg6[%squeeze3A_513, %dma_start3A_516] : memref<16x1024xf32, #tpu.memory_space<vmem>> -> memref<1x1024xf32, #tpu.memory_space<vmem>>
        %dma_start3A_518 = tpu.memref_squeeze %dma_start3A_517 : memref<1x1024xf32, #tpu.memory_space<vmem>> -> memref<1024xf32, #tpu.memory_space<vmem>>
        %dma_start3A_519 = arith.constant 0 : i32
        %dma_start3A_520 = tpu.memref_slice %arg4[%add3A_514, %dma_start3A_519] : memref<32768x1024xf32, #tpu.memory_space<hbm>> -> memref<1x1024xf32, #tpu.memory_space<hbm>>
        %dma_start3A_521 = tpu.memref_squeeze %dma_start3A_520 : memref<1x1024xf32, #tpu.memory_space<hbm>> -> memref<1024xf32, #tpu.memory_space<hbm>>
        %dma_start3A_522 = tpu.memref_slice %arg7[%dma_start3A_515] : memref<2x!tpu.dma_semaphore, #tpu.memory_space<semaphore_mem>> -> memref<1x!tpu.dma_semaphore, #tpu.memory_space<semaphore_mem>>
        %dma_start3A_523 = tpu.memref_squeeze %dma_start3A_522 : memref<1x!tpu.dma_semaphore, #tpu.memory_space<semaphore_mem>> -> memref<!tpu.dma_semaphore, #tpu.memory_space<semaphore_mem>>
        %dma_start3A_524 = arith.constant 0 : i32
        %dma_start3A_525 = tpu.memref_slice %arg4[%add3A_514, %dma_start3A_524] : memref<32768x1024xf32, #tpu.memory_space<hbm>> -> memref<1x1024xf32, #tpu.memory_space<hbm>>
        %dma_start3A_526 = tpu.memref_squeeze %dma_start3A_525 : memref<1x1024xf32, #tpu.memory_space<hbm>> -> memref<1024xf32, #tpu.memory_space<hbm>>
        %dma_start3A_527 = arith.constant 0 : i32
        %dma_start3A_528 = tpu.memref_slice %arg6[%squeeze3A_513, %dma_start3A_527] : memref<16x1024xf32, #tpu.memory_space<vmem>> -> memref<1x1024xf32, #tpu.memory_space<vmem>>
        %dma_start3A_529 = tpu.memref_squeeze %dma_start3A_528 : memref<1x1024xf32, #tpu.memory_space<vmem>> -> memref<1024xf32, #tpu.memory_space<vmem>>
        tpu.enqueue_dma source(%dma_start3A_529 : memref<1024xf32, #tpu.memory_space<vmem>>) target(%dma_start3A_526 : memref<1024xf32, #tpu.memory_space<hbm>>) target_semaphore(%dma_start3A_523 : memref<!tpu.dma_semaphore, #tpu.memory_space<semaphore_mem>>)
        %mul3A_530 = arith.constant 16 : i32
        %mul3A_531 = arith.muli %add3A_349, %mul3A_530 : i32
        %add3A_532 = arith.constant 8 : i32
        %add3A_533 = arith.addi %mul3A_531, %add3A_532 : i32
        %slice3A_534 = vector.extract_strided_slice %get3A_353 {offsets = [8], sizes = [1], strides = [1]} : vector<16xi32> to vector<1xi32>
        %squeeze3A_535 = vector.extract %slice3A_534[0] : i32 from vector<1xi32>
        %add3A_536 = arith.addi %mul3A_2, %add3A_533 : i32
        %dma_start3A_537 = arith.constant 1 : i32
        %dma_start3A_538 = arith.constant 0 : i32
        %dma_start3A_539 = tpu.memref_slice %arg6[%squeeze3A_535, %dma_start3A_538] : memref<16x1024xf32, #tpu.memory_space<vmem>> -> memref<1x1024xf32, #tpu.memory_space<vmem>>
        %dma_start3A_540 = tpu.memref_squeeze %dma_start3A_539 : memref<1x1024xf32, #tpu.memory_space<vmem>> -> memref<1024xf32, #tpu.memory_space<vmem>>
        %dma_start3A_541 = arith.constant 0 : i32
        %dma_start3A_542 = tpu.memref_slice %arg4[%add3A_536, %dma_start3A_541] : memref<32768x1024xf32, #tpu.memory_space<hbm>> -> memref<1x1024xf32, #tpu.memory_space<hbm>>
        %dma_start3A_543 = tpu.memref_squeeze %dma_start3A_542 : memref<1x1024xf32, #tpu.memory_space<hbm>> -> memref<1024xf32, #tpu.memory_space<hbm>>
        %dma_start3A_544 = tpu.memref_slice %arg7[%dma_start3A_537] : memref<2x!tpu.dma_semaphore, #tpu.memory_space<semaphore_mem>> -> memref<1x!tpu.dma_semaphore, #tpu.memory_space<semaphore_mem>>
        %dma_start3A_545 = tpu.memref_squeeze %dma_start3A_544 : memref<1x!tpu.dma_semaphore, #tpu.memory_space<semaphore_mem>> -> memref<!tpu.dma_semaphore, #tpu.memory_space<semaphore_mem>>
        %dma_start3A_546 = arith.constant 0 : i32
        %dma_start3A_547 = tpu.memref_slice %arg4[%add3A_536, %dma_start3A_546] : memref<32768x1024xf32, #tpu.memory_space<hbm>> -> memref<1x1024xf32, #tpu.memory_space<hbm>>
        %dma_start3A_548 = tpu.memref_squeeze %dma_start3A_547 : memref<1x1024xf32, #tpu.memory_space<hbm>> -> memref<1024xf32, #tpu.memory_space<hbm>>
        %dma_start3A_549 = arith.constant 0 : i32
        %dma_start3A_550 = tpu.memref_slice %arg6[%squeeze3A_535, %dma_start3A_549] : memref<16x1024xf32, #tpu.memory_space<vmem>> -> memref<1x1024xf32, #tpu.memory_space<vmem>>
        %dma_start3A_551 = tpu.memref_squeeze %dma_start3A_550 : memref<1x1024xf32, #tpu.memory_space<vmem>> -> memref<1024xf32, #tpu.memory_space<vmem>>
        tpu.enqueue_dma source(%dma_start3A_551 : memref<1024xf32, #tpu.memory_space<vmem>>) target(%dma_start3A_548 : memref<1024xf32, #tpu.memory_space<hbm>>) target_semaphore(%dma_start3A_545 : memref<!tpu.dma_semaphore, #tpu.memory_space<semaphore_mem>>)
        %mul3A_552 = arith.constant 16 : i32
        %mul3A_553 = arith.muli %add3A_349, %mul3A_552 : i32
        %add3A_554 = arith.constant 9 : i32
        %add3A_555 = arith.addi %mul3A_553, %add3A_554 : i32
        %slice3A_556 = vector.extract_strided_slice %get3A_353 {offsets = [9], sizes = [1], strides = [1]} : vector<16xi32> to vector<1xi32>
        %squeeze3A_557 = vector.extract %slice3A_556[0] : i32 from vector<1xi32>
        %add3A_558 = arith.addi %mul3A_2, %add3A_555 : i32
        %dma_start3A_559 = arith.constant 1 : i32
        %dma_start3A_560 = arith.constant 0 : i32
        %dma_start3A_561 = tpu.memref_slice %arg6[%squeeze3A_557, %dma_start3A_560] : memref<16x1024xf32, #tpu.memory_space<vmem>> -> memref<1x1024xf32, #tpu.memory_space<vmem>>
        %dma_start3A_562 = tpu.memref_squeeze %dma_start3A_561 : memref<1x1024xf32, #tpu.memory_space<vmem>> -> memref<1024xf32, #tpu.memory_space<vmem>>
        %dma_start3A_563 = arith.constant 0 : i32
        %dma_start3A_564 = tpu.memref_slice %arg4[%add3A_558, %dma_start3A_563] : memref<32768x1024xf32, #tpu.memory_space<hbm>> -> memref<1x1024xf32, #tpu.memory_space<hbm>>
        %dma_start3A_565 = tpu.memref_squeeze %dma_start3A_564 : memref<1x1024xf32, #tpu.memory_space<hbm>> -> memref<1024xf32, #tpu.memory_space<hbm>>
        %dma_start3A_566 = tpu.memref_slice %arg7[%dma_start3A_559] : memref<2x!tpu.dma_semaphore, #tpu.memory_space<semaphore_mem>> -> memref<1x!tpu.dma_semaphore, #tpu.memory_space<semaphore_mem>>
        %dma_start3A_567 = tpu.memref_squeeze %dma_start3A_566 : memref<1x!tpu.dma_semaphore, #tpu.memory_space<semaphore_mem>> -> memref<!tpu.dma_semaphore, #tpu.memory_space<semaphore_mem>>
        %dma_start3A_568 = arith.constant 0 : i32
        %dma_start3A_569 = tpu.memref_slice %arg4[%add3A_558, %dma_start3A_568] : memref<32768x1024xf32, #tpu.memory_space<hbm>> -> memref<1x1024xf32, #tpu.memory_space<hbm>>
        %dma_start3A_570 = tpu.memref_squeeze %dma_start3A_569 : memref<1x1024xf32, #tpu.memory_space<hbm>> -> memref<1024xf32, #tpu.memory_space<hbm>>
        %dma_start3A_571 = arith.constant 0 : i32
        %dma_start3A_572 = tpu.memref_slice %arg6[%squeeze3A_557, %dma_start3A_571] : memref<16x1024xf32, #tpu.memory_space<vmem>> -> memref<1x1024xf32, #tpu.memory_space<vmem>>
        %dma_start3A_573 = tpu.memref_squeeze %dma_start3A_572 : memref<1x1024xf32, #tpu.memory_space<vmem>> -> memref<1024xf32, #tpu.memory_space<vmem>>
        tpu.enqueue_dma source(%dma_start3A_573 : memref<1024xf32, #tpu.memory_space<vmem>>) target(%dma_start3A_570 : memref<1024xf32, #tpu.memory_space<hbm>>) target_semaphore(%dma_start3A_567 : memref<!tpu.dma_semaphore, #tpu.memory_space<semaphore_mem>>)
        %mul3A_574 = arith.constant 16 : i32
        %mul3A_575 = arith.muli %add3A_349, %mul3A_574 : i32
        %add3A_576 = arith.constant 10 : i32
        %add3A_577 = arith.addi %mul3A_575, %add3A_576 : i32
        %slice3A_578 = vector.extract_strided_slice %get3A_353 {offsets = [10], sizes = [1], strides = [1]} : vector<16xi32> to vector<1xi32>
        %squeeze3A_579 = vector.extract %slice3A_578[0] : i32 from vector<1xi32>
        %add3A_580 = arith.addi %mul3A_2, %add3A_577 : i32
        %dma_start3A_581 = arith.constant 1 : i32
        %dma_start3A_582 = arith.constant 0 : i32
        %dma_start3A_583 = tpu.memref_slice %arg6[%squeeze3A_579, %dma_start3A_582] : memref<16x1024xf32, #tpu.memory_space<vmem>> -> memref<1x1024xf32, #tpu.memory_space<vmem>>
        %dma_start3A_584 = tpu.memref_squeeze %dma_start3A_583 : memref<1x1024xf32, #tpu.memory_space<vmem>> -> memref<1024xf32, #tpu.memory_space<vmem>>
        %dma_start3A_585 = arith.constant 0 : i32
        %dma_start3A_586 = tpu.memref_slice %arg4[%add3A_580, %dma_start3A_585] : memref<32768x1024xf32, #tpu.memory_space<hbm>> -> memref<1x1024xf32, #tpu.memory_space<hbm>>
        %dma_start3A_587 = tpu.memref_squeeze %dma_start3A_586 : memref<1x1024xf32, #tpu.memory_space<hbm>> -> memref<1024xf32, #tpu.memory_space<hbm>>
        %dma_start3A_588 = tpu.memref_slice %arg7[%dma_start3A_581] : memref<2x!tpu.dma_semaphore, #tpu.memory_space<semaphore_mem>> -> memref<1x!tpu.dma_semaphore, #tpu.memory_space<semaphore_mem>>
        %dma_start3A_589 = tpu.memref_squeeze %dma_start3A_588 : memref<1x!tpu.dma_semaphore, #tpu.memory_space<semaphore_mem>> -> memref<!tpu.dma_semaphore, #tpu.memory_space<semaphore_mem>>
        %dma_start3A_590 = arith.constant 0 : i32
        %dma_start3A_591 = tpu.memref_slice %arg4[%add3A_580, %dma_start3A_590] : memref<32768x1024xf32, #tpu.memory_space<hbm>> -> memref<1x1024xf32, #tpu.memory_space<hbm>>
        %dma_start3A_592 = tpu.memref_squeeze %dma_start3A_591 : memref<1x1024xf32, #tpu.memory_space<hbm>> -> memref<1024xf32, #tpu.memory_space<hbm>>
        %dma_start3A_593 = arith.constant 0 : i32
        %dma_start3A_594 = tpu.memref_slice %arg6[%squeeze3A_579, %dma_start3A_593] : memref<16x1024xf32, #tpu.memory_space<vmem>> -> memref<1x1024xf32, #tpu.memory_space<vmem>>
        %dma_start3A_595 = tpu.memref_squeeze %dma_start3A_594 : memref<1x1024xf32, #tpu.memory_space<vmem>> -> memref<1024xf32, #tpu.memory_space<vmem>>
        tpu.enqueue_dma source(%dma_start3A_595 : memref<1024xf32, #tpu.memory_space<vmem>>) target(%dma_start3A_592 : memref<1024xf32, #tpu.memory_space<hbm>>) target_semaphore(%dma_start3A_589 : memref<!tpu.dma_semaphore, #tpu.memory_space<semaphore_mem>>)
        %mul3A_596 = arith.constant 16 : i32
        %mul3A_597 = arith.muli %add3A_349, %mul3A_596 : i32
        %add3A_598 = arith.constant 11 : i32
        %add3A_599 = arith.addi %mul3A_597, %add3A_598 : i32
        %slice3A_600 = vector.extract_strided_slice %get3A_353 {offsets = [11], sizes = [1], strides = [1]} : vector<16xi32> to vector<1xi32>
        %squeeze3A_601 = vector.extract %slice3A_600[0] : i32 from vector<1xi32>
        %add3A_602 = arith.addi %mul3A_2, %add3A_599 : i32
        %dma_start3A_603 = arith.constant 1 : i32
        %dma_start3A_604 = arith.constant 0 : i32
        %dma_start3A_605 = tpu.memref_slice %arg6[%squeeze3A_601, %dma_start3A_604] : memref<16x1024xf32, #tpu.memory_space<vmem>> -> memref<1x1024xf32, #tpu.memory_space<vmem>>
        %dma_start3A_606 = tpu.memref_squeeze %dma_start3A_605 : memref<1x1024xf32, #tpu.memory_space<vmem>> -> memref<1024xf32, #tpu.memory_space<vmem>>
        %dma_start3A_607 = arith.constant 0 : i32
        %dma_start3A_608 = tpu.memref_slice %arg4[%add3A_602, %dma_start3A_607] : memref<32768x1024xf32, #tpu.memory_space<hbm>> -> memref<1x1024xf32, #tpu.memory_space<hbm>>
        %dma_start3A_609 = tpu.memref_squeeze %dma_start3A_608 : memref<1x1024xf32, #tpu.memory_space<hbm>> -> memref<1024xf32, #tpu.memory_space<hbm>>
        %dma_start3A_610 = tpu.memref_slice %arg7[%dma_start3A_603] : memref<2x!tpu.dma_semaphore, #tpu.memory_space<semaphore_mem>> -> memref<1x!tpu.dma_semaphore, #tpu.memory_space<semaphore_mem>>
        %dma_start3A_611 = tpu.memref_squeeze %dma_start3A_610 : memref<1x!tpu.dma_semaphore, #tpu.memory_space<semaphore_mem>> -> memref<!tpu.dma_semaphore, #tpu.memory_space<semaphore_mem>>
        %dma_start3A_612 = arith.constant 0 : i32
        %dma_start3A_613 = tpu.memref_slice %arg4[%add3A_602, %dma_start3A_612] : memref<32768x1024xf32, #tpu.memory_space<hbm>> -> memref<1x1024xf32, #tpu.memory_space<hbm>>
        %dma_start3A_614 = tpu.memref_squeeze %dma_start3A_613 : memref<1x1024xf32, #tpu.memory_space<hbm>> -> memref<1024xf32, #tpu.memory_space<hbm>>
        %dma_start3A_615 = arith.constant 0 : i32
        %dma_start3A_616 = tpu.memref_slice %arg6[%squeeze3A_601, %dma_start3A_615] : memref<16x1024xf32, #tpu.memory_space<vmem>> -> memref<1x1024xf32, #tpu.memory_space<vmem>>
        %dma_start3A_617 = tpu.memref_squeeze %dma_start3A_616 : memref<1x1024xf32, #tpu.memory_space<vmem>> -> memref<1024xf32, #tpu.memory_space<vmem>>
        tpu.enqueue_dma source(%dma_start3A_617 : memref<1024xf32, #tpu.memory_space<vmem>>) target(%dma_start3A_614 : memref<1024xf32, #tpu.memory_space<hbm>>) target_semaphore(%dma_start3A_611 : memref<!tpu.dma_semaphore, #tpu.memory_space<semaphore_mem>>)
        %mul3A_618 = arith.constant 16 : i32
        %mul3A_619 = arith.muli %add3A_349, %mul3A_618 : i32
        %add3A_620 = arith.constant 12 : i32
        %add3A_621 = arith.addi %mul3A_619, %add3A_620 : i32
        %slice3A_622 = vector.extract_strided_slice %get3A_353 {offsets = [12], sizes = [1], strides = [1]} : vector<16xi32> to vector<1xi32>
        %squeeze3A_623 = vector.extract %slice3A_622[0] : i32 from vector<1xi32>
        %add3A_624 = arith.addi %mul3A_2, %add3A_621 : i32
        %dma_start3A_625 = arith.constant 1 : i32
        %dma_start3A_626 = arith.constant 0 : i32
        %dma_start3A_627 = tpu.memref_slice %arg6[%squeeze3A_623, %dma_start3A_626] : memref<16x1024xf32, #tpu.memory_space<vmem>> -> memref<1x1024xf32, #tpu.memory_space<vmem>>
        %dma_start3A_628 = tpu.memref_squeeze %dma_start3A_627 : memref<1x1024xf32, #tpu.memory_space<vmem>> -> memref<1024xf32, #tpu.memory_space<vmem>>
        %dma_start3A_629 = arith.constant 0 : i32
        %dma_start3A_630 = tpu.memref_slice %arg4[%add3A_624, %dma_start3A_629] : memref<32768x1024xf32, #tpu.memory_space<hbm>> -> memref<1x1024xf32, #tpu.memory_space<hbm>>
        %dma_start3A_631 = tpu.memref_squeeze %dma_start3A_630 : memref<1x1024xf32, #tpu.memory_space<hbm>> -> memref<1024xf32, #tpu.memory_space<hbm>>
        %dma_start3A_632 = tpu.memref_slice %arg7[%dma_start3A_625] : memref<2x!tpu.dma_semaphore, #tpu.memory_space<semaphore_mem>> -> memref<1x!tpu.dma_semaphore, #tpu.memory_space<semaphore_mem>>
        %dma_start3A_633 = tpu.memref_squeeze %dma_start3A_632 : memref<1x!tpu.dma_semaphore, #tpu.memory_space<semaphore_mem>> -> memref<!tpu.dma_semaphore, #tpu.memory_space<semaphore_mem>>
        %dma_start3A_634 = arith.constant 0 : i32
        %dma_start3A_635 = tpu.memref_slice %arg4[%add3A_624, %dma_start3A_634] : memref<32768x1024xf32, #tpu.memory_space<hbm>> -> memref<1x1024xf32, #tpu.memory_space<hbm>>
        %dma_start3A_636 = tpu.memref_squeeze %dma_start3A_635 : memref<1x1024xf32, #tpu.memory_space<hbm>> -> memref<1024xf32, #tpu.memory_space<hbm>>
        %dma_start3A_637 = arith.constant 0 : i32
        %dma_start3A_638 = tpu.memref_slice %arg6[%squeeze3A_623, %dma_start3A_637] : memref<16x1024xf32, #tpu.memory_space<vmem>> -> memref<1x1024xf32, #tpu.memory_space<vmem>>
        %dma_start3A_639 = tpu.memref_squeeze %dma_start3A_638 : memref<1x1024xf32, #tpu.memory_space<vmem>> -> memref<1024xf32, #tpu.memory_space<vmem>>
        tpu.enqueue_dma source(%dma_start3A_639 : memref<1024xf32, #tpu.memory_space<vmem>>) target(%dma_start3A_636 : memref<1024xf32, #tpu.memory_space<hbm>>) target_semaphore(%dma_start3A_633 : memref<!tpu.dma_semaphore, #tpu.memory_space<semaphore_mem>>)
        %mul3A_640 = arith.constant 16 : i32
        %mul3A_641 = arith.muli %add3A_349, %mul3A_640 : i32
        %add3A_642 = arith.constant 13 : i32
        %add3A_643 = arith.addi %mul3A_641, %add3A_642 : i32
        %slice3A_644 = vector.extract_strided_slice %get3A_353 {offsets = [13], sizes = [1], strides = [1]} : vector<16xi32> to vector<1xi32>
        %squeeze3A_645 = vector.extract %slice3A_644[0] : i32 from vector<1xi32>
        %add3A_646 = arith.addi %mul3A_2, %add3A_643 : i32
        %dma_start3A_647 = arith.constant 1 : i32
        %dma_start3A_648 = arith.constant 0 : i32
        %dma_start3A_649 = tpu.memref_slice %arg6[%squeeze3A_645, %dma_start3A_648] : memref<16x1024xf32, #tpu.memory_space<vmem>> -> memref<1x1024xf32, #tpu.memory_space<vmem>>
        %dma_start3A_650 = tpu.memref_squeeze %dma_start3A_649 : memref<1x1024xf32, #tpu.memory_space<vmem>> -> memref<1024xf32, #tpu.memory_space<vmem>>
        %dma_start3A_651 = arith.constant 0 : i32
        %dma_start3A_652 = tpu.memref_slice %arg4[%add3A_646, %dma_start3A_651] : memref<32768x1024xf32, #tpu.memory_space<hbm>> -> memref<1x1024xf32, #tpu.memory_space<hbm>>
        %dma_start3A_653 = tpu.memref_squeeze %dma_start3A_652 : memref<1x1024xf32, #tpu.memory_space<hbm>> -> memref<1024xf32, #tpu.memory_space<hbm>>
        %dma_start3A_654 = tpu.memref_slice %arg7[%dma_start3A_647] : memref<2x!tpu.dma_semaphore, #tpu.memory_space<semaphore_mem>> -> memref<1x!tpu.dma_semaphore, #tpu.memory_space<semaphore_mem>>
        %dma_start3A_655 = tpu.memref_squeeze %dma_start3A_654 : memref<1x!tpu.dma_semaphore, #tpu.memory_space<semaphore_mem>> -> memref<!tpu.dma_semaphore, #tpu.memory_space<semaphore_mem>>
        %dma_start3A_656 = arith.constant 0 : i32
        %dma_start3A_657 = tpu.memref_slice %arg4[%add3A_646, %dma_start3A_656] : memref<32768x1024xf32, #tpu.memory_space<hbm>> -> memref<1x1024xf32, #tpu.memory_space<hbm>>
        %dma_start3A_658 = tpu.memref_squeeze %dma_start3A_657 : memref<1x1024xf32, #tpu.memory_space<hbm>> -> memref<1024xf32, #tpu.memory_space<hbm>>
        %dma_start3A_659 = arith.constant 0 : i32
        %dma_start3A_660 = tpu.memref_slice %arg6[%squeeze3A_645, %dma_start3A_659] : memref<16x1024xf32, #tpu.memory_space<vmem>> -> memref<1x1024xf32, #tpu.memory_space<vmem>>
        %dma_start3A_661 = tpu.memref_squeeze %dma_start3A_660 : memref<1x1024xf32, #tpu.memory_space<vmem>> -> memref<1024xf32, #tpu.memory_space<vmem>>
        tpu.enqueue_dma source(%dma_start3A_661 : memref<1024xf32, #tpu.memory_space<vmem>>) target(%dma_start3A_658 : memref<1024xf32, #tpu.memory_space<hbm>>) target_semaphore(%dma_start3A_655 : memref<!tpu.dma_semaphore, #tpu.memory_space<semaphore_mem>>)
        %mul3A_662 = arith.constant 16 : i32
        %mul3A_663 = arith.muli %add3A_349, %mul3A_662 : i32
        %add3A_664 = arith.constant 14 : i32
        %add3A_665 = arith.addi %mul3A_663, %add3A_664 : i32
        %slice3A_666 = vector.extract_strided_slice %get3A_353 {offsets = [14], sizes = [1], strides = [1]} : vector<16xi32> to vector<1xi32>
        %squeeze3A_667 = vector.extract %slice3A_666[0] : i32 from vector<1xi32>
        %add3A_668 = arith.addi %mul3A_2, %add3A_665 : i32
        %dma_start3A_669 = arith.constant 1 : i32
        %dma_start3A_670 = arith.constant 0 : i32
        %dma_start3A_671 = tpu.memref_slice %arg6[%squeeze3A_667, %dma_start3A_670] : memref<16x1024xf32, #tpu.memory_space<vmem>> -> memref<1x1024xf32, #tpu.memory_space<vmem>>
        %dma_start3A_672 = tpu.memref_squeeze %dma_start3A_671 : memref<1x1024xf32, #tpu.memory_space<vmem>> -> memref<1024xf32, #tpu.memory_space<vmem>>
        %dma_start3A_673 = arith.constant 0 : i32
        %dma_start3A_674 = tpu.memref_slice %arg4[%add3A_668, %dma_start3A_673] : memref<32768x1024xf32, #tpu.memory_space<hbm>> -> memref<1x1024xf32, #tpu.memory_space<hbm>>
        %dma_start3A_675 = tpu.memref_squeeze %dma_start3A_674 : memref<1x1024xf32, #tpu.memory_space<hbm>> -> memref<1024xf32, #tpu.memory_space<hbm>>
        %dma_start3A_676 = tpu.memref_slice %arg7[%dma_start3A_669] : memref<2x!tpu.dma_semaphore, #tpu.memory_space<semaphore_mem>> -> memref<1x!tpu.dma_semaphore, #tpu.memory_space<semaphore_mem>>
        %dma_start3A_677 = tpu.memref_squeeze %dma_start3A_676 : memref<1x!tpu.dma_semaphore, #tpu.memory_space<semaphore_mem>> -> memref<!tpu.dma_semaphore, #tpu.memory_space<semaphore_mem>>
        %dma_start3A_678 = arith.constant 0 : i32
        %dma_start3A_679 = tpu.memref_slice %arg4[%add3A_668, %dma_start3A_678] : memref<32768x1024xf32, #tpu.memory_space<hbm>> -> memref<1x1024xf32, #tpu.memory_space<hbm>>
        %dma_start3A_680 = tpu.memref_squeeze %dma_start3A_679 : memref<1x1024xf32, #tpu.memory_space<hbm>> -> memref<1024xf32, #tpu.memory_space<hbm>>
        %dma_start3A_681 = arith.constant 0 : i32
        %dma_start3A_682 = tpu.memref_slice %arg6[%squeeze3A_667, %dma_start3A_681] : memref<16x1024xf32, #tpu.memory_space<vmem>> -> memref<1x1024xf32, #tpu.memory_space<vmem>>
        %dma_start3A_683 = tpu.memref_squeeze %dma_start3A_682 : memref<1x1024xf32, #tpu.memory_space<vmem>> -> memref<1024xf32, #tpu.memory_space<vmem>>
        tpu.enqueue_dma source(%dma_start3A_683 : memref<1024xf32, #tpu.memory_space<vmem>>) target(%dma_start3A_680 : memref<1024xf32, #tpu.memory_space<hbm>>) target_semaphore(%dma_start3A_677 : memref<!tpu.dma_semaphore, #tpu.memory_space<semaphore_mem>>)
        %mul3A_684 = arith.constant 16 : i32
        %mul3A_685 = arith.muli %add3A_349, %mul3A_684 : i32
        %add3A_686 = arith.constant 15 : i32
        %add3A_687 = arith.addi %mul3A_685, %add3A_686 : i32
        %slice3A_688 = vector.extract_strided_slice %get3A_353 {offsets = [15], sizes = [1], strides = [1]} : vector<16xi32> to vector<1xi32>
        %squeeze3A_689 = vector.extract %slice3A_688[0] : i32 from vector<1xi32>
        %add3A_690 = arith.addi %mul3A_2, %add3A_687 : i32
        %dma_start3A_691 = arith.constant 1 : i32
        %dma_start3A_692 = arith.constant 0 : i32
        %dma_start3A_693 = tpu.memref_slice %arg6[%squeeze3A_689, %dma_start3A_692] : memref<16x1024xf32, #tpu.memory_space<vmem>> -> memref<1x1024xf32, #tpu.memory_space<vmem>>
        %dma_start3A_694 = tpu.memref_squeeze %dma_start3A_693 : memref<1x1024xf32, #tpu.memory_space<vmem>> -> memref<1024xf32, #tpu.memory_space<vmem>>
        %dma_start3A_695 = arith.constant 0 : i32
        %dma_start3A_696 = tpu.memref_slice %arg4[%add3A_690, %dma_start3A_695] : memref<32768x1024xf32, #tpu.memory_space<hbm>> -> memref<1x1024xf32, #tpu.memory_space<hbm>>
        %dma_start3A_697 = tpu.memref_squeeze %dma_start3A_696 : memref<1x1024xf32, #tpu.memory_space<hbm>> -> memref<1024xf32, #tpu.memory_space<hbm>>
        %dma_start3A_698 = tpu.memref_slice %arg7[%dma_start3A_691] : memref<2x!tpu.dma_semaphore, #tpu.memory_space<semaphore_mem>> -> memref<1x!tpu.dma_semaphore, #tpu.memory_space<semaphore_mem>>
        %dma_start3A_699 = tpu.memref_squeeze %dma_start3A_698 : memref<1x!tpu.dma_semaphore, #tpu.memory_space<semaphore_mem>> -> memref<!tpu.dma_semaphore, #tpu.memory_space<semaphore_mem>>
        %dma_start3A_700 = arith.constant 0 : i32
        %dma_start3A_701 = tpu.memref_slice %arg4[%add3A_690, %dma_start3A_700] : memref<32768x1024xf32, #tpu.memory_space<hbm>> -> memref<1x1024xf32, #tpu.memory_space<hbm>>
        %dma_start3A_702 = tpu.memref_squeeze %dma_start3A_701 : memref<1x1024xf32, #tpu.memory_space<hbm>> -> memref<1024xf32, #tpu.memory_space<hbm>>
        %dma_start3A_703 = arith.constant 0 : i32
        %dma_start3A_704 = tpu.memref_slice %arg6[%squeeze3A_689, %dma_start3A_703] : memref<16x1024xf32, #tpu.memory_space<vmem>> -> memref<1x1024xf32, #tpu.memory_space<vmem>>
        %dma_start3A_705 = tpu.memref_squeeze %dma_start3A_704 : memref<1x1024xf32, #tpu.memory_space<vmem>> -> memref<1024xf32, #tpu.memory_space<vmem>>
        tpu.enqueue_dma source(%dma_start3A_705 : memref<1024xf32, #tpu.memory_space<vmem>>) target(%dma_start3A_702 : memref<1024xf32, #tpu.memory_space<hbm>>) target_semaphore(%dma_start3A_699 : memref<!tpu.dma_semaphore, #tpu.memory_space<semaphore_mem>>)
      } else {
      }
      %mul3A_318 = arith.constant 16 : i32
      %mul3A_319 = arith.muli %add3A_313, %mul3A_318 : i32
      %add3A_320 = arith.addi %mul3A_2, %mul3A_319 : i32
      %dma_wait3A = arith.constant 0 : i32
      %dma_wait3A_321 = arith.constant 0 : i32
      %dma_wait3A_322 = tpu.memref_slice %arg4[%add3A_320, %dma_wait3A_321] : memref<32768x1024xf32, #tpu.memory_space<hbm>> -> memref<16x1024xf32, #tpu.memory_space<hbm>>
      %dma_wait3A_323 = tpu.memref_slice %arg7[%dma_wait3A] : memref<2x!tpu.dma_semaphore, #tpu.memory_space<semaphore_mem>> -> memref<1x!tpu.dma_semaphore, #tpu.memory_space<semaphore_mem>>
      %dma_wait3A_324 = tpu.memref_squeeze %dma_wait3A_323 : memref<1x!tpu.dma_semaphore, #tpu.memory_space<semaphore_mem>> -> memref<!tpu.dma_semaphore, #tpu.memory_space<semaphore_mem>>
      %dma_wait3A_325 = arith.constant 0 : i32
      %dma_wait3A_326 = tpu.memref_slice %arg4[%add3A_320, %dma_wait3A_325] : memref<32768x1024xf32, #tpu.memory_space<hbm>> -> memref<16x1024xf32, #tpu.memory_space<hbm>>
      tpu.wait_dma2 semaphore(%dma_wait3A_324 : memref<!tpu.dma_semaphore, #tpu.memory_space<semaphore_mem>>) src(%arg6 : memref<16x1024xf32, #tpu.memory_space<vmem>>) dst(%dma_wait3A_326 : memref<16x1024xf32, #tpu.memory_space<hbm>>)
      %mul3A_327 = arith.constant 2 : i32
      %mul3A_328 = arith.muli %scan3A_309, %mul3A_327 : i32
      %add3A_329 = arith.constant 1 : i32
      %add3A_330 = arith.addi %mul3A_328, %add3A_329 : i32
      %add3A_331 = arith.constant 1 : i32
      %add3A_332 = arith.addi %add3A_330, %add3A_331 : i32
      %lt3A_333 = arith.constant 64 : i32
      %lt3A_334 = arith.cmpi slt, %add3A_332, %lt3A_333 : i32
      %convert_element_type3A_335 = arith.extui %lt3A_334 : i1 to i32
      %cond3A_336 = arith.constant 0 : i32
      %cond3A_337 = arith.cmpi ne, %convert_element_type3A_335, %cond3A_336 : i32
      scf.if %cond3A_337 {
        %add3A_348 = arith.constant 1 : i32
        %add3A_349 = arith.addi %add3A_330, %add3A_348 : i32
        %mul3A_350 = arith.constant 16 : i32
        %mul3A_351 = arith.muli %add3A_349, %mul3A_350 : i32
        %get3A_352 = arith.index_cast %mul3A_351 : i32 to index
        %get3A_353 = tpu.vector_load %arg5[%get3A_352] {strides = array<i32>} : memref<1024xi32, #tpu.memory_space<vmem>>, vector<16xi32>,
        %mul3A_354 = arith.constant 16 : i32
        %mul3A_355 = arith.muli %add3A_349, %mul3A_354 : i32
        %add3A_356 = arith.constant 0 : i32
        %add3A_357 = arith.addi %mul3A_355, %add3A_356 : i32
        %slice3A_358 = vector.extract_strided_slice %get3A_353 {offsets = [0], sizes = [1], strides = [1]} : vector<16xi32> to vector<1xi32>
        %squeeze3A_359 = vector.extract %slice3A_358[0] : i32 from vector<1xi32>
        %add3A_360 = arith.addi %mul3A_2, %add3A_357 : i32
        %dma_start3A_361 = arith.constant 0 : i32
        %dma_start3A_362 = arith.constant 0 : i32
        %dma_start3A_363 = tpu.memref_slice %arg6[%squeeze3A_359, %dma_start3A_362] : memref<16x1024xf32, #tpu.memory_space<vmem>> -> memref<1x1024xf32, #tpu.memory_space<vmem>>
        %dma_start3A_364 = tpu.memref_squeeze %dma_start3A_363 : memref<1x1024xf32, #tpu.memory_space<vmem>> -> memref<1024xf32, #tpu.memory_space<vmem>>
        %dma_start3A_365 = arith.constant 0 : i32
        %dma_start3A_366 = tpu.memref_slice %arg4[%add3A_360, %dma_start3A_365] : memref<32768x1024xf32, #tpu.memory_space<hbm>> -> memref<1x1024xf32, #tpu.memory_space<hbm>>
        %dma_start3A_367 = tpu.memref_squeeze %dma_start3A_366 : memref<1x1024xf32, #tpu.memory_space<hbm>> -> memref<1024xf32, #tpu.memory_space<hbm>>
        %dma_start3A_368 = tpu.memref_slice %arg7[%dma_start3A_361] : memref<2x!tpu.dma_semaphore, #tpu.memory_space<semaphore_mem>> -> memref<1x!tpu.dma_semaphore, #tpu.memory_space<semaphore_mem>>
        %dma_start3A_369 = tpu.memref_squeeze %dma_start3A_368 : memref<1x!tpu.dma_semaphore, #tpu.memory_space<semaphore_mem>> -> memref<!tpu.dma_semaphore, #tpu.memory_space<semaphore_mem>>
        %dma_start3A_370 = arith.constant 0 : i32
        %dma_start3A_371 = tpu.memref_slice %arg4[%add3A_360, %dma_start3A_370] : memref<32768x1024xf32, #tpu.memory_space<hbm>> -> memref<1x1024xf32, #tpu.memory_space<hbm>>
        %dma_start3A_372 = tpu.memref_squeeze %dma_start3A_371 : memref<1x1024xf32, #tpu.memory_space<hbm>> -> memref<1024xf32, #tpu.memory_space<hbm>>
        %dma_start3A_373 = arith.constant 0 : i32
        %dma_start3A_374 = tpu.memref_slice %arg6[%squeeze3A_359, %dma_start3A_373] : memref<16x1024xf32, #tpu.memory_space<vmem>> -> memref<1x1024xf32, #tpu.memory_space<vmem>>
        %dma_start3A_375 = tpu.memref_squeeze %dma_start3A_374 : memref<1x1024xf32, #tpu.memory_space<vmem>> -> memref<1024xf32, #tpu.memory_space<vmem>>
        tpu.enqueue_dma source(%dma_start3A_375 : memref<1024xf32, #tpu.memory_space<vmem>>) target(%dma_start3A_372 : memref<1024xf32, #tpu.memory_space<hbm>>) target_semaphore(%dma_start3A_369 : memref<!tpu.dma_semaphore, #tpu.memory_space<semaphore_mem>>)
        %mul3A_376 = arith.constant 16 : i32
        %mul3A_377 = arith.muli %add3A_349, %mul3A_376 : i32
        %add3A_378 = arith.constant 1 : i32
        %add3A_379 = arith.addi %mul3A_377, %add3A_378 : i32
        %slice3A_380 = vector.extract_strided_slice %get3A_353 {offsets = [1], sizes = [1], strides = [1]} : vector<16xi32> to vector<1xi32>
        %squeeze3A_381 = vector.extract %slice3A_380[0] : i32 from vector<1xi32>
        %add3A_382 = arith.addi %mul3A_2, %add3A_379 : i32
        %dma_start3A_383 = arith.constant 0 : i32
        %dma_start3A_384 = arith.constant 0 : i32
        %dma_start3A_385 = tpu.memref_slice %arg6[%squeeze3A_381, %dma_start3A_384] : memref<16x1024xf32, #tpu.memory_space<vmem>> -> memref<1x1024xf32, #tpu.memory_space<vmem>>
        %dma_start3A_386 = tpu.memref_squeeze %dma_start3A_385 : memref<1x1024xf32, #tpu.memory_space<vmem>> -> memref<1024xf32, #tpu.memory_space<vmem>>
        %dma_start3A_387 = arith.constant 0 : i32
        %dma_start3A_388 = tpu.memref_slice %arg4[%add3A_382, %dma_start3A_387] : memref<32768x1024xf32, #tpu.memory_space<hbm>> -> memref<1x1024xf32, #tpu.memory_space<hbm>>
        %dma_start3A_389 = tpu.memref_squeeze %dma_start3A_388 : memref<1x1024xf32, #tpu.memory_space<hbm>> -> memref<1024xf32, #tpu.memory_space<hbm>>
        %dma_start3A_390 = tpu.memref_slice %arg7[%dma_start3A_383] : memref<2x!tpu.dma_semaphore, #tpu.memory_space<semaphore_mem>> -> memref<1x!tpu.dma_semaphore, #tpu.memory_space<semaphore_mem>>
        %dma_start3A_391 = tpu.memref_squeeze %dma_start3A_390 : memref<1x!tpu.dma_semaphore, #tpu.memory_space<semaphore_mem>> -> memref<!tpu.dma_semaphore, #tpu.memory_space<semaphore_mem>>
        %dma_start3A_392 = arith.constant 0 : i32
        %dma_start3A_393 = tpu.memref_slice %arg4[%add3A_382, %dma_start3A_392] : memref<32768x1024xf32, #tpu.memory_space<hbm>> -> memref<1x1024xf32, #tpu.memory_space<hbm>>
        %dma_start3A_394 = tpu.memref_squeeze %dma_start3A_393 : memref<1x1024xf32, #tpu.memory_space<hbm>> -> memref<1024xf32, #tpu.memory_space<hbm>>
        %dma_start3A_395 = arith.constant 0 : i32
        %dma_start3A_396 = tpu.memref_slice %arg6[%squeeze3A_381, %dma_start3A_395] : memref<16x1024xf32, #tpu.memory_space<vmem>> -> memref<1x1024xf32, #tpu.memory_space<vmem>>
        %dma_start3A_397 = tpu.memref_squeeze %dma_start3A_396 : memref<1x1024xf32, #tpu.memory_space<vmem>> -> memref<1024xf32, #tpu.memory_space<vmem>>
        tpu.enqueue_dma source(%dma_start3A_397 : memref<1024xf32, #tpu.memory_space<vmem>>) target(%dma_start3A_394 : memref<1024xf32, #tpu.memory_space<hbm>>) target_semaphore(%dma_start3A_391 : memref<!tpu.dma_semaphore, #tpu.memory_space<semaphore_mem>>)
        %mul3A_398 = arith.constant 16 : i32
        %mul3A_399 = arith.muli %add3A_349, %mul3A_398 : i32
        %add3A_400 = arith.constant 2 : i32
        %add3A_401 = arith.addi %mul3A_399, %add3A_400 : i32
        %slice3A_402 = vector.extract_strided_slice %get3A_353 {offsets = [2], sizes = [1], strides = [1]} : vector<16xi32> to vector<1xi32>
        %squeeze3A_403 = vector.extract %slice3A_402[0] : i32 from vector<1xi32>
        %add3A_404 = arith.addi %mul3A_2, %add3A_401 : i32
        %dma_start3A_405 = arith.constant 0 : i32
        %dma_start3A_406 = arith.constant 0 : i32
        %dma_start3A_407 = tpu.memref_slice %arg6[%squeeze3A_403, %dma_start3A_406] : memref<16x1024xf32, #tpu.memory_space<vmem>> -> memref<1x1024xf32, #tpu.memory_space<vmem>>
        %dma_start3A_408 = tpu.memref_squeeze %dma_start3A_407 : memref<1x1024xf32, #tpu.memory_space<vmem>> -> memref<1024xf32, #tpu.memory_space<vmem>>
        %dma_start3A_409 = arith.constant 0 : i32
        %dma_start3A_410 = tpu.memref_slice %arg4[%add3A_404, %dma_start3A_409] : memref<32768x1024xf32, #tpu.memory_space<hbm>> -> memref<1x1024xf32, #tpu.memory_space<hbm>>
        %dma_start3A_411 = tpu.memref_squeeze %dma_start3A_410 : memref<1x1024xf32, #tpu.memory_space<hbm>> -> memref<1024xf32, #tpu.memory_space<hbm>>
        %dma_start3A_412 = tpu.memref_slice %arg7[%dma_start3A_405] : memref<2x!tpu.dma_semaphore, #tpu.memory_space<semaphore_mem>> -> memref<1x!tpu.dma_semaphore, #tpu.memory_space<semaphore_mem>>
        %dma_start3A_413 = tpu.memref_squeeze %dma_start3A_412 : memref<1x!tpu.dma_semaphore, #tpu.memory_space<semaphore_mem>> -> memref<!tpu.dma_semaphore, #tpu.memory_space<semaphore_mem>>
        %dma_start3A_414 = arith.constant 0 : i32
        %dma_start3A_415 = tpu.memref_slice %arg4[%add3A_404, %dma_start3A_414] : memref<32768x1024xf32, #tpu.memory_space<hbm>> -> memref<1x1024xf32, #tpu.memory_space<hbm>>
        %dma_start3A_416 = tpu.memref_squeeze %dma_start3A_415 : memref<1x1024xf32, #tpu.memory_space<hbm>> -> memref<1024xf32, #tpu.memory_space<hbm>>
        %dma_start3A_417 = arith.constant 0 : i32
        %dma_start3A_418 = tpu.memref_slice %arg6[%squeeze3A_403, %dma_start3A_417] : memref<16x1024xf32, #tpu.memory_space<vmem>> -> memref<1x1024xf32, #tpu.memory_space<vmem>>
        %dma_start3A_419 = tpu.memref_squeeze %dma_start3A_418 : memref<1x1024xf32, #tpu.memory_space<vmem>> -> memref<1024xf32, #tpu.memory_space<vmem>>
        tpu.enqueue_dma source(%dma_start3A_419 : memref<1024xf32, #tpu.memory_space<vmem>>) target(%dma_start3A_416 : memref<1024xf32, #tpu.memory_space<hbm>>) target_semaphore(%dma_start3A_413 : memref<!tpu.dma_semaphore, #tpu.memory_space<semaphore_mem>>)
        %mul3A_420 = arith.constant 16 : i32
        %mul3A_421 = arith.muli %add3A_349, %mul3A_420 : i32
        %add3A_422 = arith.constant 3 : i32
        %add3A_423 = arith.addi %mul3A_421, %add3A_422 : i32
        %slice3A_424 = vector.extract_strided_slice %get3A_353 {offsets = [3], sizes = [1], strides = [1]} : vector<16xi32> to vector<1xi32>
        %squeeze3A_425 = vector.extract %slice3A_424[0] : i32 from vector<1xi32>
        %add3A_426 = arith.addi %mul3A_2, %add3A_423 : i32
        %dma_start3A_427 = arith.constant 0 : i32
        %dma_start3A_428 = arith.constant 0 : i32
        %dma_start3A_429 = tpu.memref_slice %arg6[%squeeze3A_425, %dma_start3A_428] : memref<16x1024xf32, #tpu.memory_space<vmem>> -> memref<1x1024xf32, #tpu.memory_space<vmem>>
        %dma_start3A_430 = tpu.memref_squeeze %dma_start3A_429 : memref<1x1024xf32, #tpu.memory_space<vmem>> -> memref<1024xf32, #tpu.memory_space<vmem>>
        %dma_start3A_431 = arith.constant 0 : i32
        %dma_start3A_432 = tpu.memref_slice %arg4[%add3A_426, %dma_start3A_431] : memref<32768x1024xf32, #tpu.memory_space<hbm>> -> memref<1x1024xf32, #tpu.memory_space<hbm>>
        %dma_start3A_433 = tpu.memref_squeeze %dma_start3A_432 : memref<1x1024xf32, #tpu.memory_space<hbm>> -> memref<1024xf32, #tpu.memory_space<hbm>>
        %dma_start3A_434 = tpu.memref_slice %arg7[%dma_start3A_427] : memref<2x!tpu.dma_semaphore, #tpu.memory_space<semaphore_mem>> -> memref<1x!tpu.dma_semaphore, #tpu.memory_space<semaphore_mem>>
        %dma_start3A_435 = tpu.memref_squeeze %dma_start3A_434 : memref<1x!tpu.dma_semaphore, #tpu.memory_space<semaphore_mem>> -> memref<!tpu.dma_semaphore, #tpu.memory_space<semaphore_mem>>
        %dma_start3A_436 = arith.constant 0 : i32
        %dma_start3A_437 = tpu.memref_slice %arg4[%add3A_426, %dma_start3A_436] : memref<32768x1024xf32, #tpu.memory_space<hbm>> -> memref<1x1024xf32, #tpu.memory_space<hbm>>
        %dma_start3A_438 = tpu.memref_squeeze %dma_start3A_437 : memref<1x1024xf32, #tpu.memory_space<hbm>> -> memref<1024xf32, #tpu.memory_space<hbm>>
        %dma_start3A_439 = arith.constant 0 : i32
        %dma_start3A_440 = tpu.memref_slice %arg6[%squeeze3A_425, %dma_start3A_439] : memref<16x1024xf32, #tpu.memory_space<vmem>> -> memref<1x1024xf32, #tpu.memory_space<vmem>>
        %dma_start3A_441 = tpu.memref_squeeze %dma_start3A_440 : memref<1x1024xf32, #tpu.memory_space<vmem>> -> memref<1024xf32, #tpu.memory_space<vmem>>
        tpu.enqueue_dma source(%dma_start3A_441 : memref<1024xf32, #tpu.memory_space<vmem>>) target(%dma_start3A_438 : memref<1024xf32, #tpu.memory_space<hbm>>) target_semaphore(%dma_start3A_435 : memref<!tpu.dma_semaphore, #tpu.memory_space<semaphore_mem>>)
        %mul3A_442 = arith.constant 16 : i32
        %mul3A_443 = arith.muli %add3A_349, %mul3A_442 : i32
        %add3A_444 = arith.constant 4 : i32
        %add3A_445 = arith.addi %mul3A_443, %add3A_444 : i32
        %slice3A_446 = vector.extract_strided_slice %get3A_353 {offsets = [4], sizes = [1], strides = [1]} : vector<16xi32> to vector<1xi32>
        %squeeze3A_447 = vector.extract %slice3A_446[0] : i32 from vector<1xi32>
        %add3A_448 = arith.addi %mul3A_2, %add3A_445 : i32
        %dma_start3A_449 = arith.constant 0 : i32
        %dma_start3A_450 = arith.constant 0 : i32
        %dma_start3A_451 = tpu.memref_slice %arg6[%squeeze3A_447, %dma_start3A_450] : memref<16x1024xf32, #tpu.memory_space<vmem>> -> memref<1x1024xf32, #tpu.memory_space<vmem>>
        %dma_start3A_452 = tpu.memref_squeeze %dma_start3A_451 : memref<1x1024xf32, #tpu.memory_space<vmem>> -> memref<1024xf32, #tpu.memory_space<vmem>>
        %dma_start3A_453 = arith.constant 0 : i32
        %dma_start3A_454 = tpu.memref_slice %arg4[%add3A_448, %dma_start3A_453] : memref<32768x1024xf32, #tpu.memory_space<hbm>> -> memref<1x1024xf32, #tpu.memory_space<hbm>>
        %dma_start3A_455 = tpu.memref_squeeze %dma_start3A_454 : memref<1x1024xf32, #tpu.memory_space<hbm>> -> memref<1024xf32, #tpu.memory_space<hbm>>
        %dma_start3A_456 = tpu.memref_slice %arg7[%dma_start3A_449] : memref<2x!tpu.dma_semaphore, #tpu.memory_space<semaphore_mem>> -> memref<1x!tpu.dma_semaphore, #tpu.memory_space<semaphore_mem>>
        %dma_start3A_457 = tpu.memref_squeeze %dma_start3A_456 : memref<1x!tpu.dma_semaphore, #tpu.memory_space<semaphore_mem>> -> memref<!tpu.dma_semaphore, #tpu.memory_space<semaphore_mem>>
        %dma_start3A_458 = arith.constant 0 : i32
        %dma_start3A_459 = tpu.memref_slice %arg4[%add3A_448, %dma_start3A_458] : memref<32768x1024xf32, #tpu.memory_space<hbm>> -> memref<1x1024xf32, #tpu.memory_space<hbm>>
        %dma_start3A_460 = tpu.memref_squeeze %dma_start3A_459 : memref<1x1024xf32, #tpu.memory_space<hbm>> -> memref<1024xf32, #tpu.memory_space<hbm>>
        %dma_start3A_461 = arith.constant 0 : i32
        %dma_start3A_462 = tpu.memref_slice %arg6[%squeeze3A_447, %dma_start3A_461] : memref<16x1024xf32, #tpu.memory_space<vmem>> -> memref<1x1024xf32, #tpu.memory_space<vmem>>
        %dma_start3A_463 = tpu.memref_squeeze %dma_start3A_462 : memref<1x1024xf32, #tpu.memory_space<vmem>> -> memref<1024xf32, #tpu.memory_space<vmem>>
        tpu.enqueue_dma source(%dma_start3A_463 : memref<1024xf32, #tpu.memory_space<vmem>>) target(%dma_start3A_460 : memref<1024xf32, #tpu.memory_space<hbm>>) target_semaphore(%dma_start3A_457 : memref<!tpu.dma_semaphore, #tpu.memory_space<semaphore_mem>>)
        %mul3A_464 = arith.constant 16 : i32
        %mul3A_465 = arith.muli %add3A_349, %mul3A_464 : i32
        %add3A_466 = arith.constant 5 : i32
        %add3A_467 = arith.addi %mul3A_465, %add3A_466 : i32
        %slice3A_468 = vector.extract_strided_slice %get3A_353 {offsets = [5], sizes = [1], strides = [1]} : vector<16xi32> to vector<1xi32>
        %squeeze3A_469 = vector.extract %slice3A_468[0] : i32 from vector<1xi32>
        %add3A_470 = arith.addi %mul3A_2, %add3A_467 : i32
        %dma_start3A_471 = arith.constant 0 : i32
        %dma_start3A_472 = arith.constant 0 : i32
        %dma_start3A_473 = tpu.memref_slice %arg6[%squeeze3A_469, %dma_start3A_472] : memref<16x1024xf32, #tpu.memory_space<vmem>> -> memref<1x1024xf32, #tpu.memory_space<vmem>>
        %dma_start3A_474 = tpu.memref_squeeze %dma_start3A_473 : memref<1x1024xf32, #tpu.memory_space<vmem>> -> memref<1024xf32, #tpu.memory_space<vmem>>
        %dma_start3A_475 = arith.constant 0 : i32
        %dma_start3A_476 = tpu.memref_slice %arg4[%add3A_470, %dma_start3A_475] : memref<32768x1024xf32, #tpu.memory_space<hbm>> -> memref<1x1024xf32, #tpu.memory_space<hbm>>
        %dma_start3A_477 = tpu.memref_squeeze %dma_start3A_476 : memref<1x1024xf32, #tpu.memory_space<hbm>> -> memref<1024xf32, #tpu.memory_space<hbm>>
        %dma_start3A_478 = tpu.memref_slice %arg7[%dma_start3A_471] : memref<2x!tpu.dma_semaphore, #tpu.memory_space<semaphore_mem>> -> memref<1x!tpu.dma_semaphore, #tpu.memory_space<semaphore_mem>>
        %dma_start3A_479 = tpu.memref_squeeze %dma_start3A_478 : memref<1x!tpu.dma_semaphore, #tpu.memory_space<semaphore_mem>> -> memref<!tpu.dma_semaphore, #tpu.memory_space<semaphore_mem>>
        %dma_start3A_480 = arith.constant 0 : i32
        %dma_start3A_481 = tpu.memref_slice %arg4[%add3A_470, %dma_start3A_480] : memref<32768x1024xf32, #tpu.memory_space<hbm>> -> memref<1x1024xf32, #tpu.memory_space<hbm>>
        %dma_start3A_482 = tpu.memref_squeeze %dma_start3A_481 : memref<1x1024xf32, #tpu.memory_space<hbm>> -> memref<1024xf32, #tpu.memory_space<hbm>>
        %dma_start3A_483 = arith.constant 0 : i32
        %dma_start3A_484 = tpu.memref_slice %arg6[%squeeze3A_469, %dma_start3A_483] : memref<16x1024xf32, #tpu.memory_space<vmem>> -> memref<1x1024xf32, #tpu.memory_space<vmem>>
        %dma_start3A_485 = tpu.memref_squeeze %dma_start3A_484 : memref<1x1024xf32, #tpu.memory_space<vmem>> -> memref<1024xf32, #tpu.memory_space<vmem>>
        tpu.enqueue_dma source(%dma_start3A_485 : memref<1024xf32, #tpu.memory_space<vmem>>) target(%dma_start3A_482 : memref<1024xf32, #tpu.memory_space<hbm>>) target_semaphore(%dma_start3A_479 : memref<!tpu.dma_semaphore, #tpu.memory_space<semaphore_mem>>)
        %mul3A_486 = arith.constant 16 : i32
        %mul3A_487 = arith.muli %add3A_349, %mul3A_486 : i32
        %add3A_488 = arith.constant 6 : i32
        %add3A_489 = arith.addi %mul3A_487, %add3A_488 : i32
        %slice3A_490 = vector.extract_strided_slice %get3A_353 {offsets = [6], sizes = [1], strides = [1]} : vector<16xi32> to vector<1xi32>
        %squeeze3A_491 = vector.extract %slice3A_490[0] : i32 from vector<1xi32>
        %add3A_492 = arith.addi %mul3A_2, %add3A_489 : i32
        %dma_start3A_493 = arith.constant 0 : i32
        %dma_start3A_494 = arith.constant 0 : i32
        %dma_start3A_495 = tpu.memref_slice %arg6[%squeeze3A_491, %dma_start3A_494] : memref<16x1024xf32, #tpu.memory_space<vmem>> -> memref<1x1024xf32, #tpu.memory_space<vmem>>
        %dma_start3A_496 = tpu.memref_squeeze %dma_start3A_495 : memref<1x1024xf32, #tpu.memory_space<vmem>> -> memref<1024xf32, #tpu.memory_space<vmem>>
        %dma_start3A_497 = arith.constant 0 : i32
        %dma_start3A_498 = tpu.memref_slice %arg4[%add3A_492, %dma_start3A_497] : memref<32768x1024xf32, #tpu.memory_space<hbm>> -> memref<1x1024xf32, #tpu.memory_space<hbm>>
        %dma_start3A_499 = tpu.memref_squeeze %dma_start3A_498 : memref<1x1024xf32, #tpu.memory_space<hbm>> -> memref<1024xf32, #tpu.memory_space<hbm>>
        %dma_start3A_500 = tpu.memref_slice %arg7[%dma_start3A_493] : memref<2x!tpu.dma_semaphore, #tpu.memory_space<semaphore_mem>> -> memref<1x!tpu.dma_semaphore, #tpu.memory_space<semaphore_mem>>
        %dma_start3A_501 = tpu.memref_squeeze %dma_start3A_500 : memref<1x!tpu.dma_semaphore, #tpu.memory_space<semaphore_mem>> -> memref<!tpu.dma_semaphore, #tpu.memory_space<semaphore_mem>>
        %dma_start3A_502 = arith.constant 0 : i32
        %dma_start3A_503 = tpu.memref_slice %arg4[%add3A_492, %dma_start3A_502] : memref<32768x1024xf32, #tpu.memory_space<hbm>> -> memref<1x1024xf32, #tpu.memory_space<hbm>>
        %dma_start3A_504 = tpu.memref_squeeze %dma_start3A_503 : memref<1x1024xf32, #tpu.memory_space<hbm>> -> memref<1024xf32, #tpu.memory_space<hbm>>
        %dma_start3A_505 = arith.constant 0 : i32
        %dma_start3A_506 = tpu.memref_slice %arg6[%squeeze3A_491, %dma_start3A_505] : memref<16x1024xf32, #tpu.memory_space<vmem>> -> memref<1x1024xf32, #tpu.memory_space<vmem>>
        %dma_start3A_507 = tpu.memref_squeeze %dma_start3A_506 : memref<1x1024xf32, #tpu.memory_space<vmem>> -> memref<1024xf32, #tpu.memory_space<vmem>>
        tpu.enqueue_dma source(%dma_start3A_507 : memref<1024xf32, #tpu.memory_space<vmem>>) target(%dma_start3A_504 : memref<1024xf32, #tpu.memory_space<hbm>>) target_semaphore(%dma_start3A_501 : memref<!tpu.dma_semaphore, #tpu.memory_space<semaphore_mem>>)
        %mul3A_508 = arith.constant 16 : i32
        %mul3A_509 = arith.muli %add3A_349, %mul3A_508 : i32
        %add3A_510 = arith.constant 7 : i32
        %add3A_511 = arith.addi %mul3A_509, %add3A_510 : i32
        %slice3A_512 = vector.extract_strided_slice %get3A_353 {offsets = [7], sizes = [1], strides = [1]} : vector<16xi32> to vector<1xi32>
        %squeeze3A_513 = vector.extract %slice3A_512[0] : i32 from vector<1xi32>
        %add3A_514 = arith.addi %mul3A_2, %add3A_511 : i32
        %dma_start3A_515 = arith.constant 0 : i32
        %dma_start3A_516 = arith.constant 0 : i32
        %dma_start3A_517 = tpu.memref_slice %arg6[%squeeze3A_513, %dma_start3A_516] : memref<16x1024xf32, #tpu.memory_space<vmem>> -> memref<1x1024xf32, #tpu.memory_space<vmem>>
        %dma_start3A_518 = tpu.memref_squeeze %dma_start3A_517 : memref<1x1024xf32, #tpu.memory_space<vmem>> -> memref<1024xf32, #tpu.memory_space<vmem>>
        %dma_start3A_519 = arith.constant 0 : i32
        %dma_start3A_520 = tpu.memref_slice %arg4[%add3A_514, %dma_start3A_519] : memref<32768x1024xf32, #tpu.memory_space<hbm>> -> memref<1x1024xf32, #tpu.memory_space<hbm>>
        %dma_start3A_521 = tpu.memref_squeeze %dma_start3A_520 : memref<1x1024xf32, #tpu.memory_space<hbm>> -> memref<1024xf32, #tpu.memory_space<hbm>>
        %dma_start3A_522 = tpu.memref_slice %arg7[%dma_start3A_515] : memref<2x!tpu.dma_semaphore, #tpu.memory_space<semaphore_mem>> -> memref<1x!tpu.dma_semaphore, #tpu.memory_space<semaphore_mem>>
        %dma_start3A_523 = tpu.memref_squeeze %dma_start3A_522 : memref<1x!tpu.dma_semaphore, #tpu.memory_space<semaphore_mem>> -> memref<!tpu.dma_semaphore, #tpu.memory_space<semaphore_mem>>
        %dma_start3A_524 = arith.constant 0 : i32
        %dma_start3A_525 = tpu.memref_slice %arg4[%add3A_514, %dma_start3A_524] : memref<32768x1024xf32, #tpu.memory_space<hbm>> -> memref<1x1024xf32, #tpu.memory_space<hbm>>
        %dma_start3A_526 = tpu.memref_squeeze %dma_start3A_525 : memref<1x1024xf32, #tpu.memory_space<hbm>> -> memref<1024xf32, #tpu.memory_space<hbm>>
        %dma_start3A_527 = arith.constant 0 : i32
        %dma_start3A_528 = tpu.memref_slice %arg6[%squeeze3A_513, %dma_start3A_527] : memref<16x1024xf32, #tpu.memory_space<vmem>> -> memref<1x1024xf32, #tpu.memory_space<vmem>>
        %dma_start3A_529 = tpu.memref_squeeze %dma_start3A_528 : memref<1x1024xf32, #tpu.memory_space<vmem>> -> memref<1024xf32, #tpu.memory_space<vmem>>
        tpu.enqueue_dma source(%dma_start3A_529 : memref<1024xf32, #tpu.memory_space<vmem>>) target(%dma_start3A_526 : memref<1024xf32, #tpu.memory_space<hbm>>) target_semaphore(%dma_start3A_523 : memref<!tpu.dma_semaphore, #tpu.memory_space<semaphore_mem>>)
        %mul3A_530 = arith.constant 16 : i32
        %mul3A_531 = arith.muli %add3A_349, %mul3A_530 : i32
        %add3A_532 = arith.constant 8 : i32
        %add3A_533 = arith.addi %mul3A_531, %add3A_532 : i32
        %slice3A_534 = vector.extract_strided_slice %get3A_353 {offsets = [8], sizes = [1], strides = [1]} : vector<16xi32> to vector<1xi32>
        %squeeze3A_535 = vector.extract %slice3A_534[0] : i32 from vector<1xi32>
        %add3A_536 = arith.addi %mul3A_2, %add3A_533 : i32
        %dma_start3A_537 = arith.constant 0 : i32
        %dma_start3A_538 = arith.constant 0 : i32
        %dma_start3A_539 = tpu.memref_slice %arg6[%squeeze3A_535, %dma_start3A_538] : memref<16x1024xf32, #tpu.memory_space<vmem>> -> memref<1x1024xf32, #tpu.memory_space<vmem>>
        %dma_start3A_540 = tpu.memref_squeeze %dma_start3A_539 : memref<1x1024xf32, #tpu.memory_space<vmem>> -> memref<1024xf32, #tpu.memory_space<vmem>>
        %dma_start3A_541 = arith.constant 0 : i32
        %dma_start3A_542 = tpu.memref_slice %arg4[%add3A_536, %dma_start3A_541] : memref<32768x1024xf32, #tpu.memory_space<hbm>> -> memref<1x1024xf32, #tpu.memory_space<hbm>>
        %dma_start3A_543 = tpu.memref_squeeze %dma_start3A_542 : memref<1x1024xf32, #tpu.memory_space<hbm>> -> memref<1024xf32, #tpu.memory_space<hbm>>
        %dma_start3A_544 = tpu.memref_slice %arg7[%dma_start3A_537] : memref<2x!tpu.dma_semaphore, #tpu.memory_space<semaphore_mem>> -> memref<1x!tpu.dma_semaphore, #tpu.memory_space<semaphore_mem>>
        %dma_start3A_545 = tpu.memref_squeeze %dma_start3A_544 : memref<1x!tpu.dma_semaphore, #tpu.memory_space<semaphore_mem>> -> memref<!tpu.dma_semaphore, #tpu.memory_space<semaphore_mem>>
        %dma_start3A_546 = arith.constant 0 : i32
        %dma_start3A_547 = tpu.memref_slice %arg4[%add3A_536, %dma_start3A_546] : memref<32768x1024xf32, #tpu.memory_space<hbm>> -> memref<1x1024xf32, #tpu.memory_space<hbm>>
        %dma_start3A_548 = tpu.memref_squeeze %dma_start3A_547 : memref<1x1024xf32, #tpu.memory_space<hbm>> -> memref<1024xf32, #tpu.memory_space<hbm>>
        %dma_start3A_549 = arith.constant 0 : i32
        %dma_start3A_550 = tpu.memref_slice %arg6[%squeeze3A_535, %dma_start3A_549] : memref<16x1024xf32, #tpu.memory_space<vmem>> -> memref<1x1024xf32, #tpu.memory_space<vmem>>
        %dma_start3A_551 = tpu.memref_squeeze %dma_start3A_550 : memref<1x1024xf32, #tpu.memory_space<vmem>> -> memref<1024xf32, #tpu.memory_space<vmem>>
        tpu.enqueue_dma source(%dma_start3A_551 : memref<1024xf32, #tpu.memory_space<vmem>>) target(%dma_start3A_548 : memref<1024xf32, #tpu.memory_space<hbm>>) target_semaphore(%dma_start3A_545 : memref<!tpu.dma_semaphore, #tpu.memory_space<semaphore_mem>>)
        %mul3A_552 = arith.constant 16 : i32
        %mul3A_553 = arith.muli %add3A_349, %mul3A_552 : i32
        %add3A_554 = arith.constant 9 : i32
        %add3A_555 = arith.addi %mul3A_553, %add3A_554 : i32
        %slice3A_556 = vector.extract_strided_slice %get3A_353 {offsets = [9], sizes = [1], strides = [1]} : vector<16xi32> to vector<1xi32>
        %squeeze3A_557 = vector.extract %slice3A_556[0] : i32 from vector<1xi32>
        %add3A_558 = arith.addi %mul3A_2, %add3A_555 : i32
        %dma_start3A_559 = arith.constant 0 : i32
        %dma_start3A_560 = arith.constant 0 : i32
        %dma_start3A_561 = tpu.memref_slice %arg6[%squeeze3A_557, %dma_start3A_560] : memref<16x1024xf32, #tpu.memory_space<vmem>> -> memref<1x1024xf32, #tpu.memory_space<vmem>>
        %dma_start3A_562 = tpu.memref_squeeze %dma_start3A_561 : memref<1x1024xf32, #tpu.memory_space<vmem>> -> memref<1024xf32, #tpu.memory_space<vmem>>
        %dma_start3A_563 = arith.constant 0 : i32
        %dma_start3A_564 = tpu.memref_slice %arg4[%add3A_558, %dma_start3A_563] : memref<32768x1024xf32, #tpu.memory_space<hbm>> -> memref<1x1024xf32, #tpu.memory_space<hbm>>
        %dma_start3A_565 = tpu.memref_squeeze %dma_start3A_564 : memref<1x1024xf32, #tpu.memory_space<hbm>> -> memref<1024xf32, #tpu.memory_space<hbm>>
        %dma_start3A_566 = tpu.memref_slice %arg7[%dma_start3A_559] : memref<2x!tpu.dma_semaphore, #tpu.memory_space<semaphore_mem>> -> memref<1x!tpu.dma_semaphore, #tpu.memory_space<semaphore_mem>>
        %dma_start3A_567 = tpu.memref_squeeze %dma_start3A_566 : memref<1x!tpu.dma_semaphore, #tpu.memory_space<semaphore_mem>> -> memref<!tpu.dma_semaphore, #tpu.memory_space<semaphore_mem>>
        %dma_start3A_568 = arith.constant 0 : i32
        %dma_start3A_569 = tpu.memref_slice %arg4[%add3A_558, %dma_start3A_568] : memref<32768x1024xf32, #tpu.memory_space<hbm>> -> memref<1x1024xf32, #tpu.memory_space<hbm>>
        %dma_start3A_570 = tpu.memref_squeeze %dma_start3A_569 : memref<1x1024xf32, #tpu.memory_space<hbm>> -> memref<1024xf32, #tpu.memory_space<hbm>>
        %dma_start3A_571 = arith.constant 0 : i32
        %dma_start3A_572 = tpu.memref_slice %arg6[%squeeze3A_557, %dma_start3A_571] : memref<16x1024xf32, #tpu.memory_space<vmem>> -> memref<1x1024xf32, #tpu.memory_space<vmem>>
        %dma_start3A_573 = tpu.memref_squeeze %dma_start3A_572 : memref<1x1024xf32, #tpu.memory_space<vmem>> -> memref<1024xf32, #tpu.memory_space<vmem>>
        tpu.enqueue_dma source(%dma_start3A_573 : memref<1024xf32, #tpu.memory_space<vmem>>) target(%dma_start3A_570 : memref<1024xf32, #tpu.memory_space<hbm>>) target_semaphore(%dma_start3A_567 : memref<!tpu.dma_semaphore, #tpu.memory_space<semaphore_mem>>)
        %mul3A_574 = arith.constant 16 : i32
        %mul3A_575 = arith.muli %add3A_349, %mul3A_574 : i32
        %add3A_576 = arith.constant 10 : i32
        %add3A_577 = arith.addi %mul3A_575, %add3A_576 : i32
        %slice3A_578 = vector.extract_strided_slice %get3A_353 {offsets = [10], sizes = [1], strides = [1]} : vector<16xi32> to vector<1xi32>
        %squeeze3A_579 = vector.extract %slice3A_578[0] : i32 from vector<1xi32>
        %add3A_580 = arith.addi %mul3A_2, %add3A_577 : i32
        %dma_start3A_581 = arith.constant 0 : i32
        %dma_start3A_582 = arith.constant 0 : i32
        %dma_start3A_583 = tpu.memref_slice %arg6[%squeeze3A_579, %dma_start3A_582] : memref<16x1024xf32, #tpu.memory_space<vmem>> -> memref<1x1024xf32, #tpu.memory_space<vmem>>
        %dma_start3A_584 = tpu.memref_squeeze %dma_start3A_583 : memref<1x1024xf32, #tpu.memory_space<vmem>> -> memref<1024xf32, #tpu.memory_space<vmem>>
        %dma_start3A_585 = arith.constant 0 : i32
        %dma_start3A_586 = tpu.memref_slice %arg4[%add3A_580, %dma_start3A_585] : memref<32768x1024xf32, #tpu.memory_space<hbm>> -> memref<1x1024xf32, #tpu.memory_space<hbm>>
        %dma_start3A_587 = tpu.memref_squeeze %dma_start3A_586 : memref<1x1024xf32, #tpu.memory_space<hbm>> -> memref<1024xf32, #tpu.memory_space<hbm>>
        %dma_start3A_588 = tpu.memref_slice %arg7[%dma_start3A_581] : memref<2x!tpu.dma_semaphore, #tpu.memory_space<semaphore_mem>> -> memref<1x!tpu.dma_semaphore, #tpu.memory_space<semaphore_mem>>
        %dma_start3A_589 = tpu.memref_squeeze %dma_start3A_588 : memref<1x!tpu.dma_semaphore, #tpu.memory_space<semaphore_mem>> -> memref<!tpu.dma_semaphore, #tpu.memory_space<semaphore_mem>>
        %dma_start3A_590 = arith.constant 0 : i32
        %dma_start3A_591 = tpu.memref_slice %arg4[%add3A_580, %dma_start3A_590] : memref<32768x1024xf32, #tpu.memory_space<hbm>> -> memref<1x1024xf32, #tpu.memory_space<hbm>>
        %dma_start3A_592 = tpu.memref_squeeze %dma_start3A_591 : memref<1x1024xf32, #tpu.memory_space<hbm>> -> memref<1024xf32, #tpu.memory_space<hbm>>
        %dma_start3A_593 = arith.constant 0 : i32
        %dma_start3A_594 = tpu.memref_slice %arg6[%squeeze3A_579, %dma_start3A_593] : memref<16x1024xf32, #tpu.memory_space<vmem>> -> memref<1x1024xf32, #tpu.memory_space<vmem>>
        %dma_start3A_595 = tpu.memref_squeeze %dma_start3A_594 : memref<1x1024xf32, #tpu.memory_space<vmem>> -> memref<1024xf32, #tpu.memory_space<vmem>>
        tpu.enqueue_dma source(%dma_start3A_595 : memref<1024xf32, #tpu.memory_space<vmem>>) target(%dma_start3A_592 : memref<1024xf32, #tpu.memory_space<hbm>>) target_semaphore(%dma_start3A_589 : memref<!tpu.dma_semaphore, #tpu.memory_space<semaphore_mem>>)
        %mul3A_596 = arith.constant 16 : i32
        %mul3A_597 = arith.muli %add3A_349, %mul3A_596 : i32
        %add3A_598 = arith.constant 11 : i32
        %add3A_599 = arith.addi %mul3A_597, %add3A_598 : i32
        %slice3A_600 = vector.extract_strided_slice %get3A_353 {offsets = [11], sizes = [1], strides = [1]} : vector<16xi32> to vector<1xi32>
        %squeeze3A_601 = vector.extract %slice3A_600[0] : i32 from vector<1xi32>
        %add3A_602 = arith.addi %mul3A_2, %add3A_599 : i32
        %dma_start3A_603 = arith.constant 0 : i32
        %dma_start3A_604 = arith.constant 0 : i32
        %dma_start3A_605 = tpu.memref_slice %arg6[%squeeze3A_601, %dma_start3A_604] : memref<16x1024xf32, #tpu.memory_space<vmem>> -> memref<1x1024xf32, #tpu.memory_space<vmem>>
        %dma_start3A_606 = tpu.memref_squeeze %dma_start3A_605 : memref<1x1024xf32, #tpu.memory_space<vmem>> -> memref<1024xf32, #tpu.memory_space<vmem>>
        %dma_start3A_607 = arith.constant 0 : i32
        %dma_start3A_608 = tpu.memref_slice %arg4[%add3A_602, %dma_start3A_607] : memref<32768x1024xf32, #tpu.memory_space<hbm>> -> memref<1x1024xf32, #tpu.memory_space<hbm>>
        %dma_start3A_609 = tpu.memref_squeeze %dma_start3A_608 : memref<1x1024xf32, #tpu.memory_space<hbm>> -> memref<1024xf32, #tpu.memory_space<hbm>>
        %dma_start3A_610 = tpu.memref_slice %arg7[%dma_start3A_603] : memref<2x!tpu.dma_semaphore, #tpu.memory_space<semaphore_mem>> -> memref<1x!tpu.dma_semaphore, #tpu.memory_space<semaphore_mem>>
        %dma_start3A_611 = tpu.memref_squeeze %dma_start3A_610 : memref<1x!tpu.dma_semaphore, #tpu.memory_space<semaphore_mem>> -> memref<!tpu.dma_semaphore, #tpu.memory_space<semaphore_mem>>
        %dma_start3A_612 = arith.constant 0 : i32
        %dma_start3A_613 = tpu.memref_slice %arg4[%add3A_602, %dma_start3A_612] : memref<32768x1024xf32, #tpu.memory_space<hbm>> -> memref<1x1024xf32, #tpu.memory_space<hbm>>
        %dma_start3A_614 = tpu.memref_squeeze %dma_start3A_613 : memref<1x1024xf32, #tpu.memory_space<hbm>> -> memref<1024xf32, #tpu.memory_space<hbm>>
        %dma_start3A_615 = arith.constant 0 : i32
        %dma_start3A_616 = tpu.memref_slice %arg6[%squeeze3A_601, %dma_start3A_615] : memref<16x1024xf32, #tpu.memory_space<vmem>> -> memref<1x1024xf32, #tpu.memory_space<vmem>>
        %dma_start3A_617 = tpu.memref_squeeze %dma_start3A_616 : memref<1x1024xf32, #tpu.memory_space<vmem>> -> memref<1024xf32, #tpu.memory_space<vmem>>
        tpu.enqueue_dma source(%dma_start3A_617 : memref<1024xf32, #tpu.memory_space<vmem>>) target(%dma_start3A_614 : memref<1024xf32, #tpu.memory_space<hbm>>) target_semaphore(%dma_start3A_611 : memref<!tpu.dma_semaphore, #tpu.memory_space<semaphore_mem>>)
        %mul3A_618 = arith.constant 16 : i32
        %mul3A_619 = arith.muli %add3A_349, %mul3A_618 : i32
        %add3A_620 = arith.constant 12 : i32
        %add3A_621 = arith.addi %mul3A_619, %add3A_620 : i32
        %slice3A_622 = vector.extract_strided_slice %get3A_353 {offsets = [12], sizes = [1], strides = [1]} : vector<16xi32> to vector<1xi32>
        %squeeze3A_623 = vector.extract %slice3A_622[0] : i32 from vector<1xi32>
        %add3A_624 = arith.addi %mul3A_2, %add3A_621 : i32
        %dma_start3A_625 = arith.constant 0 : i32
        %dma_start3A_626 = arith.constant 0 : i32
        %dma_start3A_627 = tpu.memref_slice %arg6[%squeeze3A_623, %dma_start3A_626] : memref<16x1024xf32, #tpu.memory_space<vmem>> -> memref<1x1024xf32, #tpu.memory_space<vmem>>
        %dma_start3A_628 = tpu.memref_squeeze %dma_start3A_627 : memref<1x1024xf32, #tpu.memory_space<vmem>> -> memref<1024xf32, #tpu.memory_space<vmem>>
        %dma_start3A_629 = arith.constant 0 : i32
        %dma_start3A_630 = tpu.memref_slice %arg4[%add3A_624, %dma_start3A_629] : memref<32768x1024xf32, #tpu.memory_space<hbm>> -> memref<1x1024xf32, #tpu.memory_space<hbm>>
        %dma_start3A_631 = tpu.memref_squeeze %dma_start3A_630 : memref<1x1024xf32, #tpu.memory_space<hbm>> -> memref<1024xf32, #tpu.memory_space<hbm>>
        %dma_start3A_632 = tpu.memref_slice %arg7[%dma_start3A_625] : memref<2x!tpu.dma_semaphore, #tpu.memory_space<semaphore_mem>> -> memref<1x!tpu.dma_semaphore, #tpu.memory_space<semaphore_mem>>
        %dma_start3A_633 = tpu.memref_squeeze %dma_start3A_632 : memref<1x!tpu.dma_semaphore, #tpu.memory_space<semaphore_mem>> -> memref<!tpu.dma_semaphore, #tpu.memory_space<semaphore_mem>>
        %dma_start3A_634 = arith.constant 0 : i32
        %dma_start3A_635 = tpu.memref_slice %arg4[%add3A_624, %dma_start3A_634] : memref<32768x1024xf32, #tpu.memory_space<hbm>> -> memref<1x1024xf32, #tpu.memory_space<hbm>>
        %dma_start3A_636 = tpu.memref_squeeze %dma_start3A_635 : memref<1x1024xf32, #tpu.memory_space<hbm>> -> memref<1024xf32, #tpu.memory_space<hbm>>
        %dma_start3A_637 = arith.constant 0 : i32
        %dma_start3A_638 = tpu.memref_slice %arg6[%squeeze3A_623, %dma_start3A_637] : memref<16x1024xf32, #tpu.memory_space<vmem>> -> memref<1x1024xf32, #tpu.memory_space<vmem>>
        %dma_start3A_639 = tpu.memref_squeeze %dma_start3A_638 : memref<1x1024xf32, #tpu.memory_space<vmem>> -> memref<1024xf32, #tpu.memory_space<vmem>>
        tpu.enqueue_dma source(%dma_start3A_639 : memref<1024xf32, #tpu.memory_space<vmem>>) target(%dma_start3A_636 : memref<1024xf32, #tpu.memory_space<hbm>>) target_semaphore(%dma_start3A_633 : memref<!tpu.dma_semaphore, #tpu.memory_space<semaphore_mem>>)
        %mul3A_640 = arith.constant 16 : i32
        %mul3A_641 = arith.muli %add3A_349, %mul3A_640 : i32
        %add3A_642 = arith.constant 13 : i32
        %add3A_643 = arith.addi %mul3A_641, %add3A_642 : i32
        %slice3A_644 = vector.extract_strided_slice %get3A_353 {offsets = [13], sizes = [1], strides = [1]} : vector<16xi32> to vector<1xi32>
        %squeeze3A_645 = vector.extract %slice3A_644[0] : i32 from vector<1xi32>
        %add3A_646 = arith.addi %mul3A_2, %add3A_643 : i32
        %dma_start3A_647 = arith.constant 0 : i32
        %dma_start3A_648 = arith.constant 0 : i32
        %dma_start3A_649 = tpu.memref_slice %arg6[%squeeze3A_645, %dma_start3A_648] : memref<16x1024xf32, #tpu.memory_space<vmem>> -> memref<1x1024xf32, #tpu.memory_space<vmem>>
        %dma_start3A_650 = tpu.memref_squeeze %dma_start3A_649 : memref<1x1024xf32, #tpu.memory_space<vmem>> -> memref<1024xf32, #tpu.memory_space<vmem>>
        %dma_start3A_651 = arith.constant 0 : i32
        %dma_start3A_652 = tpu.memref_slice %arg4[%add3A_646, %dma_start3A_651] : memref<32768x1024xf32, #tpu.memory_space<hbm>> -> memref<1x1024xf32, #tpu.memory_space<hbm>>
        %dma_start3A_653 = tpu.memref_squeeze %dma_start3A_652 : memref<1x1024xf32, #tpu.memory_space<hbm>> -> memref<1024xf32, #tpu.memory_space<hbm>>
        %dma_start3A_654 = tpu.memref_slice %arg7[%dma_start3A_647] : memref<2x!tpu.dma_semaphore, #tpu.memory_space<semaphore_mem>> -> memref<1x!tpu.dma_semaphore, #tpu.memory_space<semaphore_mem>>
        %dma_start3A_655 = tpu.memref_squeeze %dma_start3A_654 : memref<1x!tpu.dma_semaphore, #tpu.memory_space<semaphore_mem>> -> memref<!tpu.dma_semaphore, #tpu.memory_space<semaphore_mem>>
        %dma_start3A_656 = arith.constant 0 : i32
        %dma_start3A_657 = tpu.memref_slice %arg4[%add3A_646, %dma_start3A_656] : memref<32768x1024xf32, #tpu.memory_space<hbm>> -> memref<1x1024xf32, #tpu.memory_space<hbm>>
        %dma_start3A_658 = tpu.memref_squeeze %dma_start3A_657 : memref<1x1024xf32, #tpu.memory_space<hbm>> -> memref<1024xf32, #tpu.memory_space<hbm>>
        %dma_start3A_659 = arith.constant 0 : i32
        %dma_start3A_660 = tpu.memref_slice %arg6[%squeeze3A_645, %dma_start3A_659] : memref<16x1024xf32, #tpu.memory_space<vmem>> -> memref<1x1024xf32, #tpu.memory_space<vmem>>
        %dma_start3A_661 = tpu.memref_squeeze %dma_start3A_660 : memref<1x1024xf32, #tpu.memory_space<vmem>> -> memref<1024xf32, #tpu.memory_space<vmem>>
        tpu.enqueue_dma source(%dma_start3A_661 : memref<1024xf32, #tpu.memory_space<vmem>>) target(%dma_start3A_658 : memref<1024xf32, #tpu.memory_space<hbm>>) target_semaphore(%dma_start3A_655 : memref<!tpu.dma_semaphore, #tpu.memory_space<semaphore_mem>>)
        %mul3A_662 = arith.constant 16 : i32
        %mul3A_663 = arith.muli %add3A_349, %mul3A_662 : i32
        %add3A_664 = arith.constant 14 : i32
        %add3A_665 = arith.addi %mul3A_663, %add3A_664 : i32
        %slice3A_666 = vector.extract_strided_slice %get3A_353 {offsets = [14], sizes = [1], strides = [1]} : vector<16xi32> to vector<1xi32>
        %squeeze3A_667 = vector.extract %slice3A_666[0] : i32 from vector<1xi32>
        %add3A_668 = arith.addi %mul3A_2, %add3A_665 : i32
        %dma_start3A_669 = arith.constant 0 : i32
        %dma_start3A_670 = arith.constant 0 : i32
        %dma_start3A_671 = tpu.memref_slice %arg6[%squeeze3A_667, %dma_start3A_670] : memref<16x1024xf32, #tpu.memory_space<vmem>> -> memref<1x1024xf32, #tpu.memory_space<vmem>>
        %dma_start3A_672 = tpu.memref_squeeze %dma_start3A_671 : memref<1x1024xf32, #tpu.memory_space<vmem>> -> memref<1024xf32, #tpu.memory_space<vmem>>
        %dma_start3A_673 = arith.constant 0 : i32
        %dma_start3A_674 = tpu.memref_slice %arg4[%add3A_668, %dma_start3A_673] : memref<32768x1024xf32, #tpu.memory_space<hbm>> -> memref<1x1024xf32, #tpu.memory_space<hbm>>
        %dma_start3A_675 = tpu.memref_squeeze %dma_start3A_674 : memref<1x1024xf32, #tpu.memory_space<hbm>> -> memref<1024xf32, #tpu.memory_space<hbm>>
        %dma_start3A_676 = tpu.memref_slice %arg7[%dma_start3A_669] : memref<2x!tpu.dma_semaphore, #tpu.memory_space<semaphore_mem>> -> memref<1x!tpu.dma_semaphore, #tpu.memory_space<semaphore_mem>>
        %dma_start3A_677 = tpu.memref_squeeze %dma_start3A_676 : memref<1x!tpu.dma_semaphore, #tpu.memory_space<semaphore_mem>> -> memref<!tpu.dma_semaphore, #tpu.memory_space<semaphore_mem>>
        %dma_start3A_678 = arith.constant 0 : i32
        %dma_start3A_679 = tpu.memref_slice %arg4[%add3A_668, %dma_start3A_678] : memref<32768x1024xf32, #tpu.memory_space<hbm>> -> memref<1x1024xf32, #tpu.memory_space<hbm>>
        %dma_start3A_680 = tpu.memref_squeeze %dma_start3A_679 : memref<1x1024xf32, #tpu.memory_space<hbm>> -> memref<1024xf32, #tpu.memory_space<hbm>>
        %dma_start3A_681 = arith.constant 0 : i32
        %dma_start3A_682 = tpu.memref_slice %arg6[%squeeze3A_667, %dma_start3A_681] : memref<16x1024xf32, #tpu.memory_space<vmem>> -> memref<1x1024xf32, #tpu.memory_space<vmem>>
        %dma_start3A_683 = tpu.memref_squeeze %dma_start3A_682 : memref<1x1024xf32, #tpu.memory_space<vmem>> -> memref<1024xf32, #tpu.memory_space<vmem>>
        tpu.enqueue_dma source(%dma_start3A_683 : memref<1024xf32, #tpu.memory_space<vmem>>) target(%dma_start3A_680 : memref<1024xf32, #tpu.memory_space<hbm>>) target_semaphore(%dma_start3A_677 : memref<!tpu.dma_semaphore, #tpu.memory_space<semaphore_mem>>)
        %mul3A_684 = arith.constant 16 : i32
        %mul3A_685 = arith.muli %add3A_349, %mul3A_684 : i32
        %add3A_686 = arith.constant 15 : i32
        %add3A_687 = arith.addi %mul3A_685, %add3A_686 : i32
        %slice3A_688 = vector.extract_strided_slice %get3A_353 {offsets = [15], sizes = [1], strides = [1]} : vector<16xi32> to vector<1xi32>
        %squeeze3A_689 = vector.extract %slice3A_688[0] : i32 from vector<1xi32>
        %add3A_690 = arith.addi %mul3A_2, %add3A_687 : i32
        %dma_start3A_691 = arith.constant 0 : i32
        %dma_start3A_692 = arith.constant 0 : i32
        %dma_start3A_693 = tpu.memref_slice %arg6[%squeeze3A_689, %dma_start3A_692] : memref<16x1024xf32, #tpu.memory_space<vmem>> -> memref<1x1024xf32, #tpu.memory_space<vmem>>
        %dma_start3A_694 = tpu.memref_squeeze %dma_start3A_693 : memref<1x1024xf32, #tpu.memory_space<vmem>> -> memref<1024xf32, #tpu.memory_space<vmem>>
        %dma_start3A_695 = arith.constant 0 : i32
        %dma_start3A_696 = tpu.memref_slice %arg4[%add3A_690, %dma_start3A_695] : memref<32768x1024xf32, #tpu.memory_space<hbm>> -> memref<1x1024xf32, #tpu.memory_space<hbm>>
        %dma_start3A_697 = tpu.memref_squeeze %dma_start3A_696 : memref<1x1024xf32, #tpu.memory_space<hbm>> -> memref<1024xf32, #tpu.memory_space<hbm>>
        %dma_start3A_698 = tpu.memref_slice %arg7[%dma_start3A_691] : memref<2x!tpu.dma_semaphore, #tpu.memory_space<semaphore_mem>> -> memref<1x!tpu.dma_semaphore, #tpu.memory_space<semaphore_mem>>
        %dma_start3A_699 = tpu.memref_squeeze %dma_start3A_698 : memref<1x!tpu.dma_semaphore, #tpu.memory_space<semaphore_mem>> -> memref<!tpu.dma_semaphore, #tpu.memory_space<semaphore_mem>>
        %dma_start3A_700 = arith.constant 0 : i32
        %dma_start3A_701 = tpu.memref_slice %arg4[%add3A_690, %dma_start3A_700] : memref<32768x1024xf32, #tpu.memory_space<hbm>> -> memref<1x1024xf32, #tpu.memory_space<hbm>>
        %dma_start3A_702 = tpu.memref_squeeze %dma_start3A_701 : memref<1x1024xf32, #tpu.memory_space<hbm>> -> memref<1024xf32, #tpu.memory_space<hbm>>
        %dma_start3A_703 = arith.constant 0 : i32
        %dma_start3A_704 = tpu.memref_slice %arg6[%squeeze3A_689, %dma_start3A_703] : memref<16x1024xf32, #tpu.memory_space<vmem>> -> memref<1x1024xf32, #tpu.memory_space<vmem>>
        %dma_start3A_705 = tpu.memref_squeeze %dma_start3A_704 : memref<1x1024xf32, #tpu.memory_space<vmem>> -> memref<1024xf32, #tpu.memory_space<vmem>>
        tpu.enqueue_dma source(%dma_start3A_705 : memref<1024xf32, #tpu.memory_space<vmem>>) target(%dma_start3A_702 : memref<1024xf32, #tpu.memory_space<hbm>>) target_semaphore(%dma_start3A_699 : memref<!tpu.dma_semaphore, #tpu.memory_space<semaphore_mem>>)
      } else {
      }
      %mul3A_338 = arith.constant 16 : i32
      %mul3A_339 = arith.muli %add3A_330, %mul3A_338 : i32
      %add3A_340 = arith.addi %mul3A_2, %mul3A_339 : i32
      %dma_wait3A_341 = arith.constant 1 : i32
      %dma_wait3A_342 = arith.constant 0 : i32
      %dma_wait3A_343 = tpu.memref_slice %arg4[%add3A_340, %dma_wait3A_342] : memref<32768x1024xf32, #tpu.memory_space<hbm>> -> memref<16x1024xf32, #tpu.memory_space<hbm>>
      %dma_wait3A_344 = tpu.memref_slice %arg7[%dma_wait3A_341] : memref<2x!tpu.dma_semaphore, #tpu.memory_space<semaphore_mem>> -> memref<1x!tpu.dma_semaphore, #tpu.memory_space<semaphore_mem>>
      %dma_wait3A_345 = tpu.memref_squeeze %dma_wait3A_344 : memref<1x!tpu.dma_semaphore, #tpu.memory_space<semaphore_mem>> -> memref<!tpu.dma_semaphore, #tpu.memory_space<semaphore_mem>>
      %dma_wait3A_346 = arith.constant 0 : i32
      %dma_wait3A_347 = tpu.memref_slice %arg4[%add3A_340, %dma_wait3A_346] : memref<32768x1024xf32, #tpu.memory_space<hbm>> -> memref<16x1024xf32, #tpu.memory_space<hbm>>
      tpu.wait_dma2 semaphore(%dma_wait3A_345 : memref<!tpu.dma_semaphore, #tpu.memory_space<semaphore_mem>>) src(%arg6 : memref<16x1024xf32, #tpu.memory_space<vmem>>) dst(%dma_wait3A_347 : memref<16x1024xf32, #tpu.memory_space<hbm>>)
    }
    %scan3A_308 = arith.constant 32 : i32
    return
  }
}

</mosaic_0001>

<sc_bundles>
// kernel: kernel.3.cloned.1.call-start
scs
__scs_entry_jumppad:
0x0: {  	(pc) =	sbr.rel $0x88, $3  }
0x1: {  	(tag) =	ssettag $0x0;
	lr =	simm.s32 $0x1  }
0x2: {  	[smem:$0x3F9F] =	sst lr;
	_ =	strace $0xD0000000  }
0x3: {  	_ = 	snop  }
0x4: {  	_ = 	snop  }
0x5: {  	_ = 	snop  }
0x6: {  	_ = 	snop  }
0x7: {  	_ = 	snop  }
__scs_overlays_trampoline_lowered:
0x8: {  	[smem:$0x3FAE] =	sst s0  }
0x9: {  	[smem:$0x3FAF] =	sst s1  }
0xa: {  	[smem:$0x3FB0] =	sst s2  }
0xb: {  	[smem:$0x3FB1] =	sst s3  }
0xc: {  	[smem:$0x3FB2] =	sst s4  }
0xd: {  	[smem:$0x3FB3] =	sst s5  }
0xe: {  	[smem:$0x3FB4] =	sst s6  }
0xf: {  	[smem:$0x3FB5] =	sst s7  }
0x10: {  	[smem:$0x3FB6] =	sst s8  }
0x11: {  	[smem:$0x3FB7] =	sst s9;
	s0 =	simm.s32 @!p0 $0x0  }
0x12: {  	s1 =	sld [smem:$0x3F9D];
	s0 =	simm.s32 @p0 $0x1  }
0x13: {  	[smem:$0x3FB8] =	sst s0;
	s0 =	simm.s32 @!p1 $0x0  }
0x14: {  	s2 =	sld [smem:$0x3F9C];
	s0 =	simm.s32 @p1 $0x1  }
0x15: {  	[smem:$0x3FB9] =	sst s0;
	s0 =	simm.s32 @!p2 $0x0  }
0x16: {  	s3 =	sld [smem:$0x3FDB];
	s0 =	simm.s32 @p2 $0x1  }
0x17: {  	s4 =	simm.s32 $0x1BF5;
	[smem:$0x3FBB] =	sst s0  }
0x18: {  	s0 =	sld [smem:$0x3F9E];
	_ =	swait.ge [sflag:s4], $0x0  }
0x19: {  	s7 =	sld [smem:$0x3F9F]  }
0x1a: {  	s8 =	sadd.s32 $0xFFFFE003, lr  }
0x1b: {  	s9 =	sadd.s32 $0xFFFFFEF7, lr;
	s5 =	simm.s32 $0xFFFFFFFF;
	p2 =	slt.u32 s8, $0xFFFFF086  }
0x1c: {  	p1 =	slt.u32 s9, $0xF7A;
	s5 =	simm.s32 @!p2 $0x0  }
0x1d: {  	s5 =	simm.s32 @p1 $0x1;
	p0 =	seq.s32 s7, s2  }
0x1e: {  	s7 =	smul.u32 @!p0 $0xF7A, s2;
	p2 =	seq.s32 @!p0 s5, $0x0  }
0x1f: {  	s9 =	smul.u32 $0xF7A, s1;
	s8 =	simm.s32 @!p0 $0x1BF5;
	p2 =	por !p2, p0  }
0x20: {  	[sflag:s8] =	ssyncset.s32 @!p0 $0xFFFFF086;
	s6 =	sadd.s32 @!p0 s3, s7;
	s7 =	simm.s32 @!p0 $0x108  }
0x21: {  	s3 =	sadd.s32 s3, s9;
	s6 =	sadd.s32 @!p0 $0x88, s6;
	s7 =	simm.s32 @p2 $0x1082  }
0x22: {  	[simem:s7], [sflag:s8] =	dma.local @!p0 [hbm:s6], $0xF7A  }
0x23: {  	s9 =	sor.u32 $0xD0000000, s2;
	s6 =	simm.s32 $0x108;
	_ =	swait.ge @!p0 [sflag:s8], $0x0  }
0x24: {  	s3 =	sadd.s32 $0x88, s3;
	s6 =	simm.s32 @!p1 $0x1082;
	[sflag:s4] =	ssyncset.s32 $0xFFFFF086  }
0x25: {  	[simem:s6], [sflag:s4] =	dma.local [hbm:s3], $0xF7A  }
0x26: {  	[smem:$0x3F9F] =	sst s1;
	(tag) =	ssettag s2;
	_ =	strace s9  }
0x27: {  	s1 =	sld [smem:$0x3FAF]  }
0x28: {  	s2 =	sld [smem:$0x3FB0]  }
0x29: {  	s4 =	sld [smem:$0x3FB2]  }
0x2a: {  	p0 =	seq.s32 s5, $0x0;
	s5 =	sld [smem:$0x3FB3]  }
0x2b: {  	s6 =	sld [smem:$0x3FB4]  }
0x2c: {  	s7 =	sld [smem:$0x3FB5]  }
0x2d: {  	s3 =	simm.s32 $0x108;
	s8 =	sld [smem:$0x3FB6]  }
0x2e: {  	s3 =	simm.s32 @!p0 $0x1082;
	s9 =	sld [smem:$0x3FB7]  }
0x2f: {  	lr =	sadd.s32 s0, s3;
	s0 =	sld [smem:$0x3FAE]  }
0x30: {  	s3 =	sld [smem:$0x3FB1]  }
0x31: {  	[smem:$0x3FBA] =	sst s10  }
0x32: {  	s10 =	sld [smem:$0x3FB8];
	_ =	sdelay $0x3  }
0x33: {  	p0 =	seq.s32 s10, $0x1;
	s10 =	sld [smem:$0x3FBA];
	_ =	sdelay $0x3  }
0x34: {  	[smem:$0x3FBA] =	sst s10  }
0x35: {  	s10 =	sld [smem:$0x3FB9];
	_ =	sdelay $0x3  }
0x36: {  	p1 =	seq.s32 s10, $0x1;
	s10 =	sld [smem:$0x3FBA];
	_ =	sdelay $0x3  }
0x37: {  	[smem:$0x3FBA] =	sst s10  }
0x38: {  	s10 =	sld [smem:$0x3FBB]  }
0x39: {  	_ = 	snop;
	(pc) =	sbr.ind lr, $3  }
0x3a: {  	_ = 	snop  }
0x3b: {  	_ = 	snop  }
0x3c: {  	p2 =	seq.s32 s10, $0x1;
	s10 =	sld [smem:$0x3FBA]  }
0x3d: {  	_ =	shalt  }
0x3e: {  	_ =	shalt  }
0x3f: {  	_ =	shalt  }
0x40: {  	_ =	shalt  }
0x41: {  	_ =	shalt  }
0x42: {  	_ =	shalt  }
0x43: {  	_ =	shalt  }
0x44: {  	_ =	shalt  }
0x45: {  	_ =	shalt  }
0x46: {  	_ =	shalt  }
0x47: {  	_ =	shalt  }
0x48: {  	_ =	shalt  }
0x49: {  	_ =	shalt  }
0x4a: {  	_ =	shalt  }
0x4b: {  	_ =	shalt  }
0x4c: {  	_ =	shalt  }
0x4d: {  	_ =	shalt  }
0x4e: {  	_ =	shalt  }
0x4f: {  	_ =	shalt  }
0x50: {  	_ =	shalt  }
0x51: {  	_ =	shalt  }
0x52: {  	_ =	shalt  }
0x53: {  	_ =	shalt  }
0x54: {  	_ =	shalt  }
0x55: {  	_ =	shalt  }
0x56: {  	_ =	shalt  }
0x57: {  	_ =	shalt  }
0x58: {  	_ =	shalt  }
0x59: {  	_ =	shalt  }
0x5a: {  	_ =	shalt  }
0x5b: {  	_ =	shalt  }
0x5c: {  	_ =	shalt  }
0x5d: {  	_ =	shalt  }
0x5e: {  	_ =	shalt  }
0x5f: {  	_ =	shalt  }
0x60: {  	_ =	shalt  }
0x61: {  	_ =	shalt  }
0x62: {  	_ =	shalt  }
0x63: {  	_ =	shalt  }
0x64: {  	_ =	shalt  }
0x65: {  	_ =	shalt  }
0x66: {  	_ =	shalt  }
0x67: {  	_ =	shalt  }
0x68: {  	_ =	shalt  }
0x69: {  	_ =	shalt  }
0x6a: {  	_ =	shalt  }
0x6b: {  	_ =	shalt  }
0x6c: {  	_ =	shalt  }
0x6d: {  	_ =	shalt  }
0x6e: {  	_ =	shalt  }
0x6f: {  	_ =	shalt  }
0x70: {  	_ =	shalt  }
0x71: {  	_ =	shalt  }
0x72: {  	_ =	shalt  }
0x73: {  	_ =	shalt  }
0x74: {  	_ =	shalt  }
0x75: {  	_ =	shalt  }
0x76: {  	_ =	shalt  }
0x77: {  	_ =	shalt  }
0x78: {  	_ =	shalt  }
0x79: {  	_ =	shalt  }
0x7a: {  	_ =	shalt  }
0x7b: {  	_ =	shalt  }
0x7c: {  	_ =	shalt  }
0x7d: {  	_ =	shalt  }
0x7e: {  	_ =	shalt  }
0x7f: {  	_ =	shalt  }
0x80: {  	_ =	shalt  }
0x81: {  	_ =	shalt  }
0x82: {  	_ =	shalt  }
0x83: {  	_ =	shalt  }
0x84: {  	_ =	shalt  }
0x85: {  	_ =	shalt  }
0x86: {  	_ =	shalt  }
0x87: {  	_ =	shalt  }
.Lfunc_end0:
.L_simem_size_0:
called_computation_lowered:
.L_overlay_start_0:
0x88: {  	s2 =	sld [smem:$0x3FD9]  }
0x89: {  	s3 =	sld [smem:$0x3FFE];
	_ =	sdelay $0x1  }
0x8a: {  	s1 =	srdreg.scid  }
0x8b: {  	s0 =	sand.u32 $0x1, s1  }
0x8c: {  	s17 =	sshll.u32 s0, $0xA;
	s2 =	sadd.s32 s3, s2  }
0x8d: {  	s2 =	sadd.s32 s2, s17  }
0x8e: {  	[smem:$0x3FC6] =	sst s2  }
0x8f: {  	_ = 	snop  }
0x90: {  	s2 =	sld [smem:$0x3FC8]  }
0x91: {  	s18 =	sld [smem:$0x3FD0];
	(tm) =	ssettm $0x1  }
0x92: {  	s4 =	sld [smem:$0x3FFB];
	_ =	sdelay $0x3  }
0x93: {  	_ =	strace s4  }
0x94: {  	s4 =	sld [smem:$0x3FFC];
	_ =	sdelay $0x3  }
0x95: {  	_ =	strace s4  }
0x96: {  	s4 =	sld [smem:$0x3FFD];
	_ =	sdelay $0x3  }
0x97: {  	_ =	strace s4  }
0x98: {  	_ =	strace $0x8FFFFFFF  }
0x99: {  	s19 =	sld [smem:$0x3FDB];
	_ =	sdelay $0x1  }
0x9a: {  	s5 =	simm.s32 $_scs_section_size  }
0x9b: {  	s6 =	simm.s32 $_size__tile_overlayer_lowered;
	s7 =	simm.s32 $_tile_overlayer_lowered  }
0x9c: {  	s22 =	simm.s32 $0x1BFF;
	s21 =	sshll.u32 s7, $0x1;
	s4 =	sadd.s32 s5, s19  }
0x9d: {  	s8 =	simm.s32 $0x0;
	s20 =	sshll.u32 s6, $0x1;
	s6 =	sadd.s32 s21, s4  }
0x9e: {  	[timem:s8], [sflag:s22] =	dma.local [hbm:s6], s20  }
0x9f: {  	_ =	swait.ge [sflag:s22], s20  }
0xa0: {  	s5 =	ssub.s32 $0x0, s20;
	[sflag:s22] =	ssyncset.done $0x0  }
0xa1: {  	[sflag:s22] =	ssyncadd.s32 s5;
	_ =	sdelay $0x1  }
0xa2: {  	s23 =	simm.s32 $0x1B8B  }
0xa3: {  	_ =	swait.ge [sflag:s23], $0x1  }
0xa4: {  	[sflag:s23] =	ssyncset.done $0x0  }
0xa5: {  	s25 =	simm.s32 $0x1B8E;
	s24 =	sld [smem:$0x3FFE];
	[sflag:s23] =	ssyncadd.s32 $0xFFFFFFFF  }
0xa6: {  	s26 =	simm.s32 $execute0_lowered;
	[smem:$0x3FD2] =	sst s25  }
0xa7: {  	s6 =	sshll.u32 s26, $0x1;
	_ =	strace $0x80000046;
	[dreg:$0x1] =	wrdreg $0xFFFFFFFF  }
0xa8: {  	s28 =	simm.s32 $_size_execute0_lowered;
	s4 =	sadd.s32 s4, s6;
	[dreg:$0x0] =	wrdreg $0x0  }
0xa9: {  	s6 =	sshll.u32 s28, $0x1;
	[dreg:$0x2] =	wrdreg s4  }
0xaa: {  	[dreg:$0x3] =	wrdreg s6  }
0xab: {  	[dreg:$0x4] =	wrdreg $0xC0  }
0xac: {  	_ =	task [dreg:s8], $0x5FFFF  }
0xad: {  	[dreg:$0x1] =	wrdreg $0xFFFFFFFF  }
0xae: {  	[dreg:$0x0] =	wrdreg $0x60  }
0xaf: {  	[dreg:$0x2] =	wrdreg s24  }
0xb0: {  	[dreg:$0x3] =	wrdreg s2  }
0xb1: {  	[dreg:$0x4] =	wrdreg s18  }
0xb2: {  	[dreg:$0x5] =	wrdreg $0x9  }
0xb3: {  	_ =	task.clear_ibuf [dreg:s8], $0x6FFFF;
	_ =	strace $0x90000046  }
0xb4: {  	s29 =	simm.s32 $0x9;
	_ =	strace $0x80000048  }
0xb5: {  	_ =	swait.ge [sflag:s29], $0x1  }
0xb6: {  	[sflag:s29] =	ssyncadd.s32 $0xFFFFFFFF  }
0xb7: {  	_ =	strace $0x90000048  }
0xb8: {  	_ =	sfence  }
0xb9: {  	s30 =	sld [smem:$0x0];
	_ =	sdelay $0x2  }
0xba: {  	s31 =	sshll.u32 s1, $0xD;
	s1 =	sshrl.u32 s1, $0x2  }
0xbb: {  	s3 =	sand.u32 $0x4000, s31;
	s1 =	sadd.s32 s1, s30  }
0xbc: {  	s0 =	sor.u32 s3, s0;
	s1 =	sshll.u32 s1, $0x11  }
0xbd: {  	s0 =	sor.u32 s1, s0  }
0xbe: {  	s0 =	sadd.s32 $0x8F2B, s0  }
0xbf: {  	[sflag:s0] =	ssyncadd.remote.s32 $0x1  }
0xc0: {  	_ =	sfence.sel $0xFFFF  }
0xc1: {  	[dreg:$0x0] =	wrdreg $0xFFFFFFFF;
	(pc) =	sbr.abs _section_cstart, $3  }
0xc2: {  	[dreg:$0x1] =	wrdreg $0xFFFFFFFF  }
0xc3: {  	_ =	task.clear_ibuf [dreg:s8], $0x2FFFF;
	_ =	strace $0x9FFFFFFF  }
0xc4: {  	(tm) =	ssettm $0x7FFFFFFF  }
0xc5: {  	_ =	shalt  }
tec
execute0_lowered:
.L_overlay_start_1:
0x0: {  	(tag) =	ssettag $0x1  }
0x1: {  	s0 =	rddreg [dreg:$0x0]  }
0x2: {  	s21 =	rddreg [dreg:$0x1]  }
0x3: {  	s1 =	rddreg [dreg:$0x2];
	s2 =	srdreg.scid;
	s3 =	simm.s32 $0x0  }
0x4: {  	s22 =	stileid.u32;
	s2 =	sand.u32 $0x1, s2;
	[smem:$0x7FF] =	sst s3  }
0x5: {  	s4 =	sshll.u32 s22, $0xB;
	s29 =	sshll.u32 s22, $0x12;
	s22 =	sadd.s32 $0x40, s21  }
0x6: {  	s24 =	sadd.s32 $0x80, s21;
	s25 =	sadd.s32 $0xC0, s21;
	s30 =	sadd.s32 $0x1C0, s21  }
0x7: {  	s5 =	sshll.u32 s2, $0xA;
	_ =	strace $0x80000047;
	[dreg:$0x6] =	wrdreg s22  }
0x8: {  	s26 =	ssub.s32 $0x2, s2;
	s23 =	sshll.u32 s2, $0x11;
	[dreg:$0x7] =	wrdreg s24  }
0x9: {  	[dreg:$0x8] =	wrdreg s25;
	s2 =	simm.s32 $0x3;
	s4 =	sor.u32 s5, s4  }
0xa: {  	s7 =	sshrl.u32 s26, $0x1;
	s6 =	sshrl.u32 s4, $0x3;
	s4 =	sshll.u32 s4, $0x7  }
0xb: {  	s5 =	ssub.s32 s26, s7;
	s26 =	sadd.s32 $0x100, s21;
	s0 =	sadd.s32 s6, s0  }
0xc: {  	s4 =	sadd.s32 s4, s1;
	s28 =	smax.u32 s5, $0x1;
	[dreg:$0x9] =	wrdreg s26  }
0xd: {  	s5 =	simm.s32 $0x2;
	s0 =	sadd.s32 $0x400, s0;
	s6 =	sadd.s32 $0x10, s4  }
0xe: {  	s7 =	sadd.s32 $0x20, s4;
	s8 =	sadd.s32 $0x30, s4;
	s9 =	sadd.s32 $0x40, s4  }
0xf: {  	s10 =	sadd.s32 $0x50, s4;
	s11 =	sadd.s32 $0x60, s4;
	s12 =	sadd.s32 $0x70, s4  }
0x10: {  	s13 =	sadd.s32 $0x400, s4;
	s14 =	sadd.s32 $0x410, s4;
	s15 =	sadd.s32 $0x420, s4  }
0x11: {  	s16 =	sadd.s32 $0x430, s4;
	s17 =	sadd.s32 $0x440, s4;
	s18 =	sadd.s32 $0x450, s4  }
.Ltmp0:
0x12: {  	s19 =	sadd.s32 $0x460, s4;
	[dreg:$0x5] =	wrdreg s28;
	(pc) =	sbr.rel .LBB2_1-.Ltmp0, $4  }
0x13: {  	s20 =	sadd.s32 $0x470, s4;
	s28 =	sadd.s32 $0x140, s21;
	[dreg:$0x4] =	wrdreg s0  }
0x14: {  	s31 =	sadd.s32 $0x1400, s4;
	s0 =	sadd.s32 s29, s1;
	[dreg:$0xa] =	wrdreg s28  }
0x15: {  	s29 =	sadd.s32 $0x180, s21;
	s1 =	simm.s32 $0x1;
	s21 =	simm.s32 $0x0  }
0x16: {  	s24 =	sadd.s32 s23, s0;
	[dreg:$0xb] =	wrdreg s29;
	s0 =	sadd.s32 $0x1000, s4  }
.LBB2_5:
0x17: {  	s21 =	sadd.s32 $0x1, s21;
	s22 =	rddreg [dreg:$0x5]  }
0x18: {  	p0 =	sne.s32 s21, s22  }
.Ltmp1:
0x19: {  	_ = 	snop;
	(pc) =	sbr.rel @!p0 .LBB2_6-.Ltmp1, $1  }
0x1a: {  	_ =	sdelay $0x3  }
.LBB2_1:
0x1b: {  	s22 =	rddreg [dreg:$0x1];
	s23 =	simm.s32 $0x400  }
0x1c: {  	[tilespmem:s23], [sflag:$0x3] =	stream.linear.gather [hbm4b:s22+s3], $0x200, $0x38;
	[tilespmem:$0x4400] =	vst v63  }
0x1d: {  	s25 =	rddreg [dreg:$0x6];
	s26 =	simm.s32 $0x800  }
0x1e: {  	[tilespmem:s26], [sflag:$0x3] =	stream.linear.gather [hbm4b:s25+s3], $0x200, $0x38;
	[tilespmem:$0x4400] =	vst v63  }
0x1f: {  	s28 =	rddreg [dreg:$0x7];
	s29 =	simm.s32 $0xC00  }
0x20: {  	[tilespmem:s29], [sflag:$0x3] =	stream.linear.gather [hbm4b:s28+s3], $0x200, $0x38;
	[tilespmem:$0x4400] =	vst v63  }
0x21: {  	s25 =	rddreg [dreg:$0x8];
	s26 =	simm.s32 $0x1000  }
0x22: {  	[tilespmem:s26], [sflag:$0x3] =	stream.linear.gather [hbm4b:s25+s3], $0x200, $0x38;
	[tilespmem:$0x4400] =	vst v63  }
0x23: {  	s28 =	rddreg [dreg:$0x9];
	s29 =	simm.s32 $0x1400  }
0x24: {  	[tilespmem:s29], [sflag:$0x3] =	stream.linear.gather [hbm4b:s28+s3], $0x200, $0x38;
	[tilespmem:$0x4400] =	vst v63  }
0x25: {  	s25 =	rddreg [dreg:$0xa];
	s26 =	simm.s32 $0x1800  }
0x26: {  	[tilespmem:s26], [sflag:$0x3] =	stream.linear.gather [hbm4b:s25+s3], $0x200, $0x38;
	[tilespmem:$0x4400] =	vst v63  }
0x27: {  	s28 =	rddreg [dreg:$0xb];
	s29 =	simm.s32 $0x1C00  }
0x28: {  	[tilespmem:s29], [sflag:$0x3] =	stream.linear.gather [hbm4b:s28+s3], $0x200, $0x38;
	[tilespmem:$0x4400] =	vst v63  }
0x29: {  	s23 =	simm.s32 $0x2000  }
0x2a: {  	[tilespmem:s23], [sflag:$0x3] =	stream.linear.gather [hbm4b:s30+s3], $0x200, $0x38;
	[tilespmem:$0x4400] =	vst v63  }
0x2b: {  	_ =	swait.ge [sflag:s2], $0x1000  }
0x2c: {  	[sflag:s2] =	ssyncset.done $0x0  }
0x2d: {  	s25 =	rddreg [dreg:$0x4];
	[sflag:s2] =	ssyncadd.s32 $0xFFFFF000  }
0x2e: {  	[tilespmem:s3], [sflag:$0x3] =	stream.linear.gather [hbm4b:s25+s3], $0x400, $0x38;
	[tilespmem:$0x4400] =	vst v63  }
0x2f: {  	_ =	swait.ge [sflag:s2], $0x400  }
0x30: {  	[sflag:s2] =	ssyncset.done $0x0  }
0x31: {  	[sflag:s2] =	ssyncadd.s32 $0xFFFFFC00  }
0x32: {  	v0 =	vld [tilespmem:$0x0];
	_ =	sdelay $0x4  }
0x33: {  	(v2sf) =	vpush v0, $0x0;
	_ =	sdelay $0xe  }
0x34: {  	s26 =	spop (v2sf)  }
0x35: {  	s28 =	sshll.u32 s26, $0xA;
	s22 =	sshll.u32 s26, $0x7  }
0x36: {  	s23 =	sand.u32 $0xFFFFE000, s28;
	s22 =	sand.u32 $0x380, s22  }
0x37: {  	(v2sf) =	vpush v0, $0x1;
	s22 =	sor.u32 s22, s23  }
0x38: {  	s23 =	sor.u32 $0x400, s22  }
0x39: {  	[hbm4b:s4+s3] =	stream.linear.scatter [tilespmem:s23], [sflag:$0x1], $0x80, $0x38;
	[tilespmem:$0x4400] =	vst v63  }
0x3a: {  	s25 =	sadd.s32 $0x80, s4;
	s29 =	sor.u32 $0x800, s22  }
0x3b: {  	[hbm4b:s25+s3] =	stream.linear.scatter [tilespmem:s29], [sflag:$0x1], $0x80, $0x38;
	[tilespmem:$0x4400] =	vst v63  }
0x3c: {  	s26 =	sadd.s32 $0x100, s4;
	s25 =	sor.u32 $0xC00, s22  }
0x3d: {  	[hbm4b:s26+s3] =	stream.linear.scatter [tilespmem:s25], [sflag:$0x1], $0x80, $0x38;
	[tilespmem:$0x4400] =	vst v63  }
0x3e: {  	s28 =	sor.u32 $0x1000, s22;
	s29 =	sadd.s32 $0x180, s4  }
0x3f: {  	[hbm4b:s29+s3] =	stream.linear.scatter [tilespmem:s28], [sflag:$0x1], $0x80, $0x38;
	[tilespmem:$0x4400] =	vst v63  }
0x40: {  	s25 =	sor.u32 $0x1400, s22;
	s26 =	sadd.s32 $0x200, s4  }
0x41: {  	[hbm4b:s26+s3] =	stream.linear.scatter [tilespmem:s25], [sflag:$0x1], $0x80, $0x38;
	[tilespmem:$0x4400] =	vst v63  }
0x42: {  	s28 =	sor.u32 $0x1800, s22;
	s29 =	sadd.s32 $0x280, s4  }
0x43: {  	[hbm4b:s29+s3] =	stream.linear.scatter [tilespmem:s28], [sflag:$0x1], $0x80, $0x38;
	[tilespmem:$0x4400] =	vst v63  }
0x44: {  	s26 =	sor.u32 $0x1C00, s22;
	s28 =	sadd.s32 $0x300, s4  }
0x45: {  	[hbm4b:s28+s3] =	stream.linear.scatter [tilespmem:s26], [sflag:$0x1], $0x80, $0x38;
	[tilespmem:$0x4400] =	vst v63  }
0x46: {  	s22 =	sadd.s32 $0x2000, s22;
	s29 =	sadd.s32 $0x380, s4;
	s25 =	spop (v2sf)  }
0x47: {  	[hbm4b:s29+s3] =	stream.linear.scatter [tilespmem:s22], [sflag:$0x1], $0x80, $0x38;
	[tilespmem:$0x4400] =	vst v63  }
0x48: {  	s26 =	sshll.u32 s25, $0xA;
	s22 =	sshll.u32 s25, $0x7  }
0x49: {  	s23 =	sand.u32 $0xFFFFE000, s26;
	s22 =	sand.u32 $0x380, s22  }
0x4a: {  	(v2sf) =	vpush v0, $0x2;
	s22 =	sor.u32 s22, s23  }
0x4b: {  	s23 =	sor.u32 $0x400, s22  }
0x4c: {  	[hbm4b:s6+s3] =	stream.linear.scatter [tilespmem:s23], [sflag:$0x1], $0x80, $0x38;
	[tilespmem:$0x4400] =	vst v63  }
0x4d: {  	s29 =	sadd.s32 $0x80, s6;
	s28 =	sor.u32 $0x800, s22  }
0x4e: {  	[hbm4b:s29+s3] =	stream.linear.scatter [tilespmem:s28], [sflag:$0x1], $0x80, $0x38;
	[tilespmem:$0x4400] =	vst v63  }
0x4f: {  	s26 =	sadd.s32 $0x100, s6;
	s25 =	sor.u32 $0xC00, s22  }
0x50: {  	[hbm4b:s26+s3] =	stream.linear.scatter [tilespmem:s25], [sflag:$0x1], $0x80, $0x38;
	[tilespmem:$0x4400] =	vst v63  }
0x51: {  	s28 =	sor.u32 $0x1000, s22;
	s29 =	sadd.s32 $0x180, s6  }
0x52: {  	[hbm4b:s29+s3] =	stream.linear.scatter [tilespmem:s28], [sflag:$0x1], $0x80, $0x38;
	[tilespmem:$0x4400] =	vst v63  }
0x53: {  	s25 =	sor.u32 $0x1400, s22;
	s26 =	sadd.s32 $0x200, s6  }
0x54: {  	[hbm4b:s26+s3] =	stream.linear.scatter [tilespmem:s25], [sflag:$0x1], $0x80, $0x38;
	[tilespmem:$0x4400] =	vst v63  }
0x55: {  	s28 =	sor.u32 $0x1800, s22;
	s29 =	sadd.s32 $0x280, s6  }
0x56: {  	[hbm4b:s29+s3] =	stream.linear.scatter [tilespmem:s28], [sflag:$0x1], $0x80, $0x38;
	[tilespmem:$0x4400] =	vst v63  }
0x57: {  	s26 =	sor.u32 $0x1C00, s22;
	s28 =	sadd.s32 $0x300, s6  }
0x58: {  	[hbm4b:s28+s3] =	stream.linear.scatter [tilespmem:s26], [sflag:$0x1], $0x80, $0x38;
	[tilespmem:$0x4400] =	vst v63  }
0x59: {  	s22 =	sadd.s32 $0x2000, s22;
	s25 =	spop (v2sf);
	s29 =	sadd.s32 $0x380, s6  }
0x5a: {  	[hbm4b:s29+s3] =	stream.linear.scatter [tilespmem:s22], [sflag:$0x1], $0x80, $0x38;
	[tilespmem:$0x4400] =	vst v63  }
0x5b: {  	s26 =	sshll.u32 s25, $0xA;
	s22 =	sshll.u32 s25, $0x7  }
0x5c: {  	s23 =	sand.u32 $0xFFFFE000, s26;
	s22 =	sand.u32 $0x380, s22  }
0x5d: {  	(v2sf) =	vpush v0, $0x3;
	s22 =	sor.u32 s22, s23  }
0x5e: {  	s23 =	sor.u32 $0x400, s22  }
0x5f: {  	[hbm4b:s7+s3] =	stream.linear.scatter [tilespmem:s23], [sflag:$0x1], $0x80, $0x38;
	[tilespmem:$0x4400] =	vst v63  }
0x60: {  	s29 =	sadd.s32 $0x80, s7;
	s28 =	sor.u32 $0x800, s22  }
0x61: {  	[hbm4b:s29+s3] =	stream.linear.scatter [tilespmem:s28], [sflag:$0x1], $0x80, $0x38;
	[tilespmem:$0x4400] =	vst v63  }
0x62: {  	s26 =	sadd.s32 $0x100, s7;
	s25 =	sor.u32 $0xC00, s22  }
0x63: {  	[hbm4b:s26+s3] =	stream.linear.scatter [tilespmem:s25], [sflag:$0x1], $0x80, $0x38;
	[tilespmem:$0x4400] =	vst v63  }
0x64: {  	s28 =	sor.u32 $0x1000, s22;
	s29 =	sadd.s32 $0x180, s7  }
0x65: {  	[hbm4b:s29+s3] =	stream.linear.scatter [tilespmem:s28], [sflag:$0x1], $0x80, $0x38;
	[tilespmem:$0x4400] =	vst v63  }
0x66: {  	s25 =	sor.u32 $0x1400, s22;
	s26 =	sadd.s32 $0x200, s7  }
0x67: {  	[hbm4b:s26+s3] =	stream.linear.scatter [tilespmem:s25], [sflag:$0x1], $0x80, $0x38;
	[tilespmem:$0x4400] =	vst v63  }
0x68: {  	s28 =	sor.u32 $0x1800, s22;
	s29 =	sadd.s32 $0x280, s7  }
0x69: {  	[hbm4b:s29+s3] =	stream.linear.scatter [tilespmem:s28], [sflag:$0x1], $0x80, $0x38;
	[tilespmem:$0x4400] =	vst v63  }
0x6a: {  	s26 =	sor.u32 $0x1C00, s22;
	s28 =	sadd.s32 $0x300, s7  }
0x6b: {  	[hbm4b:s28+s3] =	stream.linear.scatter [tilespmem:s26], [sflag:$0x1], $0x80, $0x38;
	[tilespmem:$0x4400] =	vst v63  }
0x6c: {  	s22 =	sadd.s32 $0x2000, s22;
	s25 =	spop (v2sf);
	s29 =	sadd.s32 $0x380, s7  }
0x6d: {  	[hbm4b:s29+s3] =	stream.linear.scatter [tilespmem:s22], [sflag:$0x1], $0x80, $0x38;
	[tilespmem:$0x4400] =	vst v63  }
0x6e: {  	s26 =	sshll.u32 s25, $0xA;
	s22 =	sshll.u32 s25, $0x7  }
0x6f: {  	s23 =	sand.u32 $0xFFFFE000, s26;
	s22 =	sand.u32 $0x380, s22  }
0x70: {  	(v2sf) =	vpush v0, $0x4;
	s22 =	sor.u32 s22, s23  }
0x71: {  	s23 =	sor.u32 $0x400, s22  }
0x72: {  	[hbm4b:s8+s3] =	stream.linear.scatter [tilespmem:s23], [sflag:$0x1], $0x80, $0x38;
	[tilespmem:$0x4400] =	vst v63  }
0x73: {  	s29 =	sadd.s32 $0x80, s8;
	s28 =	sor.u32 $0x800, s22  }
0x74: {  	[hbm4b:s29+s3] =	stream.linear.scatter [tilespmem:s28], [sflag:$0x1], $0x80, $0x38;
	[tilespmem:$0x4400] =	vst v63  }
0x75: {  	s26 =	sadd.s32 $0x100, s8;
	s25 =	sor.u32 $0xC00, s22  }
0x76: {  	[hbm4b:s26+s3] =	stream.linear.scatter [tilespmem:s25], [sflag:$0x1], $0x80, $0x38;
	[tilespmem:$0x4400] =	vst v63  }
0x77: {  	s28 =	sor.u32 $0x1000, s22;
	s29 =	sadd.s32 $0x180, s8  }
0x78: {  	[hbm4b:s29+s3] =	stream.linear.scatter [tilespmem:s28], [sflag:$0x1], $0x80, $0x38;
	[tilespmem:$0x4400] =	vst v63  }
0x79: {  	s25 =	sor.u32 $0x1400, s22;
	s26 =	sadd.s32 $0x200, s8  }
0x7a: {  	[hbm4b:s26+s3] =	stream.linear.scatter [tilespmem:s25], [sflag:$0x1], $0x80, $0x38;
	[tilespmem:$0x4400] =	vst v63  }
0x7b: {  	s28 =	sor.u32 $0x1800, s22;
	s29 =	sadd.s32 $0x280, s8  }
0x7c: {  	[hbm4b:s29+s3] =	stream.linear.scatter [tilespmem:s28], [sflag:$0x1], $0x80, $0x38;
	[tilespmem:$0x4400] =	vst v63  }
0x7d: {  	s26 =	sor.u32 $0x1C00, s22;
	s28 =	sadd.s32 $0x300, s8  }
0x7e: {  	[hbm4b:s28+s3] =	stream.linear.scatter [tilespmem:s26], [sflag:$0x1], $0x80, $0x38;
	[tilespmem:$0x4400] =	vst v63  }
0x7f: {  	s22 =	sadd.s32 $0x2000, s22;
	s25 =	spop (v2sf);
	s29 =	sadd.s32 $0x380, s8  }
0x80: {  	[hbm4b:s29+s3] =	stream.linear.scatter [tilespmem:s22], [sflag:$0x1], $0x80, $0x38;
	[tilespmem:$0x4400] =	vst v63  }
0x81: {  	s26 =	sshll.u32 s25, $0xA;
	s22 =	sshll.u32 s25, $0x7  }
0x82: {  	s23 =	sand.u32 $0xFFFFE000, s26;
	s22 =	sand.u32 $0x380, s22  }
0x83: {  	(v2sf) =	vpush v0, $0x5;
	s22 =	sor.u32 s22, s23  }
0x84: {  	s23 =	sor.u32 $0x400, s22  }
0x85: {  	[hbm4b:s9+s3] =	stream.linear.scatter [tilespmem:s23], [sflag:$0x1], $0x80, $0x38;
	[tilespmem:$0x4400] =	vst v63  }
0x86: {  	s29 =	sadd.s32 $0x80, s9;
	s28 =	sor.u32 $0x800, s22  }
0x87: {  	[hbm4b:s29+s3] =	stream.linear.scatter [tilespmem:s28], [sflag:$0x1], $0x80, $0x38;
	[tilespmem:$0x4400] =	vst v63  }
0x88: {  	s26 =	sadd.s32 $0x100, s9;
	s25 =	sor.u32 $0xC00, s22  }
0x89: {  	[hbm4b:s26+s3] =	stream.linear.scatter [tilespmem:s25], [sflag:$0x1], $0x80, $0x38;
	[tilespmem:$0x4400] =	vst v63  }
0x8a: {  	s28 =	sor.u32 $0x1000, s22;
	s29 =	sadd.s32 $0x180, s9  }
0x8b: {  	[hbm4b:s29+s3] =	stream.linear.scatter [tilespmem:s28], [sflag:$0x1], $0x80, $0x38;
	[tilespmem:$0x4400] =	vst v63  }
0x8c: {  	s25 =	sor.u32 $0x1400, s22;
	s26 =	sadd.s32 $0x200, s9  }
0x8d: {  	[hbm4b:s26+s3] =	stream.linear.scatter [tilespmem:s25], [sflag:$0x1], $0x80, $0x38;
	[tilespmem:$0x4400] =	vst v63  }
0x8e: {  	s28 =	sor.u32 $0x1800, s22;
	s29 =	sadd.s32 $0x280, s9  }
0x8f: {  	[hbm4b:s29+s3] =	stream.linear.scatter [tilespmem:s28], [sflag:$0x1], $0x80, $0x38;
	[tilespmem:$0x4400] =	vst v63  }
0x90: {  	s26 =	sor.u32 $0x1C00, s22;
	s28 =	sadd.s32 $0x300, s9  }
0x91: {  	[hbm4b:s28+s3] =	stream.linear.scatter [tilespmem:s26], [sflag:$0x1], $0x80, $0x38;
	[tilespmem:$0x4400] =	vst v63  }
0x92: {  	s22 =	sadd.s32 $0x2000, s22;
	s25 =	spop (v2sf);
	s29 =	sadd.s32 $0x380, s9  }
0x93: {  	[hbm4b:s29+s3] =	stream.linear.scatter [tilespmem:s22], [sflag:$0x1], $0x80, $0x38;
	[tilespmem:$0x4400] =	vst v63  }
0x94: {  	s26 =	sshll.u32 s25, $0xA;
	s22 =	sshll.u32 s25, $0x7  }
0x95: {  	s23 =	sand.u32 $0xFFFFE000, s26;
	s22 =	sand.u32 $0x380, s22  }
0x96: {  	(v2sf) =	vpush v0, $0x6;
	s22 =	sor.u32 s22, s23  }
0x97: {  	s23 =	sor.u32 $0x400, s22  }
0x98: {  	[hbm4b:s10+s3] =	stream.linear.scatter [tilespmem:s23], [sflag:$0x1], $0x80, $0x38;
	[tilespmem:$0x4400] =	vst v63  }
0x99: {  	s29 =	sadd.s32 $0x80, s10;
	s28 =	sor.u32 $0x800, s22  }
0x9a: {  	[hbm4b:s29+s3] =	stream.linear.scatter [tilespmem:s28], [sflag:$0x1], $0x80, $0x38;
	[tilespmem:$0x4400] =	vst v63  }
0x9b: {  	s26 =	sadd.s32 $0x100, s10;
	s25 =	sor.u32 $0xC00, s22  }
0x9c: {  	[hbm4b:s26+s3] =	stream.linear.scatter [tilespmem:s25], [sflag:$0x1], $0x80, $0x38;
	[tilespmem:$0x4400] =	vst v63  }
0x9d: {  	s28 =	sor.u32 $0x1000, s22;
	s29 =	sadd.s32 $0x180, s10  }
0x9e: {  	[hbm4b:s29+s3] =	stream.linear.scatter [tilespmem:s28], [sflag:$0x1], $0x80, $0x38;
	[tilespmem:$0x4400] =	vst v63  }
0x9f: {  	s25 =	sor.u32 $0x1400, s22;
	s26 =	sadd.s32 $0x200, s10  }
0xa0: {  	[hbm4b:s26+s3] =	stream.linear.scatter [tilespmem:s25], [sflag:$0x1], $0x80, $0x38;
	[tilespmem:$0x4400] =	vst v63  }
0xa1: {  	s28 =	sor.u32 $0x1800, s22;
	s29 =	sadd.s32 $0x280, s10  }
0xa2: {  	[hbm4b:s29+s3] =	stream.linear.scatter [tilespmem:s28], [sflag:$0x1], $0x80, $0x38;
	[tilespmem:$0x4400] =	vst v63  }
0xa3: {  	s26 =	sor.u32 $0x1C00, s22;
	s28 =	sadd.s32 $0x300, s10  }
0xa4: {  	[hbm4b:s28+s3] =	stream.linear.scatter [tilespmem:s26], [sflag:$0x1], $0x80, $0x38;
	[tilespmem:$0x4400] =	vst v63  }
0xa5: {  	s22 =	sadd.s32 $0x2000, s22;
	s25 =	spop (v2sf);
	s29 =	sadd.s32 $0x380, s10  }
0xa6: {  	[hbm4b:s29+s3] =	stream.linear.scatter [tilespmem:s22], [sflag:$0x1], $0x80, $0x38;
	[tilespmem:$0x4400] =	vst v63  }
0xa7: {  	s26 =	sshll.u32 s25, $0xA;
	s22 =	sshll.u32 s25, $0x7  }
0xa8: {  	s23 =	sand.u32 $0xFFFFE000, s26;
	s22 =	sand.u32 $0x380, s22  }
0xa9: {  	(v2sf) =	vpush v0, $0x7;
	s22 =	sor.u32 s22, s23  }
0xaa: {  	s23 =	sor.u32 $0x400, s22  }
0xab: {  	[hbm4b:s11+s3] =	stream.linear.scatter [tilespmem:s23], [sflag:$0x1], $0x80, $0x38;
	[tilespmem:$0x4400] =	vst v63  }
0xac: {  	s29 =	sadd.s32 $0x80, s11;
	s28 =	sor.u32 $0x800, s22  }
0xad: {  	[hbm4b:s29+s3] =	stream.linear.scatter [tilespmem:s28], [sflag:$0x1], $0x80, $0x38;
	[tilespmem:$0x4400] =	vst v63  }
0xae: {  	s26 =	sadd.s32 $0x100, s11;
	s25 =	sor.u32 $0xC00, s22  }
0xaf: {  	[hbm4b:s26+s3] =	stream.linear.scatter [tilespmem:s25], [sflag:$0x1], $0x80, $0x38;
	[tilespmem:$0x4400] =	vst v63  }
0xb0: {  	s28 =	sor.u32 $0x1000, s22;
	s29 =	sadd.s32 $0x180, s11  }
0xb1: {  	[hbm4b:s29+s3] =	stream.linear.scatter [tilespmem:s28], [sflag:$0x1], $0x80, $0x38;
	[tilespmem:$0x4400] =	vst v63  }
0xb2: {  	s25 =	sor.u32 $0x1400, s22;
	s26 =	sadd.s32 $0x200, s11  }
0xb3: {  	[hbm4b:s26+s3] =	stream.linear.scatter [tilespmem:s25], [sflag:$0x1], $0x80, $0x38;
	[tilespmem:$0x4400] =	vst v63  }
0xb4: {  	s28 =	sor.u32 $0x1800, s22;
	s29 =	sadd.s32 $0x280, s11  }
0xb5: {  	[hbm4b:s29+s3] =	stream.linear.scatter [tilespmem:s28], [sflag:$0x1], $0x80, $0x38;
	[tilespmem:$0x4400] =	vst v63  }
0xb6: {  	s26 =	sor.u32 $0x1C00, s22;
	s28 =	sadd.s32 $0x300, s11  }
0xb7: {  	[hbm4b:s28+s3] =	stream.linear.scatter [tilespmem:s26], [sflag:$0x1], $0x80, $0x38;
	[tilespmem:$0x4400] =	vst v63  }
0xb8: {  	s22 =	sadd.s32 $0x2000, s22;
	s25 =	spop (v2sf);
	s29 =	sadd.s32 $0x380, s11  }
0xb9: {  	[hbm4b:s29+s3] =	stream.linear.scatter [tilespmem:s22], [sflag:$0x1], $0x80, $0x38;
	[tilespmem:$0x4400] =	vst v63  }
0xba: {  	s26 =	sshll.u32 s25, $0xA;
	s22 =	sshll.u32 s25, $0x7  }
0xbb: {  	s23 =	sand.u32 $0xFFFFE000, s26;
	s22 =	sand.u32 $0x380, s22  }
0xbc: {  	(v2sf) =	vpush v0, $0x8;
	s22 =	sor.u32 s22, s23  }
0xbd: {  	s23 =	sor.u32 $0x400, s22  }
0xbe: {  	[hbm4b:s12+s3] =	stream.linear.scatter [tilespmem:s23], [sflag:$0x1], $0x80, $0x38;
	[tilespmem:$0x4400] =	vst v63  }
0xbf: {  	s29 =	sadd.s32 $0x80, s12;
	s28 =	sor.u32 $0x800, s22  }
0xc0: {  	[hbm4b:s29+s3] =	stream.linear.scatter [tilespmem:s28], [sflag:$0x1], $0x80, $0x38;
	[tilespmem:$0x4400] =	vst v63  }
0xc1: {  	s26 =	sadd.s32 $0x100, s12;
	s25 =	sor.u32 $0xC00, s22  }
0xc2: {  	[hbm4b:s26+s3] =	stream.linear.scatter [tilespmem:s25], [sflag:$0x1], $0x80, $0x38;
	[tilespmem:$0x4400] =	vst v63  }
0xc3: {  	s28 =	sor.u32 $0x1000, s22;
	s29 =	sadd.s32 $0x180, s12  }
0xc4: {  	[hbm4b:s29+s3] =	stream.linear.scatter [tilespmem:s28], [sflag:$0x1], $0x80, $0x38;
	[tilespmem:$0x4400] =	vst v63  }
0xc5: {  	s25 =	sor.u32 $0x1400, s22;
	s26 =	sadd.s32 $0x200, s12  }
0xc6: {  	[hbm4b:s26+s3] =	stream.linear.scatter [tilespmem:s25], [sflag:$0x1], $0x80, $0x38;
	[tilespmem:$0x4400] =	vst v63  }
0xc7: {  	s28 =	sor.u32 $0x1800, s22;
	s29 =	sadd.s32 $0x280, s12  }
0xc8: {  	[hbm4b:s29+s3] =	stream.linear.scatter [tilespmem:s28], [sflag:$0x1], $0x80, $0x38;
	[tilespmem:$0x4400] =	vst v63  }
0xc9: {  	s26 =	sor.u32 $0x1C00, s22;
	s28 =	sadd.s32 $0x300, s12  }
0xca: {  	[hbm4b:s28+s3] =	stream.linear.scatter [tilespmem:s26], [sflag:$0x1], $0x80, $0x38;
	[tilespmem:$0x4400] =	vst v63  }
0xcb: {  	s22 =	sadd.s32 $0x2000, s22;
	s25 =	spop (v2sf);
	s29 =	sadd.s32 $0x380, s12  }
0xcc: {  	[hbm4b:s29+s3] =	stream.linear.scatter [tilespmem:s22], [sflag:$0x1], $0x80, $0x38;
	[tilespmem:$0x4400] =	vst v63  }
0xcd: {  	s26 =	sshll.u32 s25, $0xA;
	s22 =	sshll.u32 s25, $0x7  }
0xce: {  	s23 =	sand.u32 $0xFFFFE000, s26;
	s22 =	sand.u32 $0x380, s22  }
0xcf: {  	(v2sf) =	vpush v0, $0x9;
	s22 =	sor.u32 s22, s23  }
0xd0: {  	s23 =	sor.u32 $0x400, s22  }
0xd1: {  	[hbm4b:s13+s3] =	stream.linear.scatter [tilespmem:s23], [sflag:$0x1], $0x80, $0x38;
	[tilespmem:$0x4400] =	vst v63  }
0xd2: {  	s29 =	sadd.s32 $0x80, s13;
	s28 =	sor.u32 $0x800, s22  }
0xd3: {  	[hbm4b:s29+s3] =	stream.linear.scatter [tilespmem:s28], [sflag:$0x1], $0x80, $0x38;
	[tilespmem:$0x4400] =	vst v63  }
0xd4: {  	s26 =	sadd.s32 $0x100, s13;
	s25 =	sor.u32 $0xC00, s22  }
0xd5: {  	[hbm4b:s26+s3] =	stream.linear.scatter [tilespmem:s25], [sflag:$0x1], $0x80, $0x38;
	[tilespmem:$0x4400] =	vst v63  }
0xd6: {  	s28 =	sor.u32 $0x1000, s22;
	s29 =	sadd.s32 $0x180, s13  }
0xd7: {  	[hbm4b:s29+s3] =	stream.linear.scatter [tilespmem:s28], [sflag:$0x1], $0x80, $0x38;
	[tilespmem:$0x4400] =	vst v63  }
0xd8: {  	s25 =	sor.u32 $0x1400, s22;
	s26 =	sadd.s32 $0x200, s13  }
0xd9: {  	[hbm4b:s26+s3] =	stream.linear.scatter [tilespmem:s25], [sflag:$0x1], $0x80, $0x38;
	[tilespmem:$0x4400] =	vst v63  }
0xda: {  	s28 =	sor.u32 $0x1800, s22;
	s29 =	sadd.s32 $0x280, s13  }
0xdb: {  	[hbm4b:s29+s3] =	stream.linear.scatter [tilespmem:s28], [sflag:$0x1], $0x80, $0x38;
	[tilespmem:$0x4400] =	vst v63  }
0xdc: {  	s26 =	sor.u32 $0x1C00, s22;
	s28 =	sadd.s32 $0x300, s13  }
0xdd: {  	[hbm4b:s28+s3] =	stream.linear.scatter [tilespmem:s26], [sflag:$0x1], $0x80, $0x38;
	[tilespmem:$0x4400] =	vst v63  }
0xde: {  	s22 =	sadd.s32 $0x2000, s22;
	s25 =	spop (v2sf);
	s29 =	sadd.s32 $0x380, s13  }
0xdf: {  	[hbm4b:s29+s3] =	stream.linear.scatter [tilespmem:s22], [sflag:$0x1], $0x80, $0x38;
	[tilespmem:$0x4400] =	vst v63  }
0xe0: {  	s26 =	sshll.u32 s25, $0xA;
	s22 =	sshll.u32 s25, $0x7  }
0xe1: {  	s23 =	sand.u32 $0xFFFFE000, s26;
	s22 =	sand.u32 $0x380, s22  }
0xe2: {  	(v2sf) =	vpush v0, $0xA;
	s22 =	sor.u32 s22, s23  }
0xe3: {  	s23 =	sor.u32 $0x400, s22  }
0xe4: {  	[hbm4b:s14+s3] =	stream.linear.scatter [tilespmem:s23], [sflag:$0x1], $0x80, $0x38;
	[tilespmem:$0x4400] =	vst v63  }
0xe5: {  	s29 =	sadd.s32 $0x80, s14;
	s28 =	sor.u32 $0x800, s22  }
0xe6: {  	[hbm4b:s29+s3] =	stream.linear.scatter [tilespmem:s28], [sflag:$0x1], $0x80, $0x38;
	[tilespmem:$0x4400] =	vst v63  }
0xe7: {  	s26 =	sadd.s32 $0x100, s14;
	s25 =	sor.u32 $0xC00, s22  }
0xe8: {  	[hbm4b:s26+s3] =	stream.linear.scatter [tilespmem:s25], [sflag:$0x1], $0x80, $0x38;
	[tilespmem:$0x4400] =	vst v63  }
0xe9: {  	s28 =	sor.u32 $0x1000, s22;
	s29 =	sadd.s32 $0x180, s14  }
0xea: {  	[hbm4b:s29+s3] =	stream.linear.scatter [tilespmem:s28], [sflag:$0x1], $0x80, $0x38;
	[tilespmem:$0x4400] =	vst v63  }
0xeb: {  	s25 =	sor.u32 $0x1400, s22;
	s26 =	sadd.s32 $0x200, s14  }
0xec: {  	[hbm4b:s26+s3] =	stream.linear.scatter [tilespmem:s25], [sflag:$0x1], $0x80, $0x38;
	[tilespmem:$0x4400] =	vst v63  }
0xed: {  	s28 =	sor.u32 $0x1800, s22;
	s29 =	sadd.s32 $0x280, s14  }
0xee: {  	[hbm4b:s29+s3] =	stream.linear.scatter [tilespmem:s28], [sflag:$0x1], $0x80, $0x38;
	[tilespmem:$0x4400] =	vst v63  }
0xef: {  	s26 =	sor.u32 $0x1C00, s22;
	s28 =	sadd.s32 $0x300, s14  }
0xf0: {  	[hbm4b:s28+s3] =	stream.linear.scatter [tilespmem:s26], [sflag:$0x1], $0x80, $0x38;
	[tilespmem:$0x4400] =	vst v63  }
0xf1: {  	s22 =	sadd.s32 $0x2000, s22;
	s25 =	spop (v2sf);
	s29 =	sadd.s32 $0x380, s14  }
0xf2: {  	[hbm4b:s29+s3] =	stream.linear.scatter [tilespmem:s22], [sflag:$0x1], $0x80, $0x38;
	[tilespmem:$0x4400] =	vst v63  }
0xf3: {  	s26 =	sshll.u32 s25, $0xA;
	s22 =	sshll.u32 s25, $0x7  }
0xf4: {  	s23 =	sand.u32 $0xFFFFE000, s26;
	s22 =	sand.u32 $0x380, s22  }
0xf5: {  	(v2sf) =	vpush v0, $0xB;
	s22 =	sor.u32 s22, s23  }
0xf6: {  	s23 =	sor.u32 $0x400, s22  }
0xf7: {  	[hbm4b:s15+s3] =	stream.linear.scatter [tilespmem:s23], [sflag:$0x1], $0x80, $0x38;
	[tilespmem:$0x4400] =	vst v63  }
0xf8: {  	s29 =	sadd.s32 $0x80, s15;
	s28 =	sor.u32 $0x800, s22  }
0xf9: {  	[hbm4b:s29+s3] =	stream.linear.scatter [tilespmem:s28], [sflag:$0x1], $0x80, $0x38;
	[tilespmem:$0x4400] =	vst v63  }
0xfa: {  	s26 =	sadd.s32 $0x100, s15;
	s25 =	sor.u32 $0xC00, s22  }
0xfb: {  	[hbm4b:s26+s3] =	stream.linear.scatter [tilespmem:s25], [sflag:$0x1], $0x80, $0x38;
	[tilespmem:$0x4400] =	vst v63  }
0xfc: {  	s28 =	sor.u32 $0x1000, s22;
	s29 =	sadd.s32 $0x180, s15  }
0xfd: {  	[hbm4b:s29+s3] =	stream.linear.scatter [tilespmem:s28], [sflag:$0x1], $0x80, $0x38;
	[tilespmem:$0x4400] =	vst v63  }
0xfe: {  	s25 =	sor.u32 $0x1400, s22;
	s26 =	sadd.s32 $0x200, s15  }
0xff: {  	[hbm4b:s26+s3] =	stream.linear.scatter [tilespmem:s25], [sflag:$0x1], $0x80, $0x38;
	[tilespmem:$0x4400] =	vst v63  }
0x100: {  	s28 =	sor.u32 $0x1800, s22;
	s29 =	sadd.s32 $0x280, s15  }
0x101: {  	[hbm4b:s29+s3] =	stream.linear.scatter [tilespmem:s28], [sflag:$0x1], $0x80, $0x38;
	[tilespmem:$0x4400] =	vst v63  }
0x102: {  	s26 =	sor.u32 $0x1C00, s22;
	s28 =	sadd.s32 $0x300, s15  }
0x103: {  	[hbm4b:s28+s3] =	stream.linear.scatter [tilespmem:s26], [sflag:$0x1], $0x80, $0x38;
	[tilespmem:$0x4400] =	vst v63  }
0x104: {  	s22 =	sadd.s32 $0x2000, s22;
	s25 =	spop (v2sf);
	s29 =	sadd.s32 $0x380, s15  }
0x105: {  	[hbm4b:s29+s3] =	stream.linear.scatter [tilespmem:s22], [sflag:$0x1], $0x80, $0x38;
	[tilespmem:$0x4400] =	vst v63  }
0x106: {  	s26 =	sshll.u32 s25, $0xA;
	s22 =	sshll.u32 s25, $0x7  }
0x107: {  	s23 =	sand.u32 $0xFFFFE000, s26;
	s22 =	sand.u32 $0x380, s22  }
0x108: {  	(v2sf) =	vpush v0, $0xC;
	s22 =	sor.u32 s22, s23  }
0x109: {  	s23 =	sor.u32 $0x400, s22  }
0x10a: {  	[hbm4b:s16+s3] =	stream.linear.scatter [tilespmem:s23], [sflag:$0x1], $0x80, $0x38;
	[tilespmem:$0x4400] =	vst v63  }
0x10b: {  	s29 =	sadd.s32 $0x80, s16;
	s28 =	sor.u32 $0x800, s22  }
0x10c: {  	[hbm4b:s29+s3] =	stream.linear.scatter [tilespmem:s28], [sflag:$0x1], $0x80, $0x38;
	[tilespmem:$0x4400] =	vst v63  }
0x10d: {  	s26 =	sadd.s32 $0x100, s16;
	s25 =	sor.u32 $0xC00, s22  }
0x10e: {  	[hbm4b:s26+s3] =	stream.linear.scatter [tilespmem:s25], [sflag:$0x1], $0x80, $0x38;
	[tilespmem:$0x4400] =	vst v63  }
0x10f: {  	s28 =	sor.u32 $0x1000, s22;
	s29 =	sadd.s32 $0x180, s16  }
0x110: {  	[hbm4b:s29+s3] =	stream.linear.scatter [tilespmem:s28], [sflag:$0x1], $0x80, $0x38;
	[tilespmem:$0x4400] =	vst v63  }
0x111: {  	s25 =	sor.u32 $0x1400, s22;
	s26 =	sadd.s32 $0x200, s16  }
0x112: {  	[hbm4b:s26+s3] =	stream.linear.scatter [tilespmem:s25], [sflag:$0x1], $0x80, $0x38;
	[tilespmem:$0x4400] =	vst v63  }
0x113: {  	s28 =	sor.u32 $0x1800, s22;
	s29 =	sadd.s32 $0x280, s16  }
0x114: {  	[hbm4b:s29+s3] =	stream.linear.scatter [tilespmem:s28], [sflag:$0x1], $0x80, $0x38;
	[tilespmem:$0x4400] =	vst v63  }
0x115: {  	s26 =	sor.u32 $0x1C00, s22;
	s28 =	sadd.s32 $0x300, s16  }
0x116: {  	[hbm4b:s28+s3] =	stream.linear.scatter [tilespmem:s26], [sflag:$0x1], $0x80, $0x38;
	[tilespmem:$0x4400] =	vst v63  }
0x117: {  	s22 =	sadd.s32 $0x2000, s22;
	s25 =	spop (v2sf);
	s29 =	sadd.s32 $0x380, s16  }
0x118: {  	[hbm4b:s29+s3] =	stream.linear.scatter [tilespmem:s22], [sflag:$0x1], $0x80, $0x38;
	[tilespmem:$0x4400] =	vst v63  }
0x119: {  	s26 =	sshll.u32 s25, $0xA;
	s22 =	sshll.u32 s25, $0x7  }
0x11a: {  	s23 =	sand.u32 $0xFFFFE000, s26;
	s22 =	sand.u32 $0x380, s22  }
0x11b: {  	(v2sf) =	vpush v0, $0xD;
	s22 =	sor.u32 s22, s23  }
0x11c: {  	s23 =	sor.u32 $0x400, s22  }
0x11d: {  	[hbm4b:s17+s3] =	stream.linear.scatter [tilespmem:s23], [sflag:$0x1], $0x80, $0x38;
	[tilespmem:$0x4400] =	vst v63  }
0x11e: {  	s29 =	sadd.s32 $0x80, s17;
	s28 =	sor.u32 $0x800, s22  }
0x11f: {  	[hbm4b:s29+s3] =	stream.linear.scatter [tilespmem:s28], [sflag:$0x1], $0x80, $0x38;
	[tilespmem:$0x4400] =	vst v63  }
0x120: {  	s26 =	sadd.s32 $0x100, s17;
	s25 =	sor.u32 $0xC00, s22  }
0x121: {  	[hbm4b:s26+s3] =	stream.linear.scatter [tilespmem:s25], [sflag:$0x1], $0x80, $0x38;
	[tilespmem:$0x4400] =	vst v63  }
0x122: {  	s28 =	sor.u32 $0x1000, s22;
	s29 =	sadd.s32 $0x180, s17  }
0x123: {  	[hbm4b:s29+s3] =	stream.linear.scatter [tilespmem:s28], [sflag:$0x1], $0x80, $0x38;
	[tilespmem:$0x4400] =	vst v63  }
0x124: {  	s25 =	sor.u32 $0x1400, s22;
	s26 =	sadd.s32 $0x200, s17  }
0x125: {  	[hbm4b:s26+s3] =	stream.linear.scatter [tilespmem:s25], [sflag:$0x1], $0x80, $0x38;
	[tilespmem:$0x4400] =	vst v63  }
0x126: {  	s28 =	sor.u32 $0x1800, s22;
	s29 =	sadd.s32 $0x280, s17  }
0x127: {  	[hbm4b:s29+s3] =	stream.linear.scatter [tilespmem:s28], [sflag:$0x1], $0x80, $0x38;
	[tilespmem:$0x4400] =	vst v63  }
0x128: {  	s26 =	sor.u32 $0x1C00, s22;
	s28 =	sadd.s32 $0x300, s17  }
0x129: {  	[hbm4b:s28+s3] =	stream.linear.scatter [tilespmem:s26], [sflag:$0x1], $0x80, $0x38;
	[tilespmem:$0x4400] =	vst v63  }
0x12a: {  	s22 =	sadd.s32 $0x2000, s22;
	s25 =	spop (v2sf);
	s29 =	sadd.s32 $0x380, s17  }
0x12b: {  	[hbm4b:s29+s3] =	stream.linear.scatter [tilespmem:s22], [sflag:$0x1], $0x80, $0x38;
	[tilespmem:$0x4400] =	vst v63  }
0x12c: {  	s26 =	sshll.u32 s25, $0xA;
	s22 =	sshll.u32 s25, $0x7  }
0x12d: {  	s23 =	sand.u32 $0xFFFFE000, s26;
	s22 =	sand.u32 $0x380, s22  }
0x12e: {  	(v2sf) =	vpush v0, $0xE;
	s22 =	sor.u32 s22, s23  }
0x12f: {  	s23 =	sor.u32 $0x400, s22  }
0x130: {  	[hbm4b:s18+s3] =	stream.linear.scatter [tilespmem:s23], [sflag:$0x1], $0x80, $0x38;
	[tilespmem:$0x4400] =	vst v63  }
0x131: {  	s29 =	sadd.s32 $0x80, s18;
	s28 =	sor.u32 $0x800, s22  }
0x132: {  	[hbm4b:s29+s3] =	stream.linear.scatter [tilespmem:s28], [sflag:$0x1], $0x80, $0x38;
	[tilespmem:$0x4400] =	vst v63  }
0x133: {  	s26 =	sadd.s32 $0x100, s18;
	s25 =	sor.u32 $0xC00, s22  }
0x134: {  	[hbm4b:s26+s3] =	stream.linear.scatter [tilespmem:s25], [sflag:$0x1], $0x80, $0x38;
	[tilespmem:$0x4400] =	vst v63  }
0x135: {  	s28 =	sor.u32 $0x1000, s22;
	s29 =	sadd.s32 $0x180, s18  }
0x136: {  	[hbm4b:s29+s3] =	stream.linear.scatter [tilespmem:s28], [sflag:$0x1], $0x80, $0x38;
	[tilespmem:$0x4400] =	vst v63  }
0x137: {  	s25 =	sor.u32 $0x1400, s22;
	s26 =	sadd.s32 $0x200, s18  }
0x138: {  	[hbm4b:s26+s3] =	stream.linear.scatter [tilespmem:s25], [sflag:$0x1], $0x80, $0x38;
	[tilespmem:$0x4400] =	vst v63  }
0x139: {  	s28 =	sor.u32 $0x1800, s22;
	s29 =	sadd.s32 $0x280, s18  }
0x13a: {  	[hbm4b:s29+s3] =	stream.linear.scatter [tilespmem:s28], [sflag:$0x1], $0x80, $0x38;
	[tilespmem:$0x4400] =	vst v63  }
0x13b: {  	s26 =	sor.u32 $0x1C00, s22;
	s28 =	sadd.s32 $0x300, s18  }
0x13c: {  	[hbm4b:s28+s3] =	stream.linear.scatter [tilespmem:s26], [sflag:$0x1], $0x80, $0x38;
	[tilespmem:$0x4400] =	vst v63  }
0x13d: {  	s22 =	sadd.s32 $0x2000, s22;
	s25 =	spop (v2sf);
	s29 =	sadd.s32 $0x380, s18  }
0x13e: {  	[hbm4b:s29+s3] =	stream.linear.scatter [tilespmem:s22], [sflag:$0x1], $0x80, $0x38;
	[tilespmem:$0x4400] =	vst v63  }
0x13f: {  	s26 =	sshll.u32 s25, $0xA;
	s22 =	sshll.u32 s25, $0x7  }
0x140: {  	s23 =	sand.u32 $0xFFFFE000, s26;
	s22 =	sand.u32 $0x380, s22  }
0x141: {  	(v2sf) =	vpush v0, $0xF;
	s22 =	sor.u32 s22, s23  }
0x142: {  	s23 =	sor.u32 $0x400, s22  }
0x143: {  	[hbm4b:s19+s3] =	stream.linear.scatter [tilespmem:s23], [sflag:$0x1], $0x80, $0x38;
	[tilespmem:$0x4400] =	vst v63  }
0x144: {  	s29 =	sadd.s32 $0x80, s19;
	s28 =	sor.u32 $0x800, s22  }
0x145: {  	[hbm4b:s29+s3] =	stream.linear.scatter [tilespmem:s28], [sflag:$0x1], $0x80, $0x38;
	[tilespmem:$0x4400] =	vst v63  }
0x146: {  	s26 =	sadd.s32 $0x100, s19;
	s25 =	sor.u32 $0xC00, s22  }
0x147: {  	[hbm4b:s26+s3] =	stream.linear.scatter [tilespmem:s25], [sflag:$0x1], $0x80, $0x38;
	[tilespmem:$0x4400] =	vst v63  }
0x148: {  	s28 =	sor.u32 $0x1000, s22;
	s29 =	sadd.s32 $0x180, s19  }
0x149: {  	[hbm4b:s29+s3] =	stream.linear.scatter [tilespmem:s28], [sflag:$0x1], $0x80, $0x38;
	[tilespmem:$0x4400] =	vst v63  }
0x14a: {  	s25 =	sor.u32 $0x1400, s22;
	s26 =	sadd.s32 $0x200, s19  }
0x14b: {  	[hbm4b:s26+s3] =	stream.linear.scatter [tilespmem:s25], [sflag:$0x1], $0x80, $0x38;
	[tilespmem:$0x4400] =	vst v63  }
0x14c: {  	s28 =	sor.u32 $0x1800, s22;
	s29 =	sadd.s32 $0x280, s19  }
0x14d: {  	[hbm4b:s29+s3] =	stream.linear.scatter [tilespmem:s28], [sflag:$0x1], $0x80, $0x38;
	[tilespmem:$0x4400] =	vst v63  }
0x14e: {  	s26 =	sor.u32 $0x1C00, s22;
	s28 =	sadd.s32 $0x300, s19  }
0x14f: {  	[hbm4b:s28+s3] =	stream.linear.scatter [tilespmem:s26], [sflag:$0x1], $0x80, $0x38;
	[tilespmem:$0x4400] =	vst v63  }
0x150: {  	s22 =	sadd.s32 $0x2000, s22;
	s25 =	spop (v2sf);
	s29 =	sadd.s32 $0x380, s19  }
0x151: {  	[hbm4b:s29+s3] =	stream.linear.scatter [tilespmem:s22], [sflag:$0x1], $0x80, $0x38;
	[tilespmem:$0x4400] =	vst v63  }
0x152: {  	s26 =	sshll.u32 s25, $0xA;
	s22 =	sshll.u32 s25, $0x7  }
0x153: {  	s23 =	sand.u32 $0xFFFFE000, s26;
	s22 =	sand.u32 $0x380, s22  }
0x154: {  	s22 =	sor.u32 s22, s23  }
0x155: {  	s23 =	sor.u32 $0x400, s22  }
0x156: {  	[hbm4b:s20+s3] =	stream.linear.scatter [tilespmem:s23], [sflag:$0x1], $0x80, $0x38;
	[tilespmem:$0x4400] =	vst v63  }
0x157: {  	s29 =	sadd.s32 $0x80, s20;
	s28 =	sor.u32 $0x800, s22  }
0x158: {  	[hbm4b:s29+s3] =	stream.linear.scatter [tilespmem:s28], [sflag:$0x1], $0x80, $0x38;
	[tilespmem:$0x4400] =	vst v63  }
0x159: {  	s26 =	sadd.s32 $0x100, s20;
	s25 =	sor.u32 $0xC00, s22  }
0x15a: {  	[hbm4b:s26+s3] =	stream.linear.scatter [tilespmem:s25], [sflag:$0x1], $0x80, $0x38;
	[tilespmem:$0x4400] =	vst v63  }
0x15b: {  	s28 =	sor.u32 $0x1000, s22;
	s29 =	sadd.s32 $0x180, s20  }
0x15c: {  	[hbm4b:s29+s3] =	stream.linear.scatter [tilespmem:s28], [sflag:$0x1], $0x80, $0x38;
	[tilespmem:$0x4400] =	vst v63  }
0x15d: {  	s25 =	sor.u32 $0x1400, s22;
	s26 =	sadd.s32 $0x200, s20  }
0x15e: {  	[hbm4b:s26+s3] =	stream.linear.scatter [tilespmem:s25], [sflag:$0x1], $0x80, $0x38;
	[tilespmem:$0x4400] =	vst v63  }
0x15f: {  	s28 =	sor.u32 $0x1800, s22;
	s29 =	sadd.s32 $0x280, s20  }
0x160: {  	[hbm4b:s29+s3] =	stream.linear.scatter [tilespmem:s28], [sflag:$0x1], $0x80, $0x38;
	[tilespmem:$0x4400] =	vst v63  }
.Ltmp2:
0x161: {  	s26 =	sor.u32 $0x1C00, s22;
	s28 =	sadd.s32 $0x300, s20;
	(pc) =	sbr.rel .LBB2_2-.Ltmp2, $4  }
0x162: {  	[hbm4b:s28+s3] =	stream.linear.scatter [tilespmem:s26], [sflag:$0x1], $0x80, $0x38;
	[tilespmem:$0x4400] =	vst v63  }
0x163: {  	s22 =	sadd.s32 $0x2000, s22;
	s29 =	sadd.s32 $0x380, s20  }
0x164: {  	[hbm4b:s29+s3] =	stream.linear.scatter [tilespmem:s22], [sflag:$0x1], $0x80, $0x38;
	[tilespmem:$0x4400] =	vst v63  }
0x165: {  	s23 =	simm.s32 $0x0;
	s22 =	simm.s32 $0x20  }
.LBB2_4:
0x166: {  	s23 =	sadd.s32 $0x1000, s23  }
0x167: {  	p0 =	sne.s32 s23, $0x20000  }
.Ltmp3:
0x168: {  	_ = 	snop;
	(pc) =	sbr.rel @!p0 .LBB2_5-.Ltmp3, $4  }
0x169: {  	_ = 	snop  }
0x16a: {  	_ =	swait.ge [sflag:s5], $0x4000  }
0x16b: {  	[sflag:s5] =	ssyncset.done $0x0  }
0x16c: {  	s22 =	sadd.s32 $0x20, s22;
	[sflag:s5] =	ssyncadd.s32 $0xFFFFC000  }
.LBB2_2:
0x16d: {  	v0 =	vld [tilespmem:s22+$0xFFFFFFF0];
	_ =	sdelay $0x4  }
0x16e: {  	(v2sf) =	vpush v0, $0x0;
	_ =	sdelay $0xe  }
0x16f: {  	s25 =	spop (v2sf)  }
0x170: {  	s26 =	sshll.u32 s25, $0xA;
	s25 =	sshll.u32 s25, $0x7  }
0x171: {  	s26 =	sand.u32 $0xFFFFE000, s26;
	s28 =	sand.u32 $0x380, s25  }
0x172: {  	s25 =	sadd.s32 s23, s24;
	s26 =	sor.u32 s28, s26  }
0x173: {  	s28 =	sadd.s32 $0x800, s25;
	s29 =	sor.u32 $0x400, s26  }
0x174: {  	(v2sf) =	vpush v0, $0x1;
	[hbm4b:s28+s3] =	stream.linear.scatter [tilespmem:s29], [sflag:$0x2], $0x80, $0x38;
	[tilespmem:$0x4400] =	vst v63  }
0x175: {  	s28 =	sor.u32 $0x800, s26;
	s29 =	sadd.s32 $0x880, s25  }
0x176: {  	[hbm4b:s29+s3] =	stream.linear.scatter [tilespmem:s28], [sflag:$0x2], $0x80, $0x38;
	[tilespmem:$0x4400] =	vst v63  }
0x177: {  	s28 =	sor.u32 $0xC00, s26;
	s29 =	sadd.s32 $0x900, s25  }
0x178: {  	[hbm4b:s29+s3] =	stream.linear.scatter [tilespmem:s28], [sflag:$0x2], $0x80, $0x38;
	[tilespmem:$0x4400] =	vst v63  }
0x179: {  	s28 =	sor.u32 $0x1000, s26;
	s29 =	sadd.s32 $0x980, s25  }
0x17a: {  	[hbm4b:s29+s3] =	stream.linear.scatter [tilespmem:s28], [sflag:$0x2], $0x80, $0x38;
	[tilespmem:$0x4400] =	vst v63  }
0x17b: {  	s28 =	sor.u32 $0x1400, s26;
	s29 =	sadd.s32 $0xA00, s25  }
0x17c: {  	[hbm4b:s29+s3] =	stream.linear.scatter [tilespmem:s28], [sflag:$0x2], $0x80, $0x38;
	[tilespmem:$0x4400] =	vst v63  }
0x17d: {  	s28 =	sor.u32 $0x1800, s26;
	s29 =	sadd.s32 $0xA80, s25  }
0x17e: {  	[hbm4b:s29+s3] =	stream.linear.scatter [tilespmem:s28], [sflag:$0x2], $0x80, $0x38;
	[tilespmem:$0x4400] =	vst v63  }
0x17f: {  	s28 =	sor.u32 $0x1C00, s26;
	s29 =	sadd.s32 $0xB00, s25  }
0x180: {  	[hbm4b:s29+s3] =	stream.linear.scatter [tilespmem:s28], [sflag:$0x2], $0x80, $0x38;
	[tilespmem:$0x4400] =	vst v63  }
0x181: {  	s26 =	sadd.s32 $0x2000, s26;
	s29 =	sadd.s32 $0xB80, s25  }
0x182: {  	[hbm4b:s29+s3] =	stream.linear.scatter [tilespmem:s26], [sflag:$0x2], $0x80, $0x38;
	[tilespmem:$0x4400] =	vst v63  }
0x183: {  	s26 =	spop (v2sf)  }
0x184: {  	s29 =	sshll.u32 s26, $0xA;
	s26 =	sshll.u32 s26, $0x7  }
0x185: {  	s28 =	sand.u32 $0xFFFFE000, s29;
	s26 =	sand.u32 $0x380, s26  }
0x186: {  	s26 =	sor.u32 s26, s28  }
0x187: {  	s28 =	sadd.s32 $0x810, s25;
	s29 =	sor.u32 $0x400, s26  }
0x188: {  	(v2sf) =	vpush v0, $0x2;
	[hbm4b:s28+s3] =	stream.linear.scatter [tilespmem:s29], [sflag:$0x2], $0x80, $0x38;
	[tilespmem:$0x4400] =	vst v63  }
0x189: {  	s28 =	sor.u32 $0x800, s26;
	s29 =	sadd.s32 $0x890, s25  }
0x18a: {  	[hbm4b:s29+s3] =	stream.linear.scatter [tilespmem:s28], [sflag:$0x2], $0x80, $0x38;
	[tilespmem:$0x4400] =	vst v63  }
0x18b: {  	s28 =	sor.u32 $0xC00, s26;
	s29 =	sadd.s32 $0x910, s25  }
0x18c: {  	[hbm4b:s29+s3] =	stream.linear.scatter [tilespmem:s28], [sflag:$0x2], $0x80, $0x38;
	[tilespmem:$0x4400] =	vst v63  }
0x18d: {  	s28 =	sor.u32 $0x1000, s26;
	s29 =	sadd.s32 $0x990, s25  }
0x18e: {  	[hbm4b:s29+s3] =	stream.linear.scatter [tilespmem:s28], [sflag:$0x2], $0x80, $0x38;
	[tilespmem:$0x4400] =	vst v63  }
0x18f: {  	s28 =	sor.u32 $0x1400, s26;
	s29 =	sadd.s32 $0xA10, s25  }
0x190: {  	[hbm4b:s29+s3] =	stream.linear.scatter [tilespmem:s28], [sflag:$0x2], $0x80, $0x38;
	[tilespmem:$0x4400] =	vst v63  }
0x191: {  	s28 =	sor.u32 $0x1800, s26;
	s29 =	sadd.s32 $0xA90, s25  }
0x192: {  	[hbm4b:s29+s3] =	stream.linear.scatter [tilespmem:s28], [sflag:$0x2], $0x80, $0x38;
	[tilespmem:$0x4400] =	vst v63  }
0x193: {  	s28 =	sor.u32 $0x1C00, s26;
	s29 =	sadd.s32 $0xB10, s25  }
0x194: {  	[hbm4b:s29+s3] =	stream.linear.scatter [tilespmem:s28], [sflag:$0x2], $0x80, $0x38;
	[tilespmem:$0x4400] =	vst v63  }
0x195: {  	s26 =	sadd.s32 $0x2000, s26;
	s29 =	sadd.s32 $0xB90, s25  }
0x196: {  	[hbm4b:s29+s3] =	stream.linear.scatter [tilespmem:s26], [sflag:$0x2], $0x80, $0x38;
	[tilespmem:$0x4400] =	vst v63  }
0x197: {  	s26 =	spop (v2sf)  }
0x198: {  	s29 =	sshll.u32 s26, $0xA;
	s26 =	sshll.u32 s26, $0x7  }
0x199: {  	s28 =	sand.u32 $0xFFFFE000, s29;
	s26 =	sand.u32 $0x380, s26  }
0x19a: {  	s26 =	sor.u32 s26, s28  }
0x19b: {  	s28 =	sadd.s32 $0x820, s25;
	s29 =	sor.u32 $0x400, s26  }
0x19c: {  	(v2sf) =	vpush v0, $0x3;
	[hbm4b:s28+s3] =	stream.linear.scatter [tilespmem:s29], [sflag:$0x2], $0x80, $0x38;
	[tilespmem:$0x4400] =	vst v63  }
0x19d: {  	s28 =	sor.u32 $0x800, s26;
	s29 =	sadd.s32 $0x8A0, s25  }
0x19e: {  	[hbm4b:s29+s3] =	stream.linear.scatter [tilespmem:s28], [sflag:$0x2], $0x80, $0x38;
	[tilespmem:$0x4400] =	vst v63  }
0x19f: {  	s28 =	sor.u32 $0xC00, s26;
	s29 =	sadd.s32 $0x920, s25  }
0x1a0: {  	[hbm4b:s29+s3] =	stream.linear.scatter [tilespmem:s28], [sflag:$0x2], $0x80, $0x38;
	[tilespmem:$0x4400] =	vst v63  }
0x1a1: {  	s28 =	sor.u32 $0x1000, s26;
	s29 =	sadd.s32 $0x9A0, s25  }
0x1a2: {  	[hbm4b:s29+s3] =	stream.linear.scatter [tilespmem:s28], [sflag:$0x2], $0x80, $0x38;
	[tilespmem:$0x4400] =	vst v63  }
0x1a3: {  	s28 =	sor.u32 $0x1400, s26;
	s29 =	sadd.s32 $0xA20, s25  }
0x1a4: {  	[hbm4b:s29+s3] =	stream.linear.scatter [tilespmem:s28], [sflag:$0x2], $0x80, $0x38;
	[tilespmem:$0x4400] =	vst v63  }
0x1a5: {  	s28 =	sor.u32 $0x1800, s26;
	s29 =	sadd.s32 $0xAA0, s25  }
0x1a6: {  	[hbm4b:s29+s3] =	stream.linear.scatter [tilespmem:s28], [sflag:$0x2], $0x80, $0x38;
	[tilespmem:$0x4400] =	vst v63  }
0x1a7: {  	s28 =	sor.u32 $0x1C00, s26;
	s29 =	sadd.s32 $0xB20, s25  }
0x1a8: {  	[hbm4b:s29+s3] =	stream.linear.scatter [tilespmem:s28], [sflag:$0x2], $0x80, $0x38;
	[tilespmem:$0x4400] =	vst v63  }
0x1a9: {  	s26 =	sadd.s32 $0x2000, s26;
	s29 =	sadd.s32 $0xBA0, s25  }
0x1aa: {  	[hbm4b:s29+s3] =	stream.linear.scatter [tilespmem:s26], [sflag:$0x2], $0x80, $0x38;
	[tilespmem:$0x4400] =	vst v63  }
0x1ab: {  	s26 =	spop (v2sf)  }
0x1ac: {  	s29 =	sshll.u32 s26, $0xA;
	s26 =	sshll.u32 s26, $0x7  }
0x1ad: {  	s28 =	sand.u32 $0xFFFFE000, s29;
	s26 =	sand.u32 $0x380, s26  }
0x1ae: {  	s26 =	sor.u32 s26, s28  }
0x1af: {  	s28 =	sadd.s32 $0x830, s25;
	s29 =	sor.u32 $0x400, s26  }
0x1b0: {  	(v2sf) =	vpush v0, $0x4;
	[hbm4b:s28+s3] =	stream.linear.scatter [tilespmem:s29], [sflag:$0x2], $0x80, $0x38;
	[tilespmem:$0x4400] =	vst v63  }
0x1b1: {  	s28 =	sor.u32 $0x800, s26;
	s29 =	sadd.s32 $0x8B0, s25  }
0x1b2: {  	[hbm4b:s29+s3] =	stream.linear.scatter [tilespmem:s28], [sflag:$0x2], $0x80, $0x38;
	[tilespmem:$0x4400] =	vst v63  }
0x1b3: {  	s28 =	sor.u32 $0xC00, s26;
	s29 =	sadd.s32 $0x930, s25  }
0x1b4: {  	[hbm4b:s29+s3] =	stream.linear.scatter [tilespmem:s28], [sflag:$0x2], $0x80, $0x38;
	[tilespmem:$0x4400] =	vst v63  }
0x1b5: {  	s28 =	sor.u32 $0x1000, s26;
	s29 =	sadd.s32 $0x9B0, s25  }
0x1b6: {  	[hbm4b:s29+s3] =	stream.linear.scatter [tilespmem:s28], [sflag:$0x2], $0x80, $0x38;
	[tilespmem:$0x4400] =	vst v63  }
0x1b7: {  	s28 =	sor.u32 $0x1400, s26;
	s29 =	sadd.s32 $0xA30, s25  }
0x1b8: {  	[hbm4b:s29+s3] =	stream.linear.scatter [tilespmem:s28], [sflag:$0x2], $0x80, $0x38;
	[tilespmem:$0x4400] =	vst v63  }
0x1b9: {  	s28 =	sor.u32 $0x1800, s26;
	s29 =	sadd.s32 $0xAB0, s25  }
0x1ba: {  	[hbm4b:s29+s3] =	stream.linear.scatter [tilespmem:s28], [sflag:$0x2], $0x80, $0x38;
	[tilespmem:$0x4400] =	vst v63  }
0x1bb: {  	s28 =	sor.u32 $0x1C00, s26;
	s29 =	sadd.s32 $0xB30, s25  }
0x1bc: {  	[hbm4b:s29+s3] =	stream.linear.scatter [tilespmem:s28], [sflag:$0x2], $0x80, $0x38;
	[tilespmem:$0x4400] =	vst v63  }
0x1bd: {  	s26 =	sadd.s32 $0x2000, s26;
	s29 =	sadd.s32 $0xBB0, s25  }
0x1be: {  	[hbm4b:s29+s3] =	stream.linear.scatter [tilespmem:s26], [sflag:$0x2], $0x80, $0x38;
	[tilespmem:$0x4400] =	vst v63  }
0x1bf: {  	s26 =	spop (v2sf)  }
0x1c0: {  	s29 =	sshll.u32 s26, $0xA;
	s26 =	sshll.u32 s26, $0x7  }
0x1c1: {  	s28 =	sand.u32 $0xFFFFE000, s29;
	s26 =	sand.u32 $0x380, s26  }
0x1c2: {  	s26 =	sor.u32 s26, s28  }
0x1c3: {  	s28 =	sadd.s32 $0x840, s25;
	s29 =	sor.u32 $0x400, s26  }
0x1c4: {  	(v2sf) =	vpush v0, $0x5;
	[hbm4b:s28+s3] =	stream.linear.scatter [tilespmem:s29], [sflag:$0x2], $0x80, $0x38;
	[tilespmem:$0x4400] =	vst v63  }
0x1c5: {  	s28 =	sor.u32 $0x800, s26;
	s29 =	sadd.s32 $0x8C0, s25  }
0x1c6: {  	[hbm4b:s29+s3] =	stream.linear.scatter [tilespmem:s28], [sflag:$0x2], $0x80, $0x38;
	[tilespmem:$0x4400] =	vst v63  }
0x1c7: {  	s28 =	sor.u32 $0xC00, s26;
	s29 =	sadd.s32 $0x940, s25  }
0x1c8: {  	[hbm4b:s29+s3] =	stream.linear.scatter [tilespmem:s28], [sflag:$0x2], $0x80, $0x38;
	[tilespmem:$0x4400] =	vst v63  }
0x1c9: {  	s28 =	sor.u32 $0x1000, s26;
	s29 =	sadd.s32 $0x9C0, s25  }
0x1ca: {  	[hbm4b:s29+s3] =	stream.linear.scatter [tilespmem:s28], [sflag:$0x2], $0x80, $0x38;
	[tilespmem:$0x4400] =	vst v63  }
0x1cb: {  	s28 =	sor.u32 $0x1400, s26;
	s29 =	sadd.s32 $0xA40, s25  }
0x1cc: {  	[hbm4b:s29+s3] =	stream.linear.scatter [tilespmem:s28], [sflag:$0x2], $0x80, $0x38;
	[tilespmem:$0x4400] =	vst v63  }
0x1cd: {  	s28 =	sor.u32 $0x1800, s26;
	s29 =	sadd.s32 $0xAC0, s25  }
0x1ce: {  	[hbm4b:s29+s3] =	stream.linear.scatter [tilespmem:s28], [sflag:$0x2], $0x80, $0x38;
	[tilespmem:$0x4400] =	vst v63  }
0x1cf: {  	s28 =	sor.u32 $0x1C00, s26;
	s29 =	sadd.s32 $0xB40, s25  }
0x1d0: {  	[hbm4b:s29+s3] =	stream.linear.scatter [tilespmem:s28], [sflag:$0x2], $0x80, $0x38;
	[tilespmem:$0x4400] =	vst v63  }
0x1d1: {  	s26 =	sadd.s32 $0x2000, s26;
	s29 =	sadd.s32 $0xBC0, s25  }
0x1d2: {  	[hbm4b:s29+s3] =	stream.linear.scatter [tilespmem:s26], [sflag:$0x2], $0x80, $0x38;
	[tilespmem:$0x4400] =	vst v63  }
0x1d3: {  	s26 =	spop (v2sf)  }
0x1d4: {  	s29 =	sshll.u32 s26, $0xA;
	s26 =	sshll.u32 s26, $0x7  }
0x1d5: {  	s28 =	sand.u32 $0xFFFFE000, s29;
	s26 =	sand.u32 $0x380, s26  }
0x1d6: {  	s26 =	sor.u32 s26, s28  }
0x1d7: {  	s28 =	sadd.s32 $0x850, s25;
	s29 =	sor.u32 $0x400, s26  }
0x1d8: {  	(v2sf) =	vpush v0, $0x6;
	[hbm4b:s28+s3] =	stream.linear.scatter [tilespmem:s29], [sflag:$0x2], $0x80, $0x38;
	[tilespmem:$0x4400] =	vst v63  }
0x1d9: {  	s28 =	sor.u32 $0x800, s26;
	s29 =	sadd.s32 $0x8D0, s25  }
0x1da: {  	[hbm4b:s29+s3] =	stream.linear.scatter [tilespmem:s28], [sflag:$0x2], $0x80, $0x38;
	[tilespmem:$0x4400] =	vst v63  }
0x1db: {  	s28 =	sor.u32 $0xC00, s26;
	s29 =	sadd.s32 $0x950, s25  }
0x1dc: {  	[hbm4b:s29+s3] =	stream.linear.scatter [tilespmem:s28], [sflag:$0x2], $0x80, $0x38;
	[tilespmem:$0x4400] =	vst v63  }
0x1dd: {  	s28 =	sor.u32 $0x1000, s26;
	s29 =	sadd.s32 $0x9D0, s25  }
0x1de: {  	[hbm4b:s29+s3] =	stream.linear.scatter [tilespmem:s28], [sflag:$0x2], $0x80, $0x38;
	[tilespmem:$0x4400] =	vst v63  }
0x1df: {  	s28 =	sor.u32 $0x1400, s26;
	s29 =	sadd.s32 $0xA50, s25  }
0x1e0: {  	[hbm4b:s29+s3] =	stream.linear.scatter [tilespmem:s28], [sflag:$0x2], $0x80, $0x38;
	[tilespmem:$0x4400] =	vst v63  }
0x1e1: {  	s28 =	sor.u32 $0x1800, s26;
	s29 =	sadd.s32 $0xAD0, s25  }
0x1e2: {  	[hbm4b:s29+s3] =	stream.linear.scatter [tilespmem:s28], [sflag:$0x2], $0x80, $0x38;
	[tilespmem:$0x4400] =	vst v63  }
0x1e3: {  	s28 =	sor.u32 $0x1C00, s26;
	s29 =	sadd.s32 $0xB50, s25  }
0x1e4: {  	[hbm4b:s29+s3] =	stream.linear.scatter [tilespmem:s28], [sflag:$0x2], $0x80, $0x38;
	[tilespmem:$0x4400] =	vst v63  }
0x1e5: {  	s26 =	sadd.s32 $0x2000, s26;
	s29 =	sadd.s32 $0xBD0, s25  }
0x1e6: {  	[hbm4b:s29+s3] =	stream.linear.scatter [tilespmem:s26], [sflag:$0x2], $0x80, $0x38;
	[tilespmem:$0x4400] =	vst v63  }
0x1e7: {  	s26 =	spop (v2sf)  }
0x1e8: {  	s29 =	sshll.u32 s26, $0xA;
	s26 =	sshll.u32 s26, $0x7  }
0x1e9: {  	s28 =	sand.u32 $0xFFFFE000, s29;
	s26 =	sand.u32 $0x380, s26  }
0x1ea: {  	s26 =	sor.u32 s26, s28  }
0x1eb: {  	s28 =	sadd.s32 $0x860, s25;
	s29 =	sor.u32 $0x400, s26  }
0x1ec: {  	(v2sf) =	vpush v0, $0x7;
	[hbm4b:s28+s3] =	stream.linear.scatter [tilespmem:s29], [sflag:$0x2], $0x80, $0x38;
	[tilespmem:$0x4400] =	vst v63  }
0x1ed: {  	s28 =	sor.u32 $0x800, s26;
	s29 =	sadd.s32 $0x8E0, s25  }
0x1ee: {  	[hbm4b:s29+s3] =	stream.linear.scatter [tilespmem:s28], [sflag:$0x2], $0x80, $0x38;
	[tilespmem:$0x4400] =	vst v63  }
0x1ef: {  	s28 =	sor.u32 $0xC00, s26;
	s29 =	sadd.s32 $0x960, s25  }
0x1f0: {  	[hbm4b:s29+s3] =	stream.linear.scatter [tilespmem:s28], [sflag:$0x2], $0x80, $0x38;
	[tilespmem:$0x4400] =	vst v63  }
0x1f1: {  	s28 =	sor.u32 $0x1000, s26;
	s29 =	sadd.s32 $0x9E0, s25  }
0x1f2: {  	[hbm4b:s29+s3] =	stream.linear.scatter [tilespmem:s28], [sflag:$0x2], $0x80, $0x38;
	[tilespmem:$0x4400] =	vst v63  }
0x1f3: {  	s28 =	sor.u32 $0x1400, s26;
	s29 =	sadd.s32 $0xA60, s25  }
0x1f4: {  	[hbm4b:s29+s3] =	stream.linear.scatter [tilespmem:s28], [sflag:$0x2], $0x80, $0x38;
	[tilespmem:$0x4400] =	vst v63  }
0x1f5: {  	s28 =	sor.u32 $0x1800, s26;
	s29 =	sadd.s32 $0xAE0, s25  }
0x1f6: {  	[hbm4b:s29+s3] =	stream.linear.scatter [tilespmem:s28], [sflag:$0x2], $0x80, $0x38;
	[tilespmem:$0x4400] =	vst v63  }
0x1f7: {  	s28 =	sor.u32 $0x1C00, s26;
	s29 =	sadd.s32 $0xB60, s25  }
0x1f8: {  	[hbm4b:s29+s3] =	stream.linear.scatter [tilespmem:s28], [sflag:$0x2], $0x80, $0x38;
	[tilespmem:$0x4400] =	vst v63  }
0x1f9: {  	s26 =	sadd.s32 $0x2000, s26;
	s29 =	sadd.s32 $0xBE0, s25  }
0x1fa: {  	[hbm4b:s29+s3] =	stream.linear.scatter [tilespmem:s26], [sflag:$0x2], $0x80, $0x38;
	[tilespmem:$0x4400] =	vst v63  }
0x1fb: {  	s26 =	spop (v2sf)  }
0x1fc: {  	s29 =	sshll.u32 s26, $0xA;
	s26 =	sshll.u32 s26, $0x7  }
0x1fd: {  	s28 =	sand.u32 $0xFFFFE000, s29;
	s26 =	sand.u32 $0x380, s26  }
0x1fe: {  	s26 =	sor.u32 s26, s28  }
0x1ff: {  	s28 =	sadd.s32 $0x870, s25;
	s29 =	sor.u32 $0x400, s26  }
0x200: {  	(v2sf) =	vpush v0, $0x8;
	[hbm4b:s28+s3] =	stream.linear.scatter [tilespmem:s29], [sflag:$0x2], $0x80, $0x38;
	[tilespmem:$0x4400] =	vst v63  }
0x201: {  	s28 =	sor.u32 $0x800, s26;
	s29 =	sadd.s32 $0x8F0, s25  }
0x202: {  	[hbm4b:s29+s3] =	stream.linear.scatter [tilespmem:s28], [sflag:$0x2], $0x80, $0x38;
	[tilespmem:$0x4400] =	vst v63  }
0x203: {  	s28 =	sor.u32 $0xC00, s26;
	s29 =	sadd.s32 $0x970, s25  }
0x204: {  	[hbm4b:s29+s3] =	stream.linear.scatter [tilespmem:s28], [sflag:$0x2], $0x80, $0x38;
	[tilespmem:$0x4400] =	vst v63  }
0x205: {  	s28 =	sor.u32 $0x1000, s26;
	s29 =	sadd.s32 $0x9F0, s25  }
0x206: {  	[hbm4b:s29+s3] =	stream.linear.scatter [tilespmem:s28], [sflag:$0x2], $0x80, $0x38;
	[tilespmem:$0x4400] =	vst v63  }
0x207: {  	s28 =	sor.u32 $0x1400, s26;
	s29 =	sadd.s32 $0xA70, s25  }
0x208: {  	[hbm4b:s29+s3] =	stream.linear.scatter [tilespmem:s28], [sflag:$0x2], $0x80, $0x38;
	[tilespmem:$0x4400] =	vst v63  }
0x209: {  	s28 =	sor.u32 $0x1800, s26;
	s29 =	sadd.s32 $0xAF0, s25  }
0x20a: {  	[hbm4b:s29+s3] =	stream.linear.scatter [tilespmem:s28], [sflag:$0x2], $0x80, $0x38;
	[tilespmem:$0x4400] =	vst v63  }
0x20b: {  	s28 =	sor.u32 $0x1C00, s26;
	s29 =	sadd.s32 $0xB70, s25  }
0x20c: {  	[hbm4b:s29+s3] =	stream.linear.scatter [tilespmem:s28], [sflag:$0x2], $0x80, $0x38;
	[tilespmem:$0x4400] =	vst v63  }
0x20d: {  	s26 =	sadd.s32 $0x2000, s26;
	s29 =	sadd.s32 $0xBF0, s25  }
0x20e: {  	[hbm4b:s29+s3] =	stream.linear.scatter [tilespmem:s26], [sflag:$0x2], $0x80, $0x38;
	[tilespmem:$0x4400] =	vst v63  }
0x20f: {  	s26 =	spop (v2sf)  }
0x210: {  	s29 =	sshll.u32 s26, $0xA;
	s26 =	sshll.u32 s26, $0x7  }
0x211: {  	s28 =	sand.u32 $0xFFFFE000, s29;
	s26 =	sand.u32 $0x380, s26  }
0x212: {  	s26 =	sor.u32 s26, s28  }
0x213: {  	s28 =	sadd.s32 $0xC00, s25;
	s29 =	sor.u32 $0x400, s26  }
0x214: {  	(v2sf) =	vpush v0, $0x9;
	[hbm4b:s28+s3] =	stream.linear.scatter [tilespmem:s29], [sflag:$0x2], $0x80, $0x38;
	[tilespmem:$0x4400] =	vst v63  }
0x215: {  	s28 =	sor.u32 $0x800, s26;
	s29 =	sadd.s32 $0xC80, s25  }
0x216: {  	[hbm4b:s29+s3] =	stream.linear.scatter [tilespmem:s28], [sflag:$0x2], $0x80, $0x38;
	[tilespmem:$0x4400] =	vst v63  }
0x217: {  	s28 =	sor.u32 $0xC00, s26;
	s29 =	sadd.s32 $0xD00, s25  }
0x218: {  	[hbm4b:s29+s3] =	stream.linear.scatter [tilespmem:s28], [sflag:$0x2], $0x80, $0x38;
	[tilespmem:$0x4400] =	vst v63  }
0x219: {  	s28 =	sor.u32 $0x1000, s26;
	s29 =	sadd.s32 $0xD80, s25  }
0x21a: {  	[hbm4b:s29+s3] =	stream.linear.scatter [tilespmem:s28], [sflag:$0x2], $0x80, $0x38;
	[tilespmem:$0x4400] =	vst v63  }
0x21b: {  	s28 =	sor.u32 $0x1400, s26;
	s29 =	sadd.s32 $0xE00, s25  }
0x21c: {  	[hbm4b:s29+s3] =	stream.linear.scatter [tilespmem:s28], [sflag:$0x2], $0x80, $0x38;
	[tilespmem:$0x4400] =	vst v63  }
0x21d: {  	s28 =	sor.u32 $0x1800, s26;
	s29 =	sadd.s32 $0xE80, s25  }
0x21e: {  	[hbm4b:s29+s3] =	stream.linear.scatter [tilespmem:s28], [sflag:$0x2], $0x80, $0x38;
	[tilespmem:$0x4400] =	vst v63  }
0x21f: {  	s28 =	sor.u32 $0x1C00, s26;
	s29 =	sadd.s32 $0xF00, s25  }
0x220: {  	[hbm4b:s29+s3] =	stream.linear.scatter [tilespmem:s28], [sflag:$0x2], $0x80, $0x38;
	[tilespmem:$0x4400] =	vst v63  }
0x221: {  	s26 =	sadd.s32 $0x2000, s26;
	s29 =	sadd.s32 $0xF80, s25  }
0x222: {  	[hbm4b:s29+s3] =	stream.linear.scatter [tilespmem:s26], [sflag:$0x2], $0x80, $0x38;
	[tilespmem:$0x4400] =	vst v63  }
0x223: {  	s26 =	spop (v2sf)  }
0x224: {  	s29 =	sshll.u32 s26, $0xA;
	s26 =	sshll.u32 s26, $0x7  }
0x225: {  	s28 =	sand.u32 $0xFFFFE000, s29;
	s26 =	sand.u32 $0x380, s26  }
0x226: {  	s26 =	sor.u32 s26, s28  }
0x227: {  	s28 =	sadd.s32 $0xC10, s25;
	s29 =	sor.u32 $0x400, s26  }
0x228: {  	(v2sf) =	vpush v0, $0xA;
	[hbm4b:s28+s3] =	stream.linear.scatter [tilespmem:s29], [sflag:$0x2], $0x80, $0x38;
	[tilespmem:$0x4400] =	vst v63  }
0x229: {  	s28 =	sor.u32 $0x800, s26;
	s29 =	sadd.s32 $0xC90, s25  }
0x22a: {  	[hbm4b:s29+s3] =	stream.linear.scatter [tilespmem:s28], [sflag:$0x2], $0x80, $0x38;
	[tilespmem:$0x4400] =	vst v63  }
0x22b: {  	s28 =	sor.u32 $0xC00, s26;
	s29 =	sadd.s32 $0xD10, s25  }
0x22c: {  	[hbm4b:s29+s3] =	stream.linear.scatter [tilespmem:s28], [sflag:$0x2], $0x80, $0x38;
	[tilespmem:$0x4400] =	vst v63  }
0x22d: {  	s28 =	sor.u32 $0x1000, s26;
	s29 =	sadd.s32 $0xD90, s25  }
0x22e: {  	[hbm4b:s29+s3] =	stream.linear.scatter [tilespmem:s28], [sflag:$0x2], $0x80, $0x38;
	[tilespmem:$0x4400] =	vst v63  }
0x22f: {  	s28 =	sor.u32 $0x1400, s26;
	s29 =	sadd.s32 $0xE10, s25  }
0x230: {  	[hbm4b:s29+s3] =	stream.linear.scatter [tilespmem:s28], [sflag:$0x2], $0x80, $0x38;
	[tilespmem:$0x4400] =	vst v63  }
0x231: {  	s28 =	sor.u32 $0x1800, s26;
	s29 =	sadd.s32 $0xE90, s25  }
0x232: {  	[hbm4b:s29+s3] =	stream.linear.scatter [tilespmem:s28], [sflag:$0x2], $0x80, $0x38;
	[tilespmem:$0x4400] =	vst v63  }
0x233: {  	s28 =	sor.u32 $0x1C00, s26;
	s29 =	sadd.s32 $0xF10, s25  }
0x234: {  	[hbm4b:s29+s3] =	stream.linear.scatter [tilespmem:s28], [sflag:$0x2], $0x80, $0x38;
	[tilespmem:$0x4400] =	vst v63  }
0x235: {  	s26 =	sadd.s32 $0x2000, s26;
	s29 =	sadd.s32 $0xF90, s25  }
0x236: {  	[hbm4b:s29+s3] =	stream.linear.scatter [tilespmem:s26], [sflag:$0x2], $0x80, $0x38;
	[tilespmem:$0x4400] =	vst v63  }
0x237: {  	s26 =	spop (v2sf)  }
0x238: {  	s29 =	sshll.u32 s26, $0xA;
	s26 =	sshll.u32 s26, $0x7  }
0x239: {  	s28 =	sand.u32 $0xFFFFE000, s29;
	s26 =	sand.u32 $0x380, s26  }
0x23a: {  	s26 =	sor.u32 s26, s28  }
0x23b: {  	s28 =	sadd.s32 $0xC20, s25;
	s29 =	sor.u32 $0x400, s26  }
0x23c: {  	(v2sf) =	vpush v0, $0xB;
	[hbm4b:s28+s3] =	stream.linear.scatter [tilespmem:s29], [sflag:$0x2], $0x80, $0x38;
	[tilespmem:$0x4400] =	vst v63  }
0x23d: {  	s28 =	sor.u32 $0x800, s26;
	s29 =	sadd.s32 $0xCA0, s25  }
0x23e: {  	[hbm4b:s29+s3] =	stream.linear.scatter [tilespmem:s28], [sflag:$0x2], $0x80, $0x38;
	[tilespmem:$0x4400] =	vst v63  }
0x23f: {  	s28 =	sor.u32 $0xC00, s26;
	s29 =	sadd.s32 $0xD20, s25  }
0x240: {  	[hbm4b:s29+s3] =	stream.linear.scatter [tilespmem:s28], [sflag:$0x2], $0x80, $0x38;
	[tilespmem:$0x4400] =	vst v63  }
0x241: {  	s28 =	sor.u32 $0x1000, s26;
	s29 =	sadd.s32 $0xDA0, s25  }
0x242: {  	[hbm4b:s29+s3] =	stream.linear.scatter [tilespmem:s28], [sflag:$0x2], $0x80, $0x38;
	[tilespmem:$0x4400] =	vst v63  }
0x243: {  	s28 =	sor.u32 $0x1400, s26;
	s29 =	sadd.s32 $0xE20, s25  }
0x244: {  	[hbm4b:s29+s3] =	stream.linear.scatter [tilespmem:s28], [sflag:$0x2], $0x80, $0x38;
	[tilespmem:$0x4400] =	vst v63  }
0x245: {  	s28 =	sor.u32 $0x1800, s26;
	s29 =	sadd.s32 $0xEA0, s25  }
0x246: {  	[hbm4b:s29+s3] =	stream.linear.scatter [tilespmem:s28], [sflag:$0x2], $0x80, $0x38;
	[tilespmem:$0x4400] =	vst v63  }
0x247: {  	s28 =	sor.u32 $0x1C00, s26;
	s29 =	sadd.s32 $0xF20, s25  }
0x248: {  	[hbm4b:s29+s3] =	stream.linear.scatter [tilespmem:s28], [sflag:$0x2], $0x80, $0x38;
	[tilespmem:$0x4400] =	vst v63  }
0x249: {  	s26 =	sadd.s32 $0x2000, s26;
	s29 =	sadd.s32 $0xFA0, s25  }
0x24a: {  	[hbm4b:s29+s3] =	stream.linear.scatter [tilespmem:s26], [sflag:$0x2], $0x80, $0x38;
	[tilespmem:$0x4400] =	vst v63  }
0x24b: {  	s26 =	spop (v2sf)  }
0x24c: {  	s29 =	sshll.u32 s26, $0xA;
	s26 =	sshll.u32 s26, $0x7  }
0x24d: {  	s28 =	sand.u32 $0xFFFFE000, s29;
	s26 =	sand.u32 $0x380, s26  }
0x24e: {  	s26 =	sor.u32 s26, s28  }
0x24f: {  	s28 =	sadd.s32 $0xC30, s25;
	s29 =	sor.u32 $0x400, s26  }
0x250: {  	(v2sf) =	vpush v0, $0xC;
	[hbm4b:s28+s3] =	stream.linear.scatter [tilespmem:s29], [sflag:$0x2], $0x80, $0x38;
	[tilespmem:$0x4400] =	vst v63  }
0x251: {  	s28 =	sor.u32 $0x800, s26;
	s29 =	sadd.s32 $0xCB0, s25  }
0x252: {  	[hbm4b:s29+s3] =	stream.linear.scatter [tilespmem:s28], [sflag:$0x2], $0x80, $0x38;
	[tilespmem:$0x4400] =	vst v63  }
0x253: {  	s28 =	sor.u32 $0xC00, s26;
	s29 =	sadd.s32 $0xD30, s25  }
0x254: {  	[hbm4b:s29+s3] =	stream.linear.scatter [tilespmem:s28], [sflag:$0x2], $0x80, $0x38;
	[tilespmem:$0x4400] =	vst v63  }
0x255: {  	s28 =	sor.u32 $0x1000, s26;
	s29 =	sadd.s32 $0xDB0, s25  }
0x256: {  	[hbm4b:s29+s3] =	stream.linear.scatter [tilespmem:s28], [sflag:$0x2], $0x80, $0x38;
	[tilespmem:$0x4400] =	vst v63  }
0x257: {  	s28 =	sor.u32 $0x1400, s26;
	s29 =	sadd.s32 $0xE30, s25  }
0x258: {  	[hbm4b:s29+s3] =	stream.linear.scatter [tilespmem:s28], [sflag:$0x2], $0x80, $0x38;
	[tilespmem:$0x4400] =	vst v63  }
0x259: {  	s28 =	sor.u32 $0x1800, s26;
	s29 =	sadd.s32 $0xEB0, s25  }
0x25a: {  	[hbm4b:s29+s3] =	stream.linear.scatter [tilespmem:s28], [sflag:$0x2], $0x80, $0x38;
	[tilespmem:$0x4400] =	vst v63  }
0x25b: {  	s28 =	sor.u32 $0x1C00, s26;
	s29 =	sadd.s32 $0xF30, s25  }
0x25c: {  	[hbm4b:s29+s3] =	stream.linear.scatter [tilespmem:s28], [sflag:$0x2], $0x80, $0x38;
	[tilespmem:$0x4400] =	vst v63  }
0x25d: {  	s26 =	sadd.s32 $0x2000, s26;
	s29 =	sadd.s32 $0xFB0, s25  }
0x25e: {  	[hbm4b:s29+s3] =	stream.linear.scatter [tilespmem:s26], [sflag:$0x2], $0x80, $0x38;
	[tilespmem:$0x4400] =	vst v63  }
0x25f: {  	s26 =	spop (v2sf)  }
0x260: {  	s29 =	sshll.u32 s26, $0xA;
	s26 =	sshll.u32 s26, $0x7  }
0x261: {  	s28 =	sand.u32 $0xFFFFE000, s29;
	s26 =	sand.u32 $0x380, s26  }
0x262: {  	s26 =	sor.u32 s26, s28  }
0x263: {  	s28 =	sadd.s32 $0xC40, s25;
	s29 =	sor.u32 $0x400, s26  }
0x264: {  	(v2sf) =	vpush v0, $0xD;
	[hbm4b:s28+s3] =	stream.linear.scatter [tilespmem:s29], [sflag:$0x2], $0x80, $0x38;
	[tilespmem:$0x4400] =	vst v63  }
0x265: {  	s28 =	sor.u32 $0x800, s26;
	s29 =	sadd.s32 $0xCC0, s25  }
0x266: {  	[hbm4b:s29+s3] =	stream.linear.scatter [tilespmem:s28], [sflag:$0x2], $0x80, $0x38;
	[tilespmem:$0x4400] =	vst v63  }
0x267: {  	s28 =	sor.u32 $0xC00, s26;
	s29 =	sadd.s32 $0xD40, s25  }
0x268: {  	[hbm4b:s29+s3] =	stream.linear.scatter [tilespmem:s28], [sflag:$0x2], $0x80, $0x38;
	[tilespmem:$0x4400] =	vst v63  }
0x269: {  	s28 =	sor.u32 $0x1000, s26;
	s29 =	sadd.s32 $0xDC0, s25  }
0x26a: {  	[hbm4b:s29+s3] =	stream.linear.scatter [tilespmem:s28], [sflag:$0x2], $0x80, $0x38;
	[tilespmem:$0x4400] =	vst v63  }
0x26b: {  	s28 =	sor.u32 $0x1400, s26;
	s29 =	sadd.s32 $0xE40, s25  }
0x26c: {  	[hbm4b:s29+s3] =	stream.linear.scatter [tilespmem:s28], [sflag:$0x2], $0x80, $0x38;
	[tilespmem:$0x4400] =	vst v63  }
0x26d: {  	s28 =	sor.u32 $0x1800, s26;
	s29 =	sadd.s32 $0xEC0, s25  }
0x26e: {  	[hbm4b:s29+s3] =	stream.linear.scatter [tilespmem:s28], [sflag:$0x2], $0x80, $0x38;
	[tilespmem:$0x4400] =	vst v63  }
0x26f: {  	s28 =	sor.u32 $0x1C00, s26;
	s29 =	sadd.s32 $0xF40, s25  }
0x270: {  	[hbm4b:s29+s3] =	stream.linear.scatter [tilespmem:s28], [sflag:$0x2], $0x80, $0x38;
	[tilespmem:$0x4400] =	vst v63  }
0x271: {  	s26 =	sadd.s32 $0x2000, s26;
	s29 =	sadd.s32 $0xFC0, s25  }
0x272: {  	[hbm4b:s29+s3] =	stream.linear.scatter [tilespmem:s26], [sflag:$0x2], $0x80, $0x38;
	[tilespmem:$0x4400] =	vst v63  }
0x273: {  	s26 =	spop (v2sf)  }
0x274: {  	s29 =	sshll.u32 s26, $0xA;
	s26 =	sshll.u32 s26, $0x7  }
0x275: {  	s28 =	sand.u32 $0xFFFFE000, s29;
	s26 =	sand.u32 $0x380, s26  }
0x276: {  	s26 =	sor.u32 s26, s28  }
0x277: {  	s28 =	sadd.s32 $0xC50, s25;
	s29 =	sor.u32 $0x400, s26  }
0x278: {  	(v2sf) =	vpush v0, $0xE;
	[hbm4b:s28+s3] =	stream.linear.scatter [tilespmem:s29], [sflag:$0x2], $0x80, $0x38;
	[tilespmem:$0x4400] =	vst v63  }
0x279: {  	s28 =	sor.u32 $0x800, s26;
	s29 =	sadd.s32 $0xCD0, s25  }
0x27a: {  	[hbm4b:s29+s3] =	stream.linear.scatter [tilespmem:s28], [sflag:$0x2], $0x80, $0x38;
	[tilespmem:$0x4400] =	vst v63  }
0x27b: {  	s28 =	sor.u32 $0xC00, s26;
	s29 =	sadd.s32 $0xD50, s25  }
0x27c: {  	[hbm4b:s29+s3] =	stream.linear.scatter [tilespmem:s28], [sflag:$0x2], $0x80, $0x38;
	[tilespmem:$0x4400] =	vst v63  }
0x27d: {  	s28 =	sor.u32 $0x1000, s26;
	s29 =	sadd.s32 $0xDD0, s25  }
0x27e: {  	[hbm4b:s29+s3] =	stream.linear.scatter [tilespmem:s28], [sflag:$0x2], $0x80, $0x38;
	[tilespmem:$0x4400] =	vst v63  }
0x27f: {  	s28 =	sor.u32 $0x1400, s26;
	s29 =	sadd.s32 $0xE50, s25  }
0x280: {  	[hbm4b:s29+s3] =	stream.linear.scatter [tilespmem:s28], [sflag:$0x2], $0x80, $0x38;
	[tilespmem:$0x4400] =	vst v63  }
0x281: {  	s28 =	sor.u32 $0x1800, s26;
	s29 =	sadd.s32 $0xED0, s25  }
0x282: {  	[hbm4b:s29+s3] =	stream.linear.scatter [tilespmem:s28], [sflag:$0x2], $0x80, $0x38;
	[tilespmem:$0x4400] =	vst v63  }
0x283: {  	s28 =	sor.u32 $0x1C00, s26;
	s29 =	sadd.s32 $0xF50, s25  }
0x284: {  	[hbm4b:s29+s3] =	stream.linear.scatter [tilespmem:s28], [sflag:$0x2], $0x80, $0x38;
	[tilespmem:$0x4400] =	vst v63  }
0x285: {  	s26 =	sadd.s32 $0x2000, s26;
	s29 =	sadd.s32 $0xFD0, s25  }
0x286: {  	[hbm4b:s29+s3] =	stream.linear.scatter [tilespmem:s26], [sflag:$0x2], $0x80, $0x38;
	[tilespmem:$0x4400] =	vst v63  }
0x287: {  	s26 =	spop (v2sf)  }
0x288: {  	s29 =	sshll.u32 s26, $0xA;
	s26 =	sshll.u32 s26, $0x7  }
0x289: {  	s28 =	sand.u32 $0xFFFFE000, s29;
	s26 =	sand.u32 $0x380, s26  }
0x28a: {  	s26 =	sor.u32 s26, s28  }
0x28b: {  	s28 =	sadd.s32 $0xC60, s25;
	s29 =	sor.u32 $0x400, s26  }
0x28c: {  	(v2sf) =	vpush v0, $0xF;
	[hbm4b:s28+s3] =	stream.linear.scatter [tilespmem:s29], [sflag:$0x2], $0x80, $0x38;
	[tilespmem:$0x4400] =	vst v63  }
0x28d: {  	s28 =	sor.u32 $0x800, s26;
	s29 =	sadd.s32 $0xCE0, s25  }
0x28e: {  	[hbm4b:s29+s3] =	stream.linear.scatter [tilespmem:s28], [sflag:$0x2], $0x80, $0x38;
	[tilespmem:$0x4400] =	vst v63  }
0x28f: {  	s28 =	sor.u32 $0xC00, s26;
	s29 =	sadd.s32 $0xD60, s25  }
0x290: {  	[hbm4b:s29+s3] =	stream.linear.scatter [tilespmem:s28], [sflag:$0x2], $0x80, $0x38;
	[tilespmem:$0x4400] =	vst v63  }
0x291: {  	s28 =	sor.u32 $0x1000, s26;
	s29 =	sadd.s32 $0xDE0, s25  }
0x292: {  	[hbm4b:s29+s3] =	stream.linear.scatter [tilespmem:s28], [sflag:$0x2], $0x80, $0x38;
	[tilespmem:$0x4400] =	vst v63  }
0x293: {  	s28 =	sor.u32 $0x1400, s26;
	s29 =	sadd.s32 $0xE60, s25  }
0x294: {  	[hbm4b:s29+s3] =	stream.linear.scatter [tilespmem:s28], [sflag:$0x2], $0x80, $0x38;
	[tilespmem:$0x4400] =	vst v63  }
0x295: {  	s28 =	sor.u32 $0x1800, s26;
	s29 =	sadd.s32 $0xEE0, s25  }
0x296: {  	[hbm4b:s29+s3] =	stream.linear.scatter [tilespmem:s28], [sflag:$0x2], $0x80, $0x38;
	[tilespmem:$0x4400] =	vst v63  }
0x297: {  	s28 =	sor.u32 $0x1C00, s26;
	s29 =	sadd.s32 $0xF60, s25  }
0x298: {  	[hbm4b:s29+s3] =	stream.linear.scatter [tilespmem:s28], [sflag:$0x2], $0x80, $0x38;
	[tilespmem:$0x4400] =	vst v63  }
0x299: {  	s26 =	sadd.s32 $0x2000, s26;
	s29 =	sadd.s32 $0xFE0, s25  }
0x29a: {  	[hbm4b:s29+s3] =	stream.linear.scatter [tilespmem:s26], [sflag:$0x2], $0x80, $0x38;
	[tilespmem:$0x4400] =	vst v63  }
0x29b: {  	s26 =	spop (v2sf)  }
0x29c: {  	s29 =	sshll.u32 s26, $0xA;
	s26 =	sshll.u32 s26, $0x7  }
0x29d: {  	s28 =	sand.u32 $0xFFFFE000, s29;
	s26 =	sand.u32 $0x380, s26  }
0x29e: {  	s26 =	sor.u32 s26, s28  }
0x29f: {  	s28 =	sadd.s32 $0xC70, s25;
	s29 =	sor.u32 $0x400, s26  }
0x2a0: {  	[hbm4b:s28+s3] =	stream.linear.scatter [tilespmem:s29], [sflag:$0x2], $0x80, $0x38;
	[tilespmem:$0x4400] =	vst v63  }
0x2a1: {  	s28 =	sor.u32 $0x800, s26;
	s29 =	sadd.s32 $0xCF0, s25  }
0x2a2: {  	[hbm4b:s29+s3] =	stream.linear.scatter [tilespmem:s28], [sflag:$0x2], $0x80, $0x38;
	[tilespmem:$0x4400] =	vst v63  }
0x2a3: {  	s28 =	sor.u32 $0xC00, s26;
	s29 =	sadd.s32 $0xD70, s25  }
0x2a4: {  	[hbm4b:s29+s3] =	stream.linear.scatter [tilespmem:s28], [sflag:$0x2], $0x80, $0x38;
	[tilespmem:$0x4400] =	vst v63  }
0x2a5: {  	s28 =	sor.u32 $0x1000, s26;
	s29 =	sadd.s32 $0xDF0, s25  }
0x2a6: {  	[hbm4b:s29+s3] =	stream.linear.scatter [tilespmem:s28], [sflag:$0x2], $0x80, $0x38;
	[tilespmem:$0x4400] =	vst v63  }
0x2a7: {  	s28 =	sor.u32 $0x1400, s26;
	s29 =	sadd.s32 $0xE70, s25  }
0x2a8: {  	[hbm4b:s29+s3] =	stream.linear.scatter [tilespmem:s28], [sflag:$0x2], $0x80, $0x38;
	[tilespmem:$0x4400] =	vst v63  }
0x2a9: {  	s28 =	sor.u32 $0x1800, s26;
	s29 =	sadd.s32 $0xEF0, s25  }
0x2aa: {  	[hbm4b:s29+s3] =	stream.linear.scatter [tilespmem:s28], [sflag:$0x2], $0x80, $0x38;
	[tilespmem:$0x4400] =	vst v63  }
0x2ab: {  	p0 =	seq.s32 s23, $0x1F000;
	s28 =	sor.u32 $0x1C00, s26;
	s29 =	sadd.s32 $0xF70, s25  }
0x2ac: {  	[hbm4b:s29+s3] =	stream.linear.scatter [tilespmem:s28], [sflag:$0x2], $0x80, $0x38;
	[tilespmem:$0x4400] =	vst v63  }
.Ltmp4:
0x2ad: {  	s26 =	sadd.s32 $0x2000, s26;
	s29 =	sadd.s32 $0xFF0, s25;
	(pc) =	sbr.rel @p0 .LBB2_4-.Ltmp4, $4  }
0x2ae: {  	[hbm4b:s29+s3] =	stream.linear.scatter [tilespmem:s26], [sflag:$0x2], $0x80, $0x38;
	[tilespmem:$0x4400] =	vst v63  }
0x2af: {  	_ =	swait.ge [sflag:s1], $0x4000  }
0x2b0: {  	[sflag:s1] =	ssyncset.done $0x0  }
0x2b1: {  	[sflag:s1] =	ssyncadd.s32 $0xFFFFC000  }
0x2b2: {  	v0 =	vld [tilespmem:s22+$0x0];
	_ =	sdelay $0x4  }
0x2b3: {  	(v2sf) =	vpush v0, $0x0;
	_ =	sdelay $0xe  }
0x2b4: {  	s26 =	spop (v2sf)  }
0x2b5: {  	s28 =	sshll.u32 s26, $0xA;
	s26 =	sshll.u32 s26, $0x7  }
0x2b6: {  	s28 =	sand.u32 $0xFFFFE000, s28;
	s26 =	sand.u32 $0x380, s26  }
0x2b7: {  	s26 =	sor.u32 s26, s28  }
0x2b8: {  	s28 =	sadd.s32 $0x1000, s25;
	s29 =	sor.u32 $0x400, s26  }
0x2b9: {  	(v2sf) =	vpush v0, $0x1;
	[hbm4b:s28+s3] =	stream.linear.scatter [tilespmem:s29], [sflag:$0x1], $0x80, $0x38;
	[tilespmem:$0x4400] =	vst v63  }
0x2ba: {  	s28 =	sor.u32 $0x800, s26;
	s29 =	sadd.s32 $0x1080, s25  }
0x2bb: {  	[hbm4b:s29+s3] =	stream.linear.scatter [tilespmem:s28], [sflag:$0x1], $0x80, $0x38;
	[tilespmem:$0x4400] =	vst v63  }
0x2bc: {  	s28 =	sor.u32 $0xC00, s26;
	s29 =	sadd.s32 $0x1100, s25  }
0x2bd: {  	[hbm4b:s29+s3] =	stream.linear.scatter [tilespmem:s28], [sflag:$0x1], $0x80, $0x38;
	[tilespmem:$0x4400] =	vst v63  }
0x2be: {  	s28 =	sor.u32 $0x1000, s26;
	s29 =	sadd.s32 $0x1180, s25  }
0x2bf: {  	[hbm4b:s29+s3] =	stream.linear.scatter [tilespmem:s28], [sflag:$0x1], $0x80, $0x38;
	[tilespmem:$0x4400] =	vst v63  }
0x2c0: {  	s28 =	sor.u32 $0x1400, s26;
	s29 =	sadd.s32 $0x1200, s25  }
0x2c1: {  	[hbm4b:s29+s3] =	stream.linear.scatter [tilespmem:s28], [sflag:$0x1], $0x80, $0x38;
	[tilespmem:$0x4400] =	vst v63  }
0x2c2: {  	s28 =	sor.u32 $0x1800, s26;
	s29 =	sadd.s32 $0x1280, s25  }
0x2c3: {  	[hbm4b:s29+s3] =	stream.linear.scatter [tilespmem:s28], [sflag:$0x1], $0x80, $0x38;
	[tilespmem:$0x4400] =	vst v63  }
0x2c4: {  	s28 =	sor.u32 $0x1C00, s26;
	s29 =	sadd.s32 $0x1300, s25  }
0x2c5: {  	[hbm4b:s29+s3] =	stream.linear.scatter [tilespmem:s28], [sflag:$0x1], $0x80, $0x38;
	[tilespmem:$0x4400] =	vst v63  }
0x2c6: {  	s26 =	sadd.s32 $0x2000, s26;
	s29 =	sadd.s32 $0x1380, s25  }
0x2c7: {  	[hbm4b:s29+s3] =	stream.linear.scatter [tilespmem:s26], [sflag:$0x1], $0x80, $0x38;
	[tilespmem:$0x4400] =	vst v63  }
0x2c8: {  	s26 =	spop (v2sf)  }
0x2c9: {  	s28 =	sshll.u32 s26, $0xA;
	s25 =	sshll.u32 s26, $0x7  }
0x2ca: {  	s26 =	sand.u32 $0xFFFFE000, s28;
	s29 =	sand.u32 $0x380, s25  }
0x2cb: {  	s25 =	sadd.s32 s23, s0;
	s26 =	sor.u32 s29, s26  }
0x2cc: {  	s28 =	sadd.s32 $0x10, s25;
	s29 =	sor.u32 $0x400, s26  }
0x2cd: {  	(v2sf) =	vpush v0, $0x2;
	[hbm4b:s28+s3] =	stream.linear.scatter [tilespmem:s29], [sflag:$0x1], $0x80, $0x38;
	[tilespmem:$0x4400] =	vst v63  }
0x2ce: {  	s28 =	sor.u32 $0x800, s26;
	s29 =	sadd.s32 $0x90, s25  }
0x2cf: {  	[hbm4b:s29+s3] =	stream.linear.scatter [tilespmem:s28], [sflag:$0x1], $0x80, $0x38;
	[tilespmem:$0x4400] =	vst v63  }
0x2d0: {  	s28 =	sor.u32 $0xC00, s26;
	s29 =	sadd.s32 $0x110, s25  }
0x2d1: {  	[hbm4b:s29+s3] =	stream.linear.scatter [tilespmem:s28], [sflag:$0x1], $0x80, $0x38;
	[tilespmem:$0x4400] =	vst v63  }
0x2d2: {  	s28 =	sor.u32 $0x1000, s26;
	s29 =	sadd.s32 $0x190, s25  }
0x2d3: {  	[hbm4b:s29+s3] =	stream.linear.scatter [tilespmem:s28], [sflag:$0x1], $0x80, $0x38;
	[tilespmem:$0x4400] =	vst v63  }
0x2d4: {  	s28 =	sor.u32 $0x1400, s26;
	s29 =	sadd.s32 $0x210, s25  }
0x2d5: {  	[hbm4b:s29+s3] =	stream.linear.scatter [tilespmem:s28], [sflag:$0x1], $0x80, $0x38;
	[tilespmem:$0x4400] =	vst v63  }
0x2d6: {  	s28 =	sor.u32 $0x1800, s26;
	s29 =	sadd.s32 $0x290, s25  }
0x2d7: {  	[hbm4b:s29+s3] =	stream.linear.scatter [tilespmem:s28], [sflag:$0x1], $0x80, $0x38;
	[tilespmem:$0x4400] =	vst v63  }
0x2d8: {  	s28 =	sor.u32 $0x1C00, s26;
	s29 =	sadd.s32 $0x310, s25  }
0x2d9: {  	[hbm4b:s29+s3] =	stream.linear.scatter [tilespmem:s28], [sflag:$0x1], $0x80, $0x38;
	[tilespmem:$0x4400] =	vst v63  }
0x2da: {  	s26 =	sadd.s32 $0x2000, s26;
	s29 =	sadd.s32 $0x390, s25  }
0x2db: {  	[hbm4b:s29+s3] =	stream.linear.scatter [tilespmem:s26], [sflag:$0x1], $0x80, $0x38;
	[tilespmem:$0x4400] =	vst v63  }
0x2dc: {  	s26 =	spop (v2sf)  }
0x2dd: {  	s29 =	sshll.u32 s26, $0xA;
	s26 =	sshll.u32 s26, $0x7  }
0x2de: {  	s28 =	sand.u32 $0xFFFFE000, s29;
	s26 =	sand.u32 $0x380, s26  }
0x2df: {  	s26 =	sor.u32 s26, s28  }
0x2e0: {  	s28 =	sadd.s32 $0x20, s25;
	s29 =	sor.u32 $0x400, s26  }
0x2e1: {  	(v2sf) =	vpush v0, $0x3;
	[hbm4b:s28+s3] =	stream.linear.scatter [tilespmem:s29], [sflag:$0x1], $0x80, $0x38;
	[tilespmem:$0x4400] =	vst v63  }
0x2e2: {  	s28 =	sor.u32 $0x800, s26;
	s29 =	sadd.s32 $0xA0, s25  }
0x2e3: {  	[hbm4b:s29+s3] =	stream.linear.scatter [tilespmem:s28], [sflag:$0x1], $0x80, $0x38;
	[tilespmem:$0x4400] =	vst v63  }
0x2e4: {  	s28 =	sor.u32 $0xC00, s26;
	s29 =	sadd.s32 $0x120, s25  }
0x2e5: {  	[hbm4b:s29+s3] =	stream.linear.scatter [tilespmem:s28], [sflag:$0x1], $0x80, $0x38;
	[tilespmem:$0x4400] =	vst v63  }
0x2e6: {  	s28 =	sor.u32 $0x1000, s26;
	s29 =	sadd.s32 $0x1A0, s25  }
0x2e7: {  	[hbm4b:s29+s3] =	stream.linear.scatter [tilespmem:s28], [sflag:$0x1], $0x80, $0x38;
	[tilespmem:$0x4400] =	vst v63  }
0x2e8: {  	s28 =	sor.u32 $0x1400, s26;
	s29 =	sadd.s32 $0x220, s25  }
0x2e9: {  	[hbm4b:s29+s3] =	stream.linear.scatter [tilespmem:s28], [sflag:$0x1], $0x80, $0x38;
	[tilespmem:$0x4400] =	vst v63  }
0x2ea: {  	s28 =	sor.u32 $0x1800, s26;
	s29 =	sadd.s32 $0x2A0, s25  }
0x2eb: {  	[hbm4b:s29+s3] =	stream.linear.scatter [tilespmem:s28], [sflag:$0x1], $0x80, $0x38;
	[tilespmem:$0x4400] =	vst v63  }
0x2ec: {  	s28 =	sor.u32 $0x1C00, s26;
	s29 =	sadd.s32 $0x320, s25  }
0x2ed: {  	[hbm4b:s29+s3] =	stream.linear.scatter [tilespmem:s28], [sflag:$0x1], $0x80, $0x38;
	[tilespmem:$0x4400] =	vst v63  }
0x2ee: {  	s26 =	sadd.s32 $0x2000, s26;
	s29 =	sadd.s32 $0x3A0, s25  }
0x2ef: {  	[hbm4b:s29+s3] =	stream.linear.scatter [tilespmem:s26], [sflag:$0x1], $0x80, $0x38;
	[tilespmem:$0x4400] =	vst v63  }
0x2f0: {  	s26 =	spop (v2sf)  }
0x2f1: {  	s29 =	sshll.u32 s26, $0xA;
	s26 =	sshll.u32 s26, $0x7  }
0x2f2: {  	s28 =	sand.u32 $0xFFFFE000, s29;
	s26 =	sand.u32 $0x380, s26  }
0x2f3: {  	s26 =	sor.u32 s26, s28  }
0x2f4: {  	s28 =	sadd.s32 $0x30, s25;
	s29 =	sor.u32 $0x400, s26  }
0x2f5: {  	(v2sf) =	vpush v0, $0x4;
	[hbm4b:s28+s3] =	stream.linear.scatter [tilespmem:s29], [sflag:$0x1], $0x80, $0x38;
	[tilespmem:$0x4400] =	vst v63  }
0x2f6: {  	s28 =	sor.u32 $0x800, s26;
	s29 =	sadd.s32 $0xB0, s25  }
0x2f7: {  	[hbm4b:s29+s3] =	stream.linear.scatter [tilespmem:s28], [sflag:$0x1], $0x80, $0x38;
	[tilespmem:$0x4400] =	vst v63  }
0x2f8: {  	s28 =	sor.u32 $0xC00, s26;
	s29 =	sadd.s32 $0x130, s25  }
0x2f9: {  	[hbm4b:s29+s3] =	stream.linear.scatter [tilespmem:s28], [sflag:$0x1], $0x80, $0x38;
	[tilespmem:$0x4400] =	vst v63  }
0x2fa: {  	s28 =	sor.u32 $0x1000, s26;
	s29 =	sadd.s32 $0x1B0, s25  }
0x2fb: {  	[hbm4b:s29+s3] =	stream.linear.scatter [tilespmem:s28], [sflag:$0x1], $0x80, $0x38;
	[tilespmem:$0x4400] =	vst v63  }
0x2fc: {  	s28 =	sor.u32 $0x1400, s26;
	s29 =	sadd.s32 $0x230, s25  }
0x2fd: {  	[hbm4b:s29+s3] =	stream.linear.scatter [tilespmem:s28], [sflag:$0x1], $0x80, $0x38;
	[tilespmem:$0x4400] =	vst v63  }
0x2fe: {  	s28 =	sor.u32 $0x1800, s26;
	s29 =	sadd.s32 $0x2B0, s25  }
0x2ff: {  	[hbm4b:s29+s3] =	stream.linear.scatter [tilespmem:s28], [sflag:$0x1], $0x80, $0x38;
	[tilespmem:$0x4400] =	vst v63  }
0x300: {  	s28 =	sor.u32 $0x1C00, s26;
	s29 =	sadd.s32 $0x330, s25  }
0x301: {  	[hbm4b:s29+s3] =	stream.linear.scatter [tilespmem:s28], [sflag:$0x1], $0x80, $0x38;
	[tilespmem:$0x4400] =	vst v63  }
0x302: {  	s26 =	sadd.s32 $0x2000, s26;
	s29 =	sadd.s32 $0x3B0, s25  }
0x303: {  	[hbm4b:s29+s3] =	stream.linear.scatter [tilespmem:s26], [sflag:$0x1], $0x80, $0x38;
	[tilespmem:$0x4400] =	vst v63  }
0x304: {  	s26 =	spop (v2sf)  }
0x305: {  	s29 =	sshll.u32 s26, $0xA;
	s26 =	sshll.u32 s26, $0x7  }
0x306: {  	s28 =	sand.u32 $0xFFFFE000, s29;
	s26 =	sand.u32 $0x380, s26  }
0x307: {  	s26 =	sor.u32 s26, s28  }
0x308: {  	s28 =	sadd.s32 $0x40, s25;
	s29 =	sor.u32 $0x400, s26  }
0x309: {  	(v2sf) =	vpush v0, $0x5;
	[hbm4b:s28+s3] =	stream.linear.scatter [tilespmem:s29], [sflag:$0x1], $0x80, $0x38;
	[tilespmem:$0x4400] =	vst v63  }
0x30a: {  	s28 =	sor.u32 $0x800, s26;
	s29 =	sadd.s32 $0xC0, s25  }
0x30b: {  	[hbm4b:s29+s3] =	stream.linear.scatter [tilespmem:s28], [sflag:$0x1], $0x80, $0x38;
	[tilespmem:$0x4400] =	vst v63  }
0x30c: {  	s28 =	sor.u32 $0xC00, s26;
	s29 =	sadd.s32 $0x140, s25  }
0x30d: {  	[hbm4b:s29+s3] =	stream.linear.scatter [tilespmem:s28], [sflag:$0x1], $0x80, $0x38;
	[tilespmem:$0x4400] =	vst v63  }
0x30e: {  	s28 =	sor.u32 $0x1000, s26;
	s29 =	sadd.s32 $0x1C0, s25  }
0x30f: {  	[hbm4b:s29+s3] =	stream.linear.scatter [tilespmem:s28], [sflag:$0x1], $0x80, $0x38;
	[tilespmem:$0x4400] =	vst v63  }
0x310: {  	s28 =	sor.u32 $0x1400, s26;
	s29 =	sadd.s32 $0x240, s25  }
0x311: {  	[hbm4b:s29+s3] =	stream.linear.scatter [tilespmem:s28], [sflag:$0x1], $0x80, $0x38;
	[tilespmem:$0x4400] =	vst v63  }
0x312: {  	s28 =	sor.u32 $0x1800, s26;
	s29 =	sadd.s32 $0x2C0, s25  }
0x313: {  	[hbm4b:s29+s3] =	stream.linear.scatter [tilespmem:s28], [sflag:$0x1], $0x80, $0x38;
	[tilespmem:$0x4400] =	vst v63  }
0x314: {  	s28 =	sor.u32 $0x1C00, s26;
	s29 =	sadd.s32 $0x340, s25  }
0x315: {  	[hbm4b:s29+s3] =	stream.linear.scatter [tilespmem:s28], [sflag:$0x1], $0x80, $0x38;
	[tilespmem:$0x4400] =	vst v63  }
0x316: {  	s26 =	sadd.s32 $0x2000, s26;
	s29 =	sadd.s32 $0x3C0, s25  }
0x317: {  	[hbm4b:s29+s3] =	stream.linear.scatter [tilespmem:s26], [sflag:$0x1], $0x80, $0x38;
	[tilespmem:$0x4400] =	vst v63  }
0x318: {  	s26 =	spop (v2sf)  }
0x319: {  	s29 =	sshll.u32 s26, $0xA;
	s26 =	sshll.u32 s26, $0x7  }
0x31a: {  	s28 =	sand.u32 $0xFFFFE000, s29;
	s26 =	sand.u32 $0x380, s26  }
0x31b: {  	s26 =	sor.u32 s26, s28  }
0x31c: {  	s28 =	sadd.s32 $0x50, s25;
	s29 =	sor.u32 $0x400, s26  }
0x31d: {  	(v2sf) =	vpush v0, $0x6;
	[hbm4b:s28+s3] =	stream.linear.scatter [tilespmem:s29], [sflag:$0x1], $0x80, $0x38;
	[tilespmem:$0x4400] =	vst v63  }
0x31e: {  	s28 =	sor.u32 $0x800, s26;
	s29 =	sadd.s32 $0xD0, s25  }
0x31f: {  	[hbm4b:s29+s3] =	stream.linear.scatter [tilespmem:s28], [sflag:$0x1], $0x80, $0x38;
	[tilespmem:$0x4400] =	vst v63  }
0x320: {  	s28 =	sor.u32 $0xC00, s26;
	s29 =	sadd.s32 $0x150, s25  }
0x321: {  	[hbm4b:s29+s3] =	stream.linear.scatter [tilespmem:s28], [sflag:$0x1], $0x80, $0x38;
	[tilespmem:$0x4400] =	vst v63  }
0x322: {  	s28 =	sor.u32 $0x1000, s26;
	s29 =	sadd.s32 $0x1D0, s25  }
0x323: {  	[hbm4b:s29+s3] =	stream.linear.scatter [tilespmem:s28], [sflag:$0x1], $0x80, $0x38;
	[tilespmem:$0x4400] =	vst v63  }
0x324: {  	s28 =	sor.u32 $0x1400, s26;
	s29 =	sadd.s32 $0x250, s25  }
0x325: {  	[hbm4b:s29+s3] =	stream.linear.scatter [tilespmem:s28], [sflag:$0x1], $0x80, $0x38;
	[tilespmem:$0x4400] =	vst v63  }
0x326: {  	s28 =	sor.u32 $0x1800, s26;
	s29 =	sadd.s32 $0x2D0, s25  }
0x327: {  	[hbm4b:s29+s3] =	stream.linear.scatter [tilespmem:s28], [sflag:$0x1], $0x80, $0x38;
	[tilespmem:$0x4400] =	vst v63  }
0x328: {  	s28 =	sor.u32 $0x1C00, s26;
	s29 =	sadd.s32 $0x350, s25  }
0x329: {  	[hbm4b:s29+s3] =	stream.linear.scatter [tilespmem:s28], [sflag:$0x1], $0x80, $0x38;
	[tilespmem:$0x4400] =	vst v63  }
0x32a: {  	s26 =	sadd.s32 $0x2000, s26;
	s29 =	sadd.s32 $0x3D0, s25  }
0x32b: {  	[hbm4b:s29+s3] =	stream.linear.scatter [tilespmem:s26], [sflag:$0x1], $0x80, $0x38;
	[tilespmem:$0x4400] =	vst v63  }
0x32c: {  	s26 =	spop (v2sf)  }
0x32d: {  	s29 =	sshll.u32 s26, $0xA;
	s26 =	sshll.u32 s26, $0x7  }
0x32e: {  	s28 =	sand.u32 $0xFFFFE000, s29;
	s26 =	sand.u32 $0x380, s26  }
0x32f: {  	s26 =	sor.u32 s26, s28  }
0x330: {  	s28 =	sadd.s32 $0x60, s25;
	s29 =	sor.u32 $0x400, s26  }
0x331: {  	(v2sf) =	vpush v0, $0x7;
	[hbm4b:s28+s3] =	stream.linear.scatter [tilespmem:s29], [sflag:$0x1], $0x80, $0x38;
	[tilespmem:$0x4400] =	vst v63  }
0x332: {  	s28 =	sor.u32 $0x800, s26;
	s29 =	sadd.s32 $0xE0, s25  }
0x333: {  	[hbm4b:s29+s3] =	stream.linear.scatter [tilespmem:s28], [sflag:$0x1], $0x80, $0x38;
	[tilespmem:$0x4400] =	vst v63  }
0x334: {  	s28 =	sor.u32 $0xC00, s26;
	s29 =	sadd.s32 $0x160, s25  }
0x335: {  	[hbm4b:s29+s3] =	stream.linear.scatter [tilespmem:s28], [sflag:$0x1], $0x80, $0x38;
	[tilespmem:$0x4400] =	vst v63  }
0x336: {  	s28 =	sor.u32 $0x1000, s26;
	s29 =	sadd.s32 $0x1E0, s25  }
0x337: {  	[hbm4b:s29+s3] =	stream.linear.scatter [tilespmem:s28], [sflag:$0x1], $0x80, $0x38;
	[tilespmem:$0x4400] =	vst v63  }
0x338: {  	s28 =	sor.u32 $0x1400, s26;
	s29 =	sadd.s32 $0x260, s25  }
0x339: {  	[hbm4b:s29+s3] =	stream.linear.scatter [tilespmem:s28], [sflag:$0x1], $0x80, $0x38;
	[tilespmem:$0x4400] =	vst v63  }
0x33a: {  	s28 =	sor.u32 $0x1800, s26;
	s29 =	sadd.s32 $0x2E0, s25  }
0x33b: {  	[hbm4b:s29+s3] =	stream.linear.scatter [tilespmem:s28], [sflag:$0x1], $0x80, $0x38;
	[tilespmem:$0x4400] =	vst v63  }
0x33c: {  	s28 =	sor.u32 $0x1C00, s26;
	s29 =	sadd.s32 $0x360, s25  }
0x33d: {  	[hbm4b:s29+s3] =	stream.linear.scatter [tilespmem:s28], [sflag:$0x1], $0x80, $0x38;
	[tilespmem:$0x4400] =	vst v63  }
0x33e: {  	s26 =	sadd.s32 $0x2000, s26;
	s29 =	sadd.s32 $0x3E0, s25  }
0x33f: {  	[hbm4b:s29+s3] =	stream.linear.scatter [tilespmem:s26], [sflag:$0x1], $0x80, $0x38;
	[tilespmem:$0x4400] =	vst v63  }
0x340: {  	s26 =	spop (v2sf)  }
0x341: {  	s29 =	sshll.u32 s26, $0xA;
	s26 =	sshll.u32 s26, $0x7  }
0x342: {  	s28 =	sand.u32 $0xFFFFE000, s29;
	s26 =	sand.u32 $0x380, s26  }
0x343: {  	s26 =	sor.u32 s26, s28  }
0x344: {  	s28 =	sadd.s32 $0x70, s25;
	s29 =	sor.u32 $0x400, s26  }
0x345: {  	(v2sf) =	vpush v0, $0x8;
	[hbm4b:s28+s3] =	stream.linear.scatter [tilespmem:s29], [sflag:$0x1], $0x80, $0x38;
	[tilespmem:$0x4400] =	vst v63  }
0x346: {  	s28 =	sor.u32 $0x800, s26;
	s29 =	sadd.s32 $0xF0, s25  }
0x347: {  	[hbm4b:s29+s3] =	stream.linear.scatter [tilespmem:s28], [sflag:$0x1], $0x80, $0x38;
	[tilespmem:$0x4400] =	vst v63  }
0x348: {  	s28 =	sor.u32 $0xC00, s26;
	s29 =	sadd.s32 $0x170, s25  }
0x349: {  	[hbm4b:s29+s3] =	stream.linear.scatter [tilespmem:s28], [sflag:$0x1], $0x80, $0x38;
	[tilespmem:$0x4400] =	vst v63  }
0x34a: {  	s28 =	sor.u32 $0x1000, s26;
	s29 =	sadd.s32 $0x1F0, s25  }
0x34b: {  	[hbm4b:s29+s3] =	stream.linear.scatter [tilespmem:s28], [sflag:$0x1], $0x80, $0x38;
	[tilespmem:$0x4400] =	vst v63  }
0x34c: {  	s28 =	sor.u32 $0x1400, s26;
	s29 =	sadd.s32 $0x270, s25  }
0x34d: {  	[hbm4b:s29+s3] =	stream.linear.scatter [tilespmem:s28], [sflag:$0x1], $0x80, $0x38;
	[tilespmem:$0x4400] =	vst v63  }
0x34e: {  	s28 =	sor.u32 $0x1800, s26;
	s29 =	sadd.s32 $0x2F0, s25  }
0x34f: {  	[hbm4b:s29+s3] =	stream.linear.scatter [tilespmem:s28], [sflag:$0x1], $0x80, $0x38;
	[tilespmem:$0x4400] =	vst v63  }
0x350: {  	s28 =	sor.u32 $0x1C00, s26;
	s29 =	sadd.s32 $0x370, s25  }
0x351: {  	[hbm4b:s29+s3] =	stream.linear.scatter [tilespmem:s28], [sflag:$0x1], $0x80, $0x38;
	[tilespmem:$0x4400] =	vst v63  }
0x352: {  	s26 =	sadd.s32 $0x2000, s26;
	s25 =	sadd.s32 $0x3F0, s25  }
0x353: {  	[hbm4b:s25+s3] =	stream.linear.scatter [tilespmem:s26], [sflag:$0x1], $0x80, $0x38;
	[tilespmem:$0x4400] =	vst v63  }
0x354: {  	s26 =	spop (v2sf)  }
0x355: {  	s28 =	sshll.u32 s26, $0xA;
	s25 =	sshll.u32 s26, $0x7  }
0x356: {  	s26 =	sand.u32 $0xFFFFE000, s28;
	s25 =	sand.u32 $0x380, s25  }
0x357: {  	s26 =	sor.u32 s25, s26  }
0x358: {  	s25 =	sadd.s32 s23, s31;
	s29 =	sor.u32 $0x400, s26  }
0x359: {  	(v2sf) =	vpush v0, $0x9;
	[hbm4b:s25+s3] =	stream.linear.scatter [tilespmem:s29], [sflag:$0x1], $0x80, $0x38;
	[tilespmem:$0x4400] =	vst v63  }
0x35a: {  	s28 =	sor.u32 $0x800, s26;
	s29 =	sadd.s32 $0x80, s25  }
0x35b: {  	[hbm4b:s29+s3] =	stream.linear.scatter [tilespmem:s28], [sflag:$0x1], $0x80, $0x38;
	[tilespmem:$0x4400] =	vst v63  }
0x35c: {  	s28 =	sor.u32 $0xC00, s26;
	s29 =	sadd.s32 $0x100, s25  }
0x35d: {  	[hbm4b:s29+s3] =	stream.linear.scatter [tilespmem:s28], [sflag:$0x1], $0x80, $0x38;
	[tilespmem:$0x4400] =	vst v63  }
0x35e: {  	s28 =	sor.u32 $0x1000, s26;
	s29 =	sadd.s32 $0x180, s25  }
0x35f: {  	[hbm4b:s29+s3] =	stream.linear.scatter [tilespmem:s28], [sflag:$0x1], $0x80, $0x38;
	[tilespmem:$0x4400] =	vst v63  }
0x360: {  	s28 =	sor.u32 $0x1400, s26;
	s29 =	sadd.s32 $0x200, s25  }
0x361: {  	[hbm4b:s29+s3] =	stream.linear.scatter [tilespmem:s28], [sflag:$0x1], $0x80, $0x38;
	[tilespmem:$0x4400] =	vst v63  }
0x362: {  	s28 =	sor.u32 $0x1800, s26;
	s29 =	sadd.s32 $0x280, s25  }
0x363: {  	[hbm4b:s29+s3] =	stream.linear.scatter [tilespmem:s28], [sflag:$0x1], $0x80, $0x38;
	[tilespmem:$0x4400] =	vst v63  }
0x364: {  	s28 =	sor.u32 $0x1C00, s26;
	s29 =	sadd.s32 $0x300, s25  }
0x365: {  	[hbm4b:s29+s3] =	stream.linear.scatter [tilespmem:s28], [sflag:$0x1], $0x80, $0x38;
	[tilespmem:$0x4400] =	vst v63  }
0x366: {  	s26 =	sadd.s32 $0x2000, s26;
	s29 =	sadd.s32 $0x380, s25  }
0x367: {  	[hbm4b:s29+s3] =	stream.linear.scatter [tilespmem:s26], [sflag:$0x1], $0x80, $0x38;
	[tilespmem:$0x4400] =	vst v63  }
0x368: {  	s26 =	spop (v2sf)  }
0x369: {  	s29 =	sshll.u32 s26, $0xA;
	s26 =	sshll.u32 s26, $0x7  }
0x36a: {  	s28 =	sand.u32 $0xFFFFE000, s29;
	s26 =	sand.u32 $0x380, s26  }
0x36b: {  	s26 =	sor.u32 s26, s28  }
0x36c: {  	s28 =	sadd.s32 $0x10, s25;
	s29 =	sor.u32 $0x400, s26  }
0x36d: {  	(v2sf) =	vpush v0, $0xA;
	[hbm4b:s28+s3] =	stream.linear.scatter [tilespmem:s29], [sflag:$0x1], $0x80, $0x38;
	[tilespmem:$0x4400] =	vst v63  }
0x36e: {  	s28 =	sor.u32 $0x800, s26;
	s29 =	sadd.s32 $0x90, s25  }
0x36f: {  	[hbm4b:s29+s3] =	stream.linear.scatter [tilespmem:s28], [sflag:$0x1], $0x80, $0x38;
	[tilespmem:$0x4400] =	vst v63  }
0x370: {  	s28 =	sor.u32 $0xC00, s26;
	s29 =	sadd.s32 $0x110, s25  }
0x371: {  	[hbm4b:s29+s3] =	stream.linear.scatter [tilespmem:s28], [sflag:$0x1], $0x80, $0x38;
	[tilespmem:$0x4400] =	vst v63  }
0x372: {  	s28 =	sor.u32 $0x1000, s26;
	s29 =	sadd.s32 $0x190, s25  }
0x373: {  	[hbm4b:s29+s3] =	stream.linear.scatter [tilespmem:s28], [sflag:$0x1], $0x80, $0x38;
	[tilespmem:$0x4400] =	vst v63  }
0x374: {  	s28 =	sor.u32 $0x1400, s26;
	s29 =	sadd.s32 $0x210, s25  }
0x375: {  	[hbm4b:s29+s3] =	stream.linear.scatter [tilespmem:s28], [sflag:$0x1], $0x80, $0x38;
	[tilespmem:$0x4400] =	vst v63  }
0x376: {  	s28 =	sor.u32 $0x1800, s26;
	s29 =	sadd.s32 $0x290, s25  }
0x377: {  	[hbm4b:s29+s3] =	stream.linear.scatter [tilespmem:s28], [sflag:$0x1], $0x80, $0x38;
	[tilespmem:$0x4400] =	vst v63  }
0x378: {  	s28 =	sor.u32 $0x1C00, s26;
	s29 =	sadd.s32 $0x310, s25  }
0x379: {  	[hbm4b:s29+s3] =	stream.linear.scatter [tilespmem:s28], [sflag:$0x1], $0x80, $0x38;
	[tilespmem:$0x4400] =	vst v63  }
0x37a: {  	s26 =	sadd.s32 $0x2000, s26;
	s29 =	sadd.s32 $0x390, s25  }
0x37b: {  	[hbm4b:s29+s3] =	stream.linear.scatter [tilespmem:s26], [sflag:$0x1], $0x80, $0x38;
	[tilespmem:$0x4400] =	vst v63  }
0x37c: {  	s26 =	spop (v2sf)  }
0x37d: {  	s29 =	sshll.u32 s26, $0xA;
	s26 =	sshll.u32 s26, $0x7  }
0x37e: {  	s28 =	sand.u32 $0xFFFFE000, s29;
	s26 =	sand.u32 $0x380, s26  }
0x37f: {  	s26 =	sor.u32 s26, s28  }
0x380: {  	s28 =	sadd.s32 $0x20, s25;
	s29 =	sor.u32 $0x400, s26  }
0x381: {  	(v2sf) =	vpush v0, $0xB;
	[hbm4b:s28+s3] =	stream.linear.scatter [tilespmem:s29], [sflag:$0x1], $0x80, $0x38;
	[tilespmem:$0x4400] =	vst v63  }
0x382: {  	s28 =	sor.u32 $0x800, s26;
	s29 =	sadd.s32 $0xA0, s25  }
0x383: {  	[hbm4b:s29+s3] =	stream.linear.scatter [tilespmem:s28], [sflag:$0x1], $0x80, $0x38;
	[tilespmem:$0x4400] =	vst v63  }
0x384: {  	s28 =	sor.u32 $0xC00, s26;
	s29 =	sadd.s32 $0x120, s25  }
0x385: {  	[hbm4b:s29+s3] =	stream.linear.scatter [tilespmem:s28], [sflag:$0x1], $0x80, $0x38;
	[tilespmem:$0x4400] =	vst v63  }
0x386: {  	s28 =	sor.u32 $0x1000, s26;
	s29 =	sadd.s32 $0x1A0, s25  }
0x387: {  	[hbm4b:s29+s3] =	stream.linear.scatter [tilespmem:s28], [sflag:$0x1], $0x80, $0x38;
	[tilespmem:$0x4400] =	vst v63  }
0x388: {  	s28 =	sor.u32 $0x1400, s26;
	s29 =	sadd.s32 $0x220, s25  }
0x389: {  	[hbm4b:s29+s3] =	stream.linear.scatter [tilespmem:s28], [sflag:$0x1], $0x80, $0x38;
	[tilespmem:$0x4400] =	vst v63  }
0x38a: {  	s28 =	sor.u32 $0x1800, s26;
	s29 =	sadd.s32 $0x2A0, s25  }
0x38b: {  	[hbm4b:s29+s3] =	stream.linear.scatter [tilespmem:s28], [sflag:$0x1], $0x80, $0x38;
	[tilespmem:$0x4400] =	vst v63  }
0x38c: {  	s28 =	sor.u32 $0x1C00, s26;
	s29 =	sadd.s32 $0x320, s25  }
0x38d: {  	[hbm4b:s29+s3] =	stream.linear.scatter [tilespmem:s28], [sflag:$0x1], $0x80, $0x38;
	[tilespmem:$0x4400] =	vst v63  }
0x38e: {  	s26 =	sadd.s32 $0x2000, s26;
	s29 =	sadd.s32 $0x3A0, s25  }
0x38f: {  	[hbm4b:s29+s3] =	stream.linear.scatter [tilespmem:s26], [sflag:$0x1], $0x80, $0x38;
	[tilespmem:$0x4400] =	vst v63  }
0x390: {  	s26 =	spop (v2sf)  }
0x391: {  	s29 =	sshll.u32 s26, $0xA;
	s26 =	sshll.u32 s26, $0x7  }
0x392: {  	s28 =	sand.u32 $0xFFFFE000, s29;
	s26 =	sand.u32 $0x380, s26  }
0x393: {  	s26 =	sor.u32 s26, s28  }
0x394: {  	s28 =	sadd.s32 $0x30, s25;
	s29 =	sor.u32 $0x400, s26  }
0x395: {  	(v2sf) =	vpush v0, $0xC;
	[hbm4b:s28+s3] =	stream.linear.scatter [tilespmem:s29], [sflag:$0x1], $0x80, $0x38;
	[tilespmem:$0x4400] =	vst v63  }
0x396: {  	s28 =	sor.u32 $0x800, s26;
	s29 =	sadd.s32 $0xB0, s25  }
0x397: {  	[hbm4b:s29+s3] =	stream.linear.scatter [tilespmem:s28], [sflag:$0x1], $0x80, $0x38;
	[tilespmem:$0x4400] =	vst v63  }
0x398: {  	s28 =	sor.u32 $0xC00, s26;
	s29 =	sadd.s32 $0x130, s25  }
0x399: {  	[hbm4b:s29+s3] =	stream.linear.scatter [tilespmem:s28], [sflag:$0x1], $0x80, $0x38;
	[tilespmem:$0x4400] =	vst v63  }
0x39a: {  	s28 =	sor.u32 $0x1000, s26;
	s29 =	sadd.s32 $0x1B0, s25  }
0x39b: {  	[hbm4b:s29+s3] =	stream.linear.scatter [tilespmem:s28], [sflag:$0x1], $0x80, $0x38;
	[tilespmem:$0x4400] =	vst v63  }
0x39c: {  	s28 =	sor.u32 $0x1400, s26;
	s29 =	sadd.s32 $0x230, s25  }
0x39d: {  	[hbm4b:s29+s3] =	stream.linear.scatter [tilespmem:s28], [sflag:$0x1], $0x80, $0x38;
	[tilespmem:$0x4400] =	vst v63  }
0x39e: {  	s28 =	sor.u32 $0x1800, s26;
	s29 =	sadd.s32 $0x2B0, s25  }
0x39f: {  	[hbm4b:s29+s3] =	stream.linear.scatter [tilespmem:s28], [sflag:$0x1], $0x80, $0x38;
	[tilespmem:$0x4400] =	vst v63  }
0x3a0: {  	s28 =	sor.u32 $0x1C00, s26;
	s29 =	sadd.s32 $0x330, s25  }
0x3a1: {  	[hbm4b:s29+s3] =	stream.linear.scatter [tilespmem:s28], [sflag:$0x1], $0x80, $0x38;
	[tilespmem:$0x4400] =	vst v63  }
0x3a2: {  	s26 =	sadd.s32 $0x2000, s26;
	s29 =	sadd.s32 $0x3B0, s25  }
0x3a3: {  	[hbm4b:s29+s3] =	stream.linear.scatter [tilespmem:s26], [sflag:$0x1], $0x80, $0x38;
	[tilespmem:$0x4400] =	vst v63  }
0x3a4: {  	s26 =	spop (v2sf)  }
0x3a5: {  	s29 =	sshll.u32 s26, $0xA;
	s26 =	sshll.u32 s26, $0x7  }
0x3a6: {  	s28 =	sand.u32 $0xFFFFE000, s29;
	s26 =	sand.u32 $0x380, s26  }
0x3a7: {  	s26 =	sor.u32 s26, s28  }
0x3a8: {  	s28 =	sadd.s32 $0x40, s25;
	s29 =	sor.u32 $0x400, s26  }
0x3a9: {  	(v2sf) =	vpush v0, $0xD;
	[hbm4b:s28+s3] =	stream.linear.scatter [tilespmem:s29], [sflag:$0x1], $0x80, $0x38;
	[tilespmem:$0x4400] =	vst v63  }
0x3aa: {  	s28 =	sor.u32 $0x800, s26;
	s29 =	sadd.s32 $0xC0, s25  }
0x3ab: {  	[hbm4b:s29+s3] =	stream.linear.scatter [tilespmem:s28], [sflag:$0x1], $0x80, $0x38;
	[tilespmem:$0x4400] =	vst v63  }
0x3ac: {  	s28 =	sor.u32 $0xC00, s26;
	s29 =	sadd.s32 $0x140, s25  }
0x3ad: {  	[hbm4b:s29+s3] =	stream.linear.scatter [tilespmem:s28], [sflag:$0x1], $0x80, $0x38;
	[tilespmem:$0x4400] =	vst v63  }
0x3ae: {  	s28 =	sor.u32 $0x1000, s26;
	s29 =	sadd.s32 $0x1C0, s25  }
0x3af: {  	[hbm4b:s29+s3] =	stream.linear.scatter [tilespmem:s28], [sflag:$0x1], $0x80, $0x38;
	[tilespmem:$0x4400] =	vst v63  }
0x3b0: {  	s28 =	sor.u32 $0x1400, s26;
	s29 =	sadd.s32 $0x240, s25  }
0x3b1: {  	[hbm4b:s29+s3] =	stream.linear.scatter [tilespmem:s28], [sflag:$0x1], $0x80, $0x38;
	[tilespmem:$0x4400] =	vst v63  }
0x3b2: {  	s28 =	sor.u32 $0x1800, s26;
	s29 =	sadd.s32 $0x2C0, s25  }
0x3b3: {  	[hbm4b:s29+s3] =	stream.linear.scatter [tilespmem:s28], [sflag:$0x1], $0x80, $0x38;
	[tilespmem:$0x4400] =	vst v63  }
0x3b4: {  	s28 =	sor.u32 $0x1C00, s26;
	s29 =	sadd.s32 $0x340, s25  }
0x3b5: {  	[hbm4b:s29+s3] =	stream.linear.scatter [tilespmem:s28], [sflag:$0x1], $0x80, $0x38;
	[tilespmem:$0x4400] =	vst v63  }
0x3b6: {  	s26 =	sadd.s32 $0x2000, s26;
	s29 =	sadd.s32 $0x3C0, s25  }
0x3b7: {  	[hbm4b:s29+s3] =	stream.linear.scatter [tilespmem:s26], [sflag:$0x1], $0x80, $0x38;
	[tilespmem:$0x4400] =	vst v63  }
0x3b8: {  	s26 =	spop (v2sf)  }
0x3b9: {  	s29 =	sshll.u32 s26, $0xA;
	s26 =	sshll.u32 s26, $0x7  }
0x3ba: {  	s28 =	sand.u32 $0xFFFFE000, s29;
	s26 =	sand.u32 $0x380, s26  }
0x3bb: {  	s26 =	sor.u32 s26, s28  }
0x3bc: {  	s28 =	sadd.s32 $0x50, s25;
	s29 =	sor.u32 $0x400, s26  }
0x3bd: {  	(v2sf) =	vpush v0, $0xE;
	[hbm4b:s28+s3] =	stream.linear.scatter [tilespmem:s29], [sflag:$0x1], $0x80, $0x38;
	[tilespmem:$0x4400] =	vst v63  }
0x3be: {  	s28 =	sor.u32 $0x800, s26;
	s29 =	sadd.s32 $0xD0, s25  }
0x3bf: {  	[hbm4b:s29+s3] =	stream.linear.scatter [tilespmem:s28], [sflag:$0x1], $0x80, $0x38;
	[tilespmem:$0x4400] =	vst v63  }
0x3c0: {  	s28 =	sor.u32 $0xC00, s26;
	s29 =	sadd.s32 $0x150, s25  }
0x3c1: {  	[hbm4b:s29+s3] =	stream.linear.scatter [tilespmem:s28], [sflag:$0x1], $0x80, $0x38;
	[tilespmem:$0x4400] =	vst v63  }
0x3c2: {  	s28 =	sor.u32 $0x1000, s26;
	s29 =	sadd.s32 $0x1D0, s25  }
0x3c3: {  	[hbm4b:s29+s3] =	stream.linear.scatter [tilespmem:s28], [sflag:$0x1], $0x80, $0x38;
	[tilespmem:$0x4400] =	vst v63  }
0x3c4: {  	s28 =	sor.u32 $0x1400, s26;
	s29 =	sadd.s32 $0x250, s25  }
0x3c5: {  	[hbm4b:s29+s3] =	stream.linear.scatter [tilespmem:s28], [sflag:$0x1], $0x80, $0x38;
	[tilespmem:$0x4400] =	vst v63  }
0x3c6: {  	s28 =	sor.u32 $0x1800, s26;
	s29 =	sadd.s32 $0x2D0, s25  }
0x3c7: {  	[hbm4b:s29+s3] =	stream.linear.scatter [tilespmem:s28], [sflag:$0x1], $0x80, $0x38;
	[tilespmem:$0x4400] =	vst v63  }
0x3c8: {  	s28 =	sor.u32 $0x1C00, s26;
	s29 =	sadd.s32 $0x350, s25  }
0x3c9: {  	[hbm4b:s29+s3] =	stream.linear.scatter [tilespmem:s28], [sflag:$0x1], $0x80, $0x38;
	[tilespmem:$0x4400] =	vst v63  }
0x3ca: {  	s26 =	sadd.s32 $0x2000, s26;
	s29 =	sadd.s32 $0x3D0, s25  }
0x3cb: {  	[hbm4b:s29+s3] =	stream.linear.scatter [tilespmem:s26], [sflag:$0x1], $0x80, $0x38;
	[tilespmem:$0x4400] =	vst v63  }
0x3cc: {  	s26 =	spop (v2sf)  }
0x3cd: {  	s29 =	sshll.u32 s26, $0xA;
	s26 =	sshll.u32 s26, $0x7  }
0x3ce: {  	s28 =	sand.u32 $0xFFFFE000, s29;
	s26 =	sand.u32 $0x380, s26  }
0x3cf: {  	s26 =	sor.u32 s26, s28  }
0x3d0: {  	s28 =	sadd.s32 $0x60, s25;
	s29 =	sor.u32 $0x400, s26  }
0x3d1: {  	(v2sf) =	vpush v0, $0xF;
	[hbm4b:s28+s3] =	stream.linear.scatter [tilespmem:s29], [sflag:$0x1], $0x80, $0x38;
	[tilespmem:$0x4400] =	vst v63  }
0x3d2: {  	s28 =	sor.u32 $0x800, s26;
	s29 =	sadd.s32 $0xE0, s25  }
0x3d3: {  	[hbm4b:s29+s3] =	stream.linear.scatter [tilespmem:s28], [sflag:$0x1], $0x80, $0x38;
	[tilespmem:$0x4400] =	vst v63  }
0x3d4: {  	s28 =	sor.u32 $0xC00, s26;
	s29 =	sadd.s32 $0x160, s25  }
0x3d5: {  	[hbm4b:s29+s3] =	stream.linear.scatter [tilespmem:s28], [sflag:$0x1], $0x80, $0x38;
	[tilespmem:$0x4400] =	vst v63  }
0x3d6: {  	s28 =	sor.u32 $0x1000, s26;
	s29 =	sadd.s32 $0x1E0, s25  }
0x3d7: {  	[hbm4b:s29+s3] =	stream.linear.scatter [tilespmem:s28], [sflag:$0x1], $0x80, $0x38;
	[tilespmem:$0x4400] =	vst v63  }
0x3d8: {  	s28 =	sor.u32 $0x1400, s26;
	s29 =	sadd.s32 $0x260, s25  }
0x3d9: {  	[hbm4b:s29+s3] =	stream.linear.scatter [tilespmem:s28], [sflag:$0x1], $0x80, $0x38;
	[tilespmem:$0x4400] =	vst v63  }
0x3da: {  	s28 =	sor.u32 $0x1800, s26;
	s29 =	sadd.s32 $0x2E0, s25  }
0x3db: {  	[hbm4b:s29+s3] =	stream.linear.scatter [tilespmem:s28], [sflag:$0x1], $0x80, $0x38;
	[tilespmem:$0x4400] =	vst v63  }
0x3dc: {  	s28 =	sor.u32 $0x1C00, s26;
	s29 =	sadd.s32 $0x360, s25  }
0x3dd: {  	[hbm4b:s29+s3] =	stream.linear.scatter [tilespmem:s28], [sflag:$0x1], $0x80, $0x38;
	[tilespmem:$0x4400] =	vst v63  }
0x3de: {  	s26 =	sadd.s32 $0x2000, s26;
	s29 =	sadd.s32 $0x3E0, s25  }
0x3df: {  	[hbm4b:s29+s3] =	stream.linear.scatter [tilespmem:s26], [sflag:$0x1], $0x80, $0x38;
	[tilespmem:$0x4400] =	vst v63  }
0x3e0: {  	s26 =	spop (v2sf)  }
0x3e1: {  	s29 =	sshll.u32 s26, $0xA;
	s26 =	sshll.u32 s26, $0x7  }
0x3e2: {  	s28 =	sand.u32 $0xFFFFE000, s29;
	s26 =	sand.u32 $0x380, s26  }
0x3e3: {  	s26 =	sor.u32 s26, s28  }
0x3e4: {  	s28 =	sadd.s32 $0x70, s25;
	s29 =	sor.u32 $0x400, s26  }
0x3e5: {  	[hbm4b:s28+s3] =	stream.linear.scatter [tilespmem:s29], [sflag:$0x1], $0x80, $0x38;
	[tilespmem:$0x4400] =	vst v63  }
0x3e6: {  	s28 =	sor.u32 $0x800, s26;
	s29 =	sadd.s32 $0xF0, s25  }
0x3e7: {  	[hbm4b:s29+s3] =	stream.linear.scatter [tilespmem:s28], [sflag:$0x1], $0x80, $0x38;
	[tilespmem:$0x4400] =	vst v63  }
0x3e8: {  	s28 =	sor.u32 $0xC00, s26;
	s29 =	sadd.s32 $0x170, s25  }
0x3e9: {  	[hbm4b:s29+s3] =	stream.linear.scatter [tilespmem:s28], [sflag:$0x1], $0x80, $0x38;
	[tilespmem:$0x4400] =	vst v63  }
0x3ea: {  	s28 =	sor.u32 $0x1000, s26;
	s29 =	sadd.s32 $0x1F0, s25  }
0x3eb: {  	[hbm4b:s29+s3] =	stream.linear.scatter [tilespmem:s28], [sflag:$0x1], $0x80, $0x38;
	[tilespmem:$0x4400] =	vst v63  }
0x3ec: {  	s28 =	sor.u32 $0x1400, s26;
	s29 =	sadd.s32 $0x270, s25  }
0x3ed: {  	[hbm4b:s29+s3] =	stream.linear.scatter [tilespmem:s28], [sflag:$0x1], $0x80, $0x38;
	[tilespmem:$0x4400] =	vst v63  }
0x3ee: {  	s28 =	sor.u32 $0x1800, s26;
	s29 =	sadd.s32 $0x2F0, s25  }
0x3ef: {  	[hbm4b:s29+s3] =	stream.linear.scatter [tilespmem:s28], [sflag:$0x1], $0x80, $0x38;
	[tilespmem:$0x4400] =	vst v63  }
.Ltmp5:
0x3f0: {  	_ = 	snop;
	(pc) =	sbr.rel .LBB2_4-.Ltmp5, $4  }
0x3f1: {  	s28 =	sor.u32 $0x1C00, s26;
	s29 =	sadd.s32 $0x370, s25  }
0x3f2: {  	[hbm4b:s29+s3] =	stream.linear.scatter [tilespmem:s28], [sflag:$0x1], $0x80, $0x38;
	[tilespmem:$0x4400] =	vst v63  }
0x3f3: {  	s26 =	sadd.s32 $0x2000, s26;
	s25 =	sadd.s32 $0x3F0, s25  }
0x3f4: {  	[hbm4b:s25+s3] =	stream.linear.scatter [tilespmem:s26], [sflag:$0x1], $0x80, $0x38;
	[tilespmem:$0x4400] =	vst v63  }
.LBB2_6:
0x3f5: {  	_ =	sfence.sel $0x180000  }
0x3f6: {  	[bflag:$0x0] =	sbarrier.arrive $0xFFFF  }
0x3f7: {  	_ =	strace $0x90000047  }
0x3f8: {  	s0 =	stileid.u32;
	[bflag:$0x2] =	sbarrier.arrive $0xFFFF  }
0x3f9: {  	p0 =	sne.s32 s0, $0x0;
	s0 =	rddreg [dreg:$0x3]  }
0x3fa: {  	s0 =	sadd.s32 @!p0 $0x100000, s0  }
0x3fb: {  	[sflag:s0] =	ssyncadd.tile.s32 @!p0 $0x1;
	_ =	shalt  }
.Lfunc_end2:
_tile_overlayer_lowered:
.L_overlay_start_2:
0x3fc: {  	(tag) =	ssettag $0x2  }
0x3fd: {  	s0 =	rddreg [dreg:$0x0];
	s2 =	stileid.u32  }
0x3fe: {  	s1 =	rddreg [dreg:$0x1];
	p0 =	sne.s32 s2, $0x0  }
0x3ff: {  	s3 =	rddreg [dreg:$0x2];
	[bflag:$0x3] =	sbarrier.arrive $0xFFFF;
	s2 =	simm.s32 @!p0 $0x1C03  }
0x400: {  	[timem:s3], [sflag:s2] =	dma.local @!p0 [hbm:s0], s1  }
0x401: {  	s0 =	simm.s32 @!p0 $0x3  }
0x402: {  	_ =	swait.ge @!p0 [sflag:s0], s1  }
0x403: {  	s1 =	ssub.s32 @!p0 $0x0, s1;
	[sflag:s0] =	ssyncset.done @!p0 $0x0  }
0x404: {  	[sflag:s0] =	ssyncadd.s32 @!p0 s1  }
0x405: {  	[bflag:$0x3] =	sbarrier.arrive $0xFFFF  }
0x406: {  	_ =	shalt  }

</sc_bundles>
